<compile_context>
chip_gen: v7x
topology: tpu7x:2x2x1
jax: 0.10.2.dev20260603
libtpu: 0.0.44.dev20260713+nightly
codegen_flags: <defaults>
</compile_context>

<pallas_src>
import jax
import jax.numpy as jnp
from jax.experimental import pallas as pl
from jax.experimental.pallas import tpu as pltpu

_B = 4
_NC = 16
_IMG = 320
_HM = 32
_WM = 32
_K = 256
_ACS = 8
_SLOPE = 5.0
_KH = 5
_KW = 5
_C = 2 * _NC
_TH = 32
_NS = _IMG // _TH
_HPAD = _IMG + 4
_KDIM = _KH * _KW * _C
_RU = 32


def _mask_kernel(mi_ref, cw_ref, bm_ref, adj_ref):
    w = cw_ref[...]
    col = jax.lax.broadcasted_iota(jnp.int32, (_HM, _WM), 1)
    acs_lo = _WM // 2 - _ACS // 2
    acs_hi = _WM // 2 + _ACS // 2 + 1
    w = jnp.where((col >= acs_lo) & (col < acs_hi), jnp.float32(1.0e7), w)
    mi = mi_ref[...].reshape(_B, 1, 1)
    sig = jax.nn.sigmoid(mi * w[None, :, :])
    bits = jax.lax.bitcast_convert_type(sig, jnp.int32)

    def step(_, lohi):
        lo, hi = lohi
        mid = lo + (hi - lo + 1) // 2
        cnt = jnp.sum((bits >= mid).astype(jnp.int32), axis=(1, 2),
                      keepdims=True)
        ge = cnt >= _K
        return jnp.where(ge, mid, lo), jnp.where(ge, hi, mid - 1)

    lo0 = jnp.zeros((_B, 1, 1), jnp.int32)
    hi0 = jnp.full((_B, 1, 1), 0x7F800000, jnp.int32)
    lo, _ = jax.lax.fori_loop(0, 31, step, (lo0, hi0))
    comp = bits >= lo
    wta = jnp.where(comp, sig, jnp.float32(0.0))
    p = jax.nn.sigmoid(_SLOPE * wta)
    hard = (p > 0.5).astype(jnp.float32)
    bm = p + (hard - p)
    bm_ref[...] = bm.reshape(_B, 1, _HM, _WM)
    reps_w = _IMG // _WM
    reps_h = _IMG // _HM
    a = jnp.broadcast_to(bm[:, :, None, :], (_B, _HM, reps_w, _WM))
    a = a.reshape(_B, _HM, _IMG)
    adj = jnp.broadcast_to(a[:, None, :, :], (_B, reps_h, _HM, _IMG))
    adj_ref[...] = adj.reshape(_B, _IMG, _IMG)


def _conv_kernel(xT_ref, adj_ref, wl1_ref, wl2_ref, out_ref,
                 mx, k1, xbig, oslab, insem, outsem):
    b = pl.program_id(0)
    cp_in = pltpu.make_async_copy(xT_ref.at[b], mx.at[pl.ds(2, _IMG)], insem)
    cp_in.start()
    zrow = jnp.zeros((2, _C, _IMG), jnp.bfloat16)
    mx[0:2] = zrow
    mx[_IMG + 2:_HPAD] = zrow
    k1[0:2] = zrow
    k1[_IMG + 2:_HPAD] = zrow
    cp_in.wait()

    def mask_chunk(i, _):
        rows = adj_ref[0, pl.ds(i * _TH, _TH), :].astype(jnp.bfloat16)
        mx[pl.ds(2 + i * _TH, _TH)] = (
            mx[pl.ds(2 + i * _TH, _TH)] * rows[:, None, :])
        return 0
    jax.lax.fori_loop(0, _NS, mask_chunk, 0)

    def conv_pass(src, wl_ref, is_pass2):
        wl = wl_ref[...]

        def slab_body(s, _):
            h0 = s * _TH
            for dw in range(_KW):
                sh = 2 - dw
                c0 = dw * _C
                if sh > 0:
                    xbig[:, c0:c0 + _C, sh:] = (
                        src[pl.ds(h0, _TH + 4), :, :_IMG - sh])
                    xbig[:, c0:c0 + _C, :sh] = jnp.zeros(
                        (_TH + 4, _C, sh), jnp.bfloat16)
                elif sh < 0:
                    xbig[:, c0:c0 + _C, :sh] = (
                        src[pl.ds(h0, _TH + 4), :, -sh:])
                    xbig[:, c0:c0 + _C, sh:] = jnp.zeros(
                        (_TH + 4, _C, -sh), jnp.bfloat16)
                else:
                    xbig[:, c0:c0 + _C, :] = src[pl.ds(h0, _TH + 4)]

            def row_body(rq, _):
                for k in range(_RU):
                    r = rq * _RU + k
                    xs = xbig[pl.ds(r, _KH)].reshape(_KDIM, _IMG)
                    y = jax.lax.dot_general(
                        wl, xs, (((1,), (0,)), ((), ())),
                        preferred_element_type=jnp.float32)
                    h = h0 + r
                    mrow = adj_ref[0, h, :]
                    if is_pass2:
                        oslab[r] = jnp.where(
                            mrow[None, :] == 1.0,
                            src[h + 2].astype(jnp.float32), y)
                    else:
                        k1[h + 2] = jnp.where(
                            mrow[None, :] == 1.0,
                            src[h + 2], y.astype(jnp.bfloat16))
                return 0
            jax.lax.fori_loop(0, _TH // _RU, row_body, 0)

            if is_pass2:
                cp_out = pltpu.make_async_copy(
                    oslab, out_ref.at[b, pl.ds(h0, _TH)], outsem)
                cp_out.start()
                cp_out.wait()
            return 0
        jax.lax.fori_loop(0, _NS, slab_body, 0)

    conv_pass(mx, wl1_ref, False)
    conv_pass(k1, wl2_ref, True)


def _build_wl(wr, wi):
    wrz = wr.at[:, :, _KH // 2, _KW // 2].set(0.0)
    wiz = wi.at[:, :, _KH // 2, _KW // 2].set(0.0)
    top = jnp.concatenate([wrz, -wiz], axis=1)
    bot = jnp.concatenate([wiz, wrz], axis=1)
    wfull = jnp.concatenate([top, bot], axis=0)
    return wfull.transpose(0, 2, 3, 1).reshape(_C, _KDIM)


def kernel(x, my_input_1, conv_mask_w, wr0, wi0, wr1, wi1):
    bm, adj = pl.pallas_call(
        _mask_kernel,
        out_shape=(
            jax.ShapeDtypeStruct((_B, 1, _HM, _WM), jnp.float32),
            jax.ShapeDtypeStruct((_B, _IMG, _IMG), jnp.float32),
        ),
    )(my_input_1.reshape(_B, 1), conv_mask_w.reshape(_HM, _WM))

    wl1 = _build_wl(wr0, wi0).astype(jnp.bfloat16)
    wl2 = _build_wl(wr1, wi1).astype(jnp.bfloat16)
    xc = jnp.concatenate([x[..., 0], x[..., 1]], axis=1)
    xT = xc.transpose(0, 2, 1, 3).astype(jnp.bfloat16)

    k2T = pl.pallas_call(
        _conv_kernel,
        grid=(_B,),
        in_specs=[
            pl.BlockSpec(memory_space=pl.ANY),
            pl.BlockSpec((1, _IMG, _IMG), lambda b: (b, 0, 0)),
            pl.BlockSpec((_C, _KDIM), lambda b: (0, 0)),
            pl.BlockSpec((_C, _KDIM), lambda b: (0, 0)),
        ],
        out_specs=pl.BlockSpec(memory_space=pl.ANY),
        out_shape=jax.ShapeDtypeStruct((_B, _IMG, _C, _IMG), jnp.float32),
        scratch_shapes=[
            pltpu.VMEM((_HPAD, _C, _IMG), jnp.bfloat16),
            pltpu.VMEM((_HPAD, _C, _IMG), jnp.bfloat16),
            pltpu.VMEM((_TH + 4, _KW * _C, _IMG), jnp.bfloat16),
            pltpu.VMEM((_TH, _C, _IMG), jnp.float32),
            pltpu.SemaphoreType.DMA,
            pltpu.SemaphoreType.DMA,
        ],
    )(xT, adj, wl1, wl2)

    kc = k2T.transpose(0, 2, 1, 3)
    kspace_pred = jnp.stack([kc[:, :_NC], kc[:, _NC:]], axis=-1)
    return kspace_pred, adj.reshape(_B, 1, _IMG, _IMG), bm

# --- scband reference (transcript-rebuilt; emitter-appended) ---
"""Pipeline reference for scband-net-71631464563168 (READ-ONLY COPY).

The authoritative reference and input builder live on the scoring server;
editing this copy changes nothing except your own understanding.
"""

import jax, jax.numpy as jnp
import numpy as np

B = 4
NC = 16
IMG = 320
HM = 32
WM = 32
ACC = 0.25
K = 256  # ceil(HM*WM * (IMG*IMG*ACC) / (IMG*IMG)) = ceil(1024*0.25)
ACS = 8  # int(acs_full * acc) = int(32*0.25)
SLOPE = 5.0
KH = 5
KW = 5


def setup_inputs(seed: int = 0) -> dict:
    key = jax.random.key(seed)
    ks = jax.random.split(key, 8)
    x = jax.random.normal(ks[0], (B, NC, IMG, IMG, 2), dtype=jnp.float32)
    my_input_1 = jnp.ones((B, 1, 1, 1), dtype=jnp.float32)
    # ConvTranspose2d(1,1,(HM,WM)) weight, shape [in=1, out=1, HM, WM]
    conv_mask_w = jax.random.normal(ks[1], (1, 1, HM, WM), dtype=jnp.float32) * 0.05
    # SPIRiT complex conv weights for 2 stacked blocks: conv_r / conv_i, [out=NC, in=NC, KH, KW]
    wr0 = jax.random.normal(ks[2], (NC, NC, KH, KW), dtype=jnp.float32) * 0.02
    wi0 = jax.random.normal(ks[3], (NC, NC, KH, KW), dtype=jnp.float32) * 0.02
    wr1 = jax.random.normal(ks[4], (NC, NC, KH, KW), dtype=jnp.float32) * 0.02
    wi1 = jax.random.normal(ks[5], (NC, NC, KH, KW), dtype=jnp.float32) * 0.02
    return {"x": x, "my_input_1": my_input_1, "conv_mask_w": conv_mask_w,
            "wr0": wr0, "wi0": wi0, "wr1": wr1, "wi1": wi1}


def _conv(a, w):
    return jax.lax.conv_general_dilated(
        a, w, window_strides=(1, 1),
        padding=[(KH // 2, KH // 2), (KW // 2, KW // 2)],
        dimension_numbers=("NCHW", "OIHW", "NCHW"))


def reference(x, my_input_1, conv_mask_w, wr0, wi0, wr1, wi1):
    # Conv_Mask: ACS columns forced to 1e7 (acs_type='column'); transposed conv from 1x1 input
    w = conv_mask_w.at[:, :, :, WM // 2 - ACS // 2: WM // 2 + ACS // 2 + 1].set(1.0e7)
    sig = jax.nn.sigmoid(my_input_1 * w)  # [B,1,HM,WM]
    # GaussianNoise is identity in eval mode
    b = sig.shape[0]
    x2 = sig.reshape(b, -1)
    # Sparsify1D_kactiveIOnline: per-row top-k threshold masking
    topval = jax.lax.top_k(x2, K)[0][:, -1:]
    comp = (x2 >= topval).astype(x2.dtype)
    wta = (comp * x2).reshape(sig.shape)
    # DeterministicBinaryActivation (ST estimator): hard threshold of sigmoid(slope*x)
    p = jax.nn.sigmoid(SLOPE * wta)
    hard = (p > 0.5).astype(p.dtype)
    binary_mask = p + jax.lax.stop_gradient(hard - p)  # [B,1,HM,WM]
    reps_h = -(-IMG // HM)
    reps_w = -(-IMG // WM)
    binary_mask_adj = jnp.tile(binary_mask, (1, 1, reps_h, reps_w))[:, :, :IMG, :IMG]
    mask = jnp.stack((binary_mask_adj, binary_mask_adj), axis=-1)  # [B,1,IMG,IMG,2]
    masked_kspace = mask * x  # broadcast over coil dim
    # stackSpirit: data-consistency blocks with zero-center complex convs
    kspace_pred = masked_kspace
    for (wr, wi) in ((wr0, wi0), (wr1, wi1)):
        wr = wr.at[:, :, KH // 2, KW // 2].set(0.0)
        wi = wi.at[:, :, KH // 2, KW // 2].set(0.0)
        xr = kspace_pred[..., 0]
        xi = kspace_pred[..., 1]
        yr = _conv(xr, wr) - _conv(xi, wi)
        yi = _conv(xi, wr) + _conv(xr, wi)
        s = jnp.stack((yr, yi), axis=-1)
        kspace_pred = s * (1.0 - mask) + masked_kspace * mask
    return (kspace_pred, binary_mask_adj, binary_mask)

if __name__ == "__main__":
    import jax
    _d = setup_inputs()
    print(jax.jit(kernel)(*tuple(_d.values())))

</pallas_src>

<mosaic_0001>
module attributes {stable_mosaic.version = 14 : i64} {
  func.func @_mask_kernel(%arg0: memref<4x1xf32, #tpu.memory_space<vmem>>, %arg1: memref<32x32xf32, #tpu.memory_space<vmem>>, %arg2: memref<4x1x32x32xf32, #tpu.memory_space<vmem>>, %arg3: memref<4x320x320xf32, #tpu.memory_space<vmem>>) attributes {dimension_semantics = [], scalar_prefetch = 0 : i64, scratch_operands = 0 : i64, tpu.core_type = #tpu.core_type<tc>} {
    %get3A = arith.constant 0 : index
    %get3A_0 = arith.constant 0 : index
    %get3A_1 = vector.load %arg1[%get3A, %get3A_0] : memref<32x32xf32, #tpu.memory_space<vmem>>, vector<32x32xf32>
    %iota3A = tpu.iota {dimensions = array<i32: 1>} : vector<32x32xi32>
    %ge3A = arith.constant 12 : i32
    %ge3A_2 = vector.broadcast %ge3A : i32 to vector<32x32xi32>
    %ge3A_3 = arith.cmpi sge, %iota3A, %ge3A_2 : vector<32x32xi32>
    %lt3A = arith.constant 21 : i32
    %lt3A_4 = vector.broadcast %lt3A : i32 to vector<32x32xi32>
    %lt3A_5 = arith.cmpi slt, %iota3A, %lt3A_4 : vector<32x32xi32>
    %and3A = arith.andi %ge3A_3, %lt3A_5 : vector<32x32xi1>
    %jit3A = arith.constant 1.000000e+07 : f32
    %broadcast_in_dim3A = vector.broadcast %jit3A : f32 to vector<32x32xf32>
    %select_n3A = arith.select %and3A, %broadcast_in_dim3A, %get3A_1 : vector<32x32xi1>, vector<32x32xf32>
    %get3A_6 = arith.constant 0 : index
    %get3A_7 = arith.constant 0 : index
    %get3A_8 = vector.load %arg0[%get3A_6, %get3A_7] : memref<4x1xf32, #tpu.memory_space<vmem>>, vector<4x1xf32>
    %reshape3A = vector.shape_cast %get3A_8 : vector<4x1xf32> to vector<4x1x1xf32>
    %broadcast_in_dim3A_9 = vector.shape_cast %select_n3A : vector<32x32xf32> to vector<1x32x32xf32>
    %mul3A = vector.broadcast %reshape3A : vector<4x1x1xf32> to vector<4x32x32xf32>
    %mul3A_10 = vector.broadcast %broadcast_in_dim3A_9 : vector<1x32x32xf32> to vector<4x32x32xf32>
    %mul3A_11 = arith.mulf %mul3A, %mul3A_10 : vector<4x32x32xf32>
    %logistic3A = arith.negf %mul3A_11 : vector<4x32x32xf32>
    %logistic3A_12 = math.exp %logistic3A : vector<4x32x32xf32>
    %logistic3A_13 = arith.constant 1.000000e+00 : f32
    %logistic3A_14 = vector.broadcast %logistic3A_13 : f32 to vector<4x32x32xf32>
    %logistic3A_15 = arith.addf %logistic3A_14, %logistic3A_12 : vector<4x32x32xf32>
    %logistic3A_16 = arith.divf %logistic3A_14, %logistic3A_15 : vector<4x32x32xf32>
    %bitcast_convert_type3A = tpu.bitcast %logistic3A_16 : vector<4x32x32xf32> -> vector<4x32x32xi32>
    %broadcast_in_dim3A_17 = arith.constant 0 : i32
    %broadcast_in_dim3A_18 = vector.broadcast %broadcast_in_dim3A_17 : i32 to vector<4x1x1xi32>
    %broadcast_in_dim3A_19 = arith.constant 2139095040 : i32
    %broadcast_in_dim3A_20 = vector.broadcast %broadcast_in_dim3A_19 : i32 to vector<4x1x1xi32>
    %scan3A = arith.constant 0 : i32
    %scan3A_21 = arith.constant 31 : i32
    %scan3A_22 = arith.addi %scan3A, %scan3A_21 : i32
    %scan3A_23 = arith.constant 1 : i32
    %scan3A_24:2 = scf.for %scan3A_59 = %scan3A to %scan3A_22 step %scan3A_23 iter_args(%scan3A_60 = %broadcast_in_dim3A_18, %scan3A_61 = %broadcast_in_dim3A_20) -> (vector<4x1x1xi32>, vector<4x1x1xi32>)  : i32 {
      %sub3A_62 = arith.subi %scan3A_61, %scan3A_60 : vector<4x1x1xi32>
      %add3A_63 = arith.constant 1 : i32
      %add3A_64 = vector.broadcast %add3A_63 : i32 to vector<4x1x1xi32>
      %add3A_65 = arith.addi %sub3A_62, %add3A_64 : vector<4x1x1xi32>
      %jit3A_66 = arith.constant 2 : i32
      %div3A = vector.broadcast %jit3A_66 : i32 to vector<4x1x1xi32>
      %div3A_67 = arith.divsi %add3A_65, %div3A : vector<4x1x1xi32>
      %sign3A = arith.constant 0 : i32
      %sign3A_68 = vector.broadcast %sign3A : i32 to vector<4x1x1xi32>
      %sign3A_69 = arith.cmpi sgt, %add3A_65, %sign3A_68 : vector<4x1x1xi32>
      %sign3A_70 = arith.extui %sign3A_69 : vector<4x1x1xi1> to vector<4x1x1xi32>
      %sign3A_71 = arith.constant 0 : i32
      %sign3A_72 = vector.broadcast %sign3A_71 : i32 to vector<4x1x1xi32>
      %sign3A_73 = arith.cmpi slt, %add3A_65, %sign3A_72 : vector<4x1x1xi32>
      %sign3A_74 = arith.extui %sign3A_73 : vector<4x1x1xi1> to vector<4x1x1xi32>
      %sign3A_75 = arith.subi %sign3A_70, %sign3A_74 : vector<4x1x1xi32>
      %sign3A_76 = arith.constant 0 : i32
      %sign3A_77 = arith.cmpi sgt, %jit3A_66, %sign3A_76 : i32
      %sign3A_78 = arith.extui %sign3A_77 : i1 to i32
      %sign3A_79 = arith.constant 0 : i32
      %sign3A_80 = arith.cmpi slt, %jit3A_66, %sign3A_79 : i32
      %sign3A_81 = arith.extui %sign3A_80 : i1 to i32
      %sign3A_82 = arith.subi %sign3A_78, %sign3A_81 : i32
      %ne3A = vector.broadcast %sign3A_82 : i32 to vector<4x1x1xi32>
      %ne3A_83 = arith.cmpi ne, %sign3A_75, %ne3A : vector<4x1x1xi32>
      %rem3A = vector.broadcast %jit3A_66 : i32 to vector<4x1x1xi32>
      %rem3A_84 = arith.remsi %add3A_65, %rem3A : vector<4x1x1xi32>
      %ne3A_85 = arith.constant 0 : i32
      %ne3A_86 = vector.broadcast %ne3A_85 : i32 to vector<4x1x1xi32>
      %ne3A_87 = arith.cmpi ne, %rem3A_84, %ne3A_86 : vector<4x1x1xi32>
      %and3A_88 = arith.andi %ne3A_83, %ne3A_87 : vector<4x1x1xi1>
      %sub3A_89 = arith.constant 1 : i32
      %sub3A_90 = vector.broadcast %sub3A_89 : i32 to vector<4x1x1xi32>
      %sub3A_91 = arith.subi %div3A_67, %sub3A_90 : vector<4x1x1xi32>
      %select_n3A_92 = arith.select %and3A_88, %sub3A_91, %div3A_67 : vector<4x1x1xi1>, vector<4x1x1xi32>
      %add3A_93 = arith.addi %scan3A_60, %select_n3A_92 : vector<4x1x1xi32>
      %ge3A_94 = vector.broadcast %add3A_93 : vector<4x1x1xi32> to vector<4x32x32xi32>
      %ge3A_95 = arith.cmpi sge, %bitcast_convert_type3A, %ge3A_94 : vector<4x32x32xi32>
      %convert_element_type3A_96 = arith.extui %ge3A_95 : vector<4x32x32xi1> to vector<4x32x32xi32>
      %reduce_sum3A = arith.constant dense<0> : vector<4xi32>
      %reduce_sum3A_97 = vector.multi_reduction <add>, %convert_element_type3A_96, %reduce_sum3A [1, 2] : vector<4x32x32xi32> to vector<4xi32>
      %broadcast_in_dim3A_98 = vector.shape_cast %reduce_sum3A_97 : vector<4xi32> to vector<4x1x1xi32>
      %ge3A_99 = arith.constant 256 : i32
      %ge3A_100 = vector.broadcast %ge3A_99 : i32 to vector<4x1x1xi32>
      %ge3A_101 = arith.cmpi sge, %broadcast_in_dim3A_98, %ge3A_100 : vector<4x1x1xi32>
      %select_n3A_102 = arith.select %ge3A_101, %add3A_93, %scan3A_60 : vector<4x1x1xi1>, vector<4x1x1xi32>
      %sub3A_103 = arith.constant 1 : i32
      %sub3A_104 = vector.broadcast %sub3A_103 : i32 to vector<4x1x1xi32>
      %sub3A_105 = arith.subi %add3A_93, %sub3A_104 : vector<4x1x1xi32>
      %select_n3A_106 = arith.select %ge3A_101, %scan3A_61, %sub3A_105 : vector<4x1x1xi1>, vector<4x1x1xi32>
      scf.yield %select_n3A_102, %select_n3A_106 : vector<4x1x1xi32>, vector<4x1x1xi32>
    }
    %ge3A_25 = vector.broadcast %scan3A_24#0 : vector<4x1x1xi32> to vector<4x32x32xi32>
    %ge3A_26 = arith.cmpi sge, %bitcast_convert_type3A, %ge3A_25 : vector<4x32x32xi32>
    %jit3A_27 = arith.constant 0.000000e+00 : f32
    %broadcast_in_dim3A_28 = vector.broadcast %jit3A_27 : f32 to vector<4x32x32xf32>
    %select_n3A_29 = arith.select %ge3A_26, %logistic3A_16, %broadcast_in_dim3A_28 : vector<4x32x32xi1>, vector<4x32x32xf32>
    %mul3A_30 = arith.constant 5.000000e+00 : f32
    %mul3A_31 = vector.broadcast %mul3A_30 : f32 to vector<4x32x32xf32>
    %mul3A_32 = arith.mulf %mul3A_31, %select_n3A_29 : vector<4x32x32xf32>
    %logistic3A_33 = arith.negf %mul3A_32 : vector<4x32x32xf32>
    %logistic3A_34 = math.exp %logistic3A_33 : vector<4x32x32xf32>
    %logistic3A_35 = arith.constant 1.000000e+00 : f32
    %logistic3A_36 = vector.broadcast %logistic3A_35 : f32 to vector<4x32x32xf32>
    %logistic3A_37 = arith.addf %logistic3A_36, %logistic3A_34 : vector<4x32x32xf32>
    %logistic3A_38 = arith.divf %logistic3A_36, %logistic3A_37 : vector<4x32x32xf32>
    %gt3A = arith.constant 5.000000e-01 : f32
    %gt3A_39 = vector.broadcast %gt3A : f32 to vector<4x32x32xf32>
    %gt3A_40 = arith.cmpf ogt, %logistic3A_38, %gt3A_39 : vector<4x32x32xf32>
    %convert_element_type3A = arith.extui %gt3A_40 : vector<4x32x32xi1> to vector<4x32x32xi32>
    %convert_element_type3A_41 = arith.sitofp %convert_element_type3A : vector<4x32x32xi32> to vector<4x32x32xf32>
    %sub3A = arith.subf %convert_element_type3A_41, %logistic3A_38 : vector<4x32x32xf32>
    %add3A = arith.addf %logistic3A_38, %sub3A : vector<4x32x32xf32>
    %reshape3A_42 = vector.shape_cast %add3A : vector<4x32x32xf32> to vector<4x1x32x32xf32>
    %swap3A = arith.constant 0 : index
    %swap3A_43 = arith.constant 0 : index
    %swap3A_44 = arith.constant 0 : index
    %swap3A_45 = arith.constant 0 : index
    %swap3A_46 = vector.load %arg2[%swap3A, %swap3A_43, %swap3A_44, %swap3A_45] : memref<4x1x32x32xf32, #tpu.memory_space<vmem>>, vector<4x1x32x32xf32>
    tpu.vector_store %arg2[%swap3A, %swap3A_43, %swap3A_44, %swap3A_45], %reshape3A_42 {strides = array<i32>} : memref<4x1x32x32xf32, #tpu.memory_space<vmem>>, vector<4x1x32x32xf32>,
    %broadcast_in_dim3A_47 = vector.shape_cast %add3A : vector<4x32x32xf32> to vector<4x32x1x32xf32>
    %broadcast_in_dim3A_48 = vector.shape_cast %broadcast_in_dim3A_47 : vector<4x32x1x32xf32> to vector<4x32x1x32xf32>
    %broadcast_in_dim3A_49 = vector.broadcast %broadcast_in_dim3A_48 : vector<4x32x1x32xf32> to vector<4x32x10x32xf32>
    %reshape3A_50 = vector.shape_cast %broadcast_in_dim3A_49 : vector<4x32x10x32xf32> to vector<4x32x320xf32>
    %broadcast_in_dim3A_51 = vector.shape_cast %reshape3A_50 : vector<4x32x320xf32> to vector<4x1x32x320xf32>
    %broadcast_in_dim3A_52 = vector.shape_cast %broadcast_in_dim3A_51 : vector<4x1x32x320xf32> to vector<4x1x32x320xf32>
    %broadcast_in_dim3A_53 = vector.broadcast %broadcast_in_dim3A_52 : vector<4x1x32x320xf32> to vector<4x10x32x320xf32>
    %reshape3A_54 = vector.shape_cast %broadcast_in_dim3A_53 : vector<4x10x32x320xf32> to vector<4x320x320xf32>
    %swap3A_55 = arith.constant 0 : index
    %swap3A_56 = arith.constant 0 : index
    %swap3A_57 = arith.constant 0 : index
    %swap3A_58 = vector.load %arg3[%swap3A_55, %swap3A_56, %swap3A_57] : memref<4x320x320xf32, #tpu.memory_space<vmem>>, vector<4x320x320xf32>
    tpu.vector_store %arg3[%swap3A_55, %swap3A_56, %swap3A_57], %reshape3A_54 {strides = array<i32>} : memref<4x320x320xf32, #tpu.memory_space<vmem>>, vector<4x320x320xf32>,
    return
  }
}

module attributes {stable_mosaic.version = 14 : i64} {
  func.func @_conv_kernel(%arg0: i32, %arg1: memref<4x320x32x320xbf16, #tpu.memory_space<any>>, %arg2: memref<1x320x320xf32, #tpu.memory_space<vmem>>, %arg3: memref<32x800xbf16, #tpu.memory_space<vmem>>, %arg4: memref<32x800xbf16, #tpu.memory_space<vmem>>, %arg5: memref<4x320x32x320xf32, #tpu.memory_space<any>>, %arg6: memref<324x32x320xbf16, #tpu.memory_space<vmem>>, %arg7: memref<324x32x320xbf16, #tpu.memory_space<vmem>>, %arg8: memref<36x160x320xbf16, #tpu.memory_space<vmem>>, %arg9: memref<32x32x320xf32, #tpu.memory_space<vmem>>, %arg10: memref<!tpu.dma_semaphore, #tpu.memory_space<semaphore_mem>>, %arg11: memref<!tpu.dma_semaphore, #tpu.memory_space<semaphore_mem>>) attributes {dimension_semantics = [#tpu.dimension_semantics<arbitrary>], iteration_bounds = array<i64: 4>, scalar_prefetch = 0 : i64, scratch_operands = 6 : i64, tpu.core_type = #tpu.core_type<tc>, window_params = [{}, {transform_indices = @transform_1, window_bounds = array<i64: 1, 320, 320>}, {pipeline_mode = #tpu.pipeline_mode<synchronous>, transform_indices = @transform_2, window_bounds = array<i64: 32, 800>}, {pipeline_mode = #tpu.pipeline_mode<synchronous>, transform_indices = @transform_3, window_bounds = array<i64: 32, 800>}, {}]} {
    %dma_start3A = arith.constant 2 : i32
    %dma_start3A_0 = arith.constant 0 : i32
    %dma_start3A_1 = arith.constant 0 : i32
    %dma_start3A_2 = tpu.memref_slice %arg6[%dma_start3A, %dma_start3A_0, %dma_start3A_1] : memref<324x32x320xbf16, #tpu.memory_space<vmem>> -> memref<320x32x320xbf16, #tpu.memory_space<vmem>>
    %dma_start3A_3 = arith.constant 0 : i32
    %dma_start3A_4 = arith.constant 0 : i32
    %dma_start3A_5 = arith.constant 0 : i32
    %dma_start3A_6 = tpu.memref_slice %arg1[%arg0, %dma_start3A_3, %dma_start3A_4, %dma_start3A_5] : memref<4x320x32x320xbf16, #tpu.memory_space<any>> -> memref<1x320x32x320xbf16, #tpu.memory_space<any>>
    %dma_start3A_7 = tpu.memref_squeeze %dma_start3A_6 : memref<1x320x32x320xbf16, #tpu.memory_space<any>> -> memref<320x32x320xbf16, #tpu.memory_space<any>>
    tpu.enqueue_dma source(%dma_start3A_7 : memref<320x32x320xbf16, #tpu.memory_space<any>>) target(%dma_start3A_2 : memref<320x32x320xbf16, #tpu.memory_space<vmem>>) target_semaphore(%arg10 : memref<!tpu.dma_semaphore, #tpu.memory_space<semaphore_mem>>)
    %broadcast_in_dim3A = arith.constant 0.000000e+00 : bf16
    %broadcast_in_dim3A_8 = vector.broadcast %broadcast_in_dim3A : bf16 to vector<2x32x320xbf16>
    %swap3A = arith.constant 0 : index
    %swap3A_9 = arith.constant 0 : index
    %swap3A_10 = arith.constant 0 : index
    %swap3A_11 = vector.load %arg6[%swap3A, %swap3A_9, %swap3A_10] : memref<324x32x320xbf16, #tpu.memory_space<vmem>>, vector<2x32x320xbf16>
    tpu.vector_store %arg6[%swap3A, %swap3A_9, %swap3A_10], %broadcast_in_dim3A_8 {strides = array<i32>} : memref<324x32x320xbf16, #tpu.memory_space<vmem>>, vector<2x32x320xbf16>,
    %swap3A_12 = arith.constant 322 : index
    %swap3A_13 = arith.constant 0 : index
    %swap3A_14 = arith.constant 0 : index
    %swap3A_15 = vector.load %arg6[%swap3A_12, %swap3A_13, %swap3A_14] : memref<324x32x320xbf16, #tpu.memory_space<vmem>>, vector<2x32x320xbf16>
    tpu.vector_store %arg6[%swap3A_12, %swap3A_13, %swap3A_14], %broadcast_in_dim3A_8 {strides = array<i32>} : memref<324x32x320xbf16, #tpu.memory_space<vmem>>, vector<2x32x320xbf16>,
    %swap3A_16 = arith.constant 0 : index
    %swap3A_17 = arith.constant 0 : index
    %swap3A_18 = arith.constant 0 : index
    %swap3A_19 = vector.load %arg7[%swap3A_16, %swap3A_17, %swap3A_18] : memref<324x32x320xbf16, #tpu.memory_space<vmem>>, vector<2x32x320xbf16>
    tpu.vector_store %arg7[%swap3A_16, %swap3A_17, %swap3A_18], %broadcast_in_dim3A_8 {strides = array<i32>} : memref<324x32x320xbf16, #tpu.memory_space<vmem>>, vector<2x32x320xbf16>,
    %swap3A_20 = arith.constant 322 : index
    %swap3A_21 = arith.constant 0 : index
    %swap3A_22 = arith.constant 0 : index
    %swap3A_23 = vector.load %arg7[%swap3A_20, %swap3A_21, %swap3A_22] : memref<324x32x320xbf16, #tpu.memory_space<vmem>>, vector<2x32x320xbf16>
    tpu.vector_store %arg7[%swap3A_20, %swap3A_21, %swap3A_22], %broadcast_in_dim3A_8 {strides = array<i32>} : memref<324x32x320xbf16, #tpu.memory_space<vmem>>, vector<2x32x320xbf16>,
    %dma_wait3A = arith.constant 2 : i32
    %dma_wait3A_24 = arith.constant 0 : i32
    %dma_wait3A_25 = arith.constant 0 : i32
    %dma_wait3A_26 = tpu.memref_slice %arg6[%dma_wait3A, %dma_wait3A_24, %dma_wait3A_25] : memref<324x32x320xbf16, #tpu.memory_space<vmem>> -> memref<320x32x320xbf16, #tpu.memory_space<vmem>>
    %dma_wait3A_27 = arith.constant 0 : i32
    %dma_wait3A_28 = arith.constant 0 : i32
    %dma_wait3A_29 = arith.constant 0 : i32
    %dma_wait3A_30 = tpu.memref_slice %arg1[%arg0, %dma_wait3A_27, %dma_wait3A_28, %dma_wait3A_29] : memref<4x320x32x320xbf16, #tpu.memory_space<any>> -> memref<1x320x32x320xbf16, #tpu.memory_space<any>>
    %dma_wait3A_31 = tpu.memref_squeeze %dma_wait3A_30 : memref<1x320x32x320xbf16, #tpu.memory_space<any>> -> memref<320x32x320xbf16, #tpu.memory_space<any>>
    tpu.wait_dma2 semaphore(%arg10 : memref<!tpu.dma_semaphore, #tpu.memory_space<semaphore_mem>>) src(%dma_wait3A_31 : memref<320x32x320xbf16, #tpu.memory_space<any>>) dst(%dma_wait3A_26 : memref<320x32x320xbf16, #tpu.memory_space<vmem>>)
    %scan3A = arith.constant 0 : i32
    %scan3A_32 = arith.constant 10 : i32
    %scan3A_33 = arith.addi %scan3A, %scan3A_32 : i32
    %scan3A_34 = arith.constant 1 : i32
    scf.for %scan3A_51 = %scan3A to %scan3A_33 step %scan3A_34  : i32 {
      %mul3A = arith.constant 32 : i32
      %mul3A_52 = arith.muli %scan3A_51, %mul3A : i32
      %get3A_53 = arith.constant 0 : index
      %get3A_54 = arith.index_cast %mul3A_52 : i32 to index
      %get3A_55 = arith.constant 0 : index
      %get3A_56 = vector.load %arg2[%get3A_53, %get3A_54, %get3A_55] : memref<1x320x320xf32, #tpu.memory_space<vmem>>, vector<1x32x320xf32>
      %get3A_57 = vector.shape_cast %get3A_56 : vector<1x32x320xf32> to vector<32x320xf32>
      %convert_element_type3A = arith.truncf %get3A_57 : vector<32x320xf32> to vector<32x320xbf16>
      %mul3A_58 = arith.constant 32 : i32
      %mul3A_59 = arith.muli %scan3A_51, %mul3A_58 : i32
      %add3A = arith.constant 2 : i32
      %add3A_60 = arith.addi %add3A, %mul3A_59 : i32
      %get3A_61 = arith.index_cast %add3A_60 : i32 to index
      %get3A_62 = arith.constant 0 : index
      %get3A_63 = arith.constant 0 : index
      %get3A_64 = vector.load %arg6[%get3A_61, %get3A_62, %get3A_63] : memref<324x32x320xbf16, #tpu.memory_space<vmem>>, vector<32x32x320xbf16>
      %broadcast_in_dim3A_65 = vector.shape_cast %convert_element_type3A : vector<32x320xbf16> to vector<32x1x320xbf16>
      %mul3A_66 = vector.broadcast %broadcast_in_dim3A_65 : vector<32x1x320xbf16> to vector<32x32x320xbf16>
      %mul3A_67 = arith.mulf %get3A_64, %mul3A_66 : vector<32x32x320xbf16>
      %mul3A_68 = arith.constant 32 : i32
      %mul3A_69 = arith.muli %scan3A_51, %mul3A_68 : i32
      %add3A_70 = arith.constant 2 : i32
      %add3A_71 = arith.addi %add3A_70, %mul3A_69 : i32
      %swap3A_72 = arith.index_cast %add3A_71 : i32 to index
      %swap3A_73 = arith.constant 0 : index
      %swap3A_74 = arith.constant 0 : index
      %swap3A_75 = vector.load %arg6[%swap3A_72, %swap3A_73, %swap3A_74] : memref<324x32x320xbf16, #tpu.memory_space<vmem>>, vector<32x32x320xbf16>
      tpu.vector_store %arg6[%swap3A_72, %swap3A_73, %swap3A_74], %mul3A_67 {strides = array<i32>} : memref<324x32x320xbf16, #tpu.memory_space<vmem>>, vector<32x32x320xbf16>,
    }
    %scan3A_35 = arith.constant 10 : i32
    %get3A = arith.constant 0 : index
    %get3A_36 = arith.constant 0 : index
    %get3A_37 = vector.load %arg3[%get3A, %get3A_36] : memref<32x800xbf16, #tpu.memory_space<vmem>>, vector<32x800xbf16>
    %scan3A_38 = arith.constant 0 : i32
    %scan3A_39 = arith.constant 10 : i32
    %scan3A_40 = arith.addi %scan3A_38, %scan3A_39 : i32
    %scan3A_41 = arith.constant 1 : i32
    scf.for %scan3A_51 = %scan3A_38 to %scan3A_40 step %scan3A_41  : i32 {
      %mul3A = arith.constant 32 : i32
      %mul3A_52 = arith.muli %scan3A_51, %mul3A : i32
      %get3A_53 = arith.index_cast %mul3A_52 : i32 to index
      %get3A_54 = arith.constant 0 : index
      %get3A_55 = arith.constant 0 : index
      %get3A_56 = vector.load %arg6[%get3A_53, %get3A_54, %get3A_55] : memref<324x32x320xbf16, #tpu.memory_space<vmem>>, vector<36x32x318xbf16>
      %swap3A_57 = arith.constant 0 : index
      %swap3A_58 = arith.constant 0 : index
      %swap3A_59 = arith.constant 2 : index
      %swap3A_60 = vector.load %arg8[%swap3A_57, %swap3A_58, %swap3A_59] : memref<36x160x320xbf16, #tpu.memory_space<vmem>>, vector<36x32x318xbf16>
      tpu.vector_store %arg8[%swap3A_57, %swap3A_58, %swap3A_59], %get3A_56 {strides = array<i32>} : memref<36x160x320xbf16, #tpu.memory_space<vmem>>, vector<36x32x318xbf16>,
      %broadcast_in_dim3A_61 = arith.constant 0.000000e+00 : bf16
      %broadcast_in_dim3A_62 = vector.broadcast %broadcast_in_dim3A_61 : bf16 to vector<36x32x2xbf16>
      %swap3A_63 = arith.constant 0 : index
      %swap3A_64 = arith.constant 0 : index
      %swap3A_65 = arith.constant 0 : index
      %swap3A_66 = vector.load %arg8[%swap3A_63, %swap3A_64, %swap3A_65] : memref<36x160x320xbf16, #tpu.memory_space<vmem>>, vector<36x32x2xbf16>
      tpu.vector_store %arg8[%swap3A_63, %swap3A_64, %swap3A_65], %broadcast_in_dim3A_62 {strides = array<i32>} : memref<36x160x320xbf16, #tpu.memory_space<vmem>>, vector<36x32x2xbf16>,
      %get3A_67 = arith.index_cast %mul3A_52 : i32 to index
      %get3A_68 = arith.constant 0 : index
      %get3A_69 = arith.constant 0 : index
      %get3A_70 = vector.load %arg6[%get3A_67, %get3A_68, %get3A_69] : memref<324x32x320xbf16, #tpu.memory_space<vmem>>, vector<36x32x319xbf16>
      %swap3A_71 = arith.constant 0 : index
      %swap3A_72 = arith.constant 32 : index
      %swap3A_73 = arith.constant 1 : index
      %swap3A_74 = vector.load %arg8[%swap3A_71, %swap3A_72, %swap3A_73] : memref<36x160x320xbf16, #tpu.memory_space<vmem>>, vector<36x32x319xbf16>
      tpu.vector_store %arg8[%swap3A_71, %swap3A_72, %swap3A_73], %get3A_70 {strides = array<i32>} : memref<36x160x320xbf16, #tpu.memory_space<vmem>>, vector<36x32x319xbf16>,
      %broadcast_in_dim3A_75 = arith.constant 0.000000e+00 : bf16
      %broadcast_in_dim3A_76 = vector.broadcast %broadcast_in_dim3A_75 : bf16 to vector<36x32x1xbf16>
      %swap3A_77 = arith.constant 0 : index
      %swap3A_78 = arith.constant 32 : index
      %swap3A_79 = arith.constant 0 : index
      %swap3A_80 = vector.load %arg8[%swap3A_77, %swap3A_78, %swap3A_79] : memref<36x160x320xbf16, #tpu.memory_space<vmem>>, vector<36x32x1xbf16>
      tpu.vector_store %arg8[%swap3A_77, %swap3A_78, %swap3A_79], %broadcast_in_dim3A_76 {strides = array<i32>} : memref<36x160x320xbf16, #tpu.memory_space<vmem>>, vector<36x32x1xbf16>,
      %get3A_81 = arith.index_cast %mul3A_52 : i32 to index
      %get3A_82 = arith.constant 0 : index
      %get3A_83 = arith.constant 0 : index
      %get3A_84 = vector.load %arg6[%get3A_81, %get3A_82, %get3A_83] : memref<324x32x320xbf16, #tpu.memory_space<vmem>>, vector<36x32x320xbf16>
      %swap3A_85 = arith.constant 0 : index
      %swap3A_86 = arith.constant 64 : index
      %swap3A_87 = arith.constant 0 : index
      %swap3A_88 = vector.load %arg8[%swap3A_85, %swap3A_86, %swap3A_87] : memref<36x160x320xbf16, #tpu.memory_space<vmem>>, vector<36x32x320xbf16>
      tpu.vector_store %arg8[%swap3A_85, %swap3A_86, %swap3A_87], %get3A_84 {strides = array<i32>} : memref<36x160x320xbf16, #tpu.memory_space<vmem>>, vector<36x32x320xbf16>,
      %get3A_89 = arith.index_cast %mul3A_52 : i32 to index
      %get3A_90 = arith.constant 0 : index
      %get3A_91 = arith.constant 1 : index
      %get3A_92 = vector.load %arg6[%get3A_89, %get3A_90, %get3A_91] : memref<324x32x320xbf16, #tpu.memory_space<vmem>>, vector<36x32x319xbf16>
      %swap3A_93 = arith.constant 0 : index
      %swap3A_94 = arith.constant 96 : index
      %swap3A_95 = arith.constant 0 : index
      %swap3A_96 = vector.load %arg8[%swap3A_93, %swap3A_94, %swap3A_95] : memref<36x160x320xbf16, #tpu.memory_space<vmem>>, vector<36x32x319xbf16>
      tpu.vector_store %arg8[%swap3A_93, %swap3A_94, %swap3A_95], %get3A_92 {strides = array<i32>} : memref<36x160x320xbf16, #tpu.memory_space<vmem>>, vector<36x32x319xbf16>,
      %broadcast_in_dim3A_97 = arith.constant 0.000000e+00 : bf16
      %broadcast_in_dim3A_98 = vector.broadcast %broadcast_in_dim3A_97 : bf16 to vector<36x32x1xbf16>
      %swap3A_99 = arith.constant 0 : index
      %swap3A_100 = arith.constant 96 : index
      %swap3A_101 = arith.constant 319 : index
      %swap3A_102 = vector.load %arg8[%swap3A_99, %swap3A_100, %swap3A_101] : memref<36x160x320xbf16, #tpu.memory_space<vmem>>, vector<36x32x1xbf16>
      tpu.vector_store %arg8[%swap3A_99, %swap3A_100, %swap3A_101], %broadcast_in_dim3A_98 {strides = array<i32>} : memref<36x160x320xbf16, #tpu.memory_space<vmem>>, vector<36x32x1xbf16>,
      %get3A_103 = arith.index_cast %mul3A_52 : i32 to index
      %get3A_104 = arith.constant 0 : index
      %get3A_105 = arith.constant 2 : index
      %get3A_106 = vector.load %arg6[%get3A_103, %get3A_104, %get3A_105] : memref<324x32x320xbf16, #tpu.memory_space<vmem>>, vector<36x32x318xbf16>
      %swap3A_107 = arith.constant 0 : index
      %swap3A_108 = arith.constant 128 : index
      %swap3A_109 = arith.constant 0 : index
      %swap3A_110 = vector.load %arg8[%swap3A_107, %swap3A_108, %swap3A_109] : memref<36x160x320xbf16, #tpu.memory_space<vmem>>, vector<36x32x318xbf16>
      tpu.vector_store %arg8[%swap3A_107, %swap3A_108, %swap3A_109], %get3A_106 {strides = array<i32>} : memref<36x160x320xbf16, #tpu.memory_space<vmem>>, vector<36x32x318xbf16>,
      %broadcast_in_dim3A_111 = arith.constant 0.000000e+00 : bf16
      %broadcast_in_dim3A_112 = vector.broadcast %broadcast_in_dim3A_111 : bf16 to vector<36x32x2xbf16>
      %swap3A_113 = arith.constant 0 : index
      %swap3A_114 = arith.constant 128 : index
      %swap3A_115 = arith.constant 318 : index
      %swap3A_116 = vector.load %arg8[%swap3A_113, %swap3A_114, %swap3A_115] : memref<36x160x320xbf16, #tpu.memory_space<vmem>>, vector<36x32x2xbf16>
      tpu.vector_store %arg8[%swap3A_113, %swap3A_114, %swap3A_115], %broadcast_in_dim3A_112 {strides = array<i32>} : memref<36x160x320xbf16, #tpu.memory_space<vmem>>, vector<36x32x2xbf16>,
      %scan3A_117 = arith.constant 0 : i32
      %mul3A_118 = arith.constant 32 : i32
      %mul3A_119 = arith.muli %scan3A_117, %mul3A_118 : i32
      %add3A = arith.constant 0 : i32
      %add3A_120 = arith.addi %mul3A_119, %add3A : i32
      %get3A_121 = arith.index_cast %add3A_120 : i32 to index
      %get3A_122 = arith.constant 0 : index
      %get3A_123 = arith.constant 0 : index
      %get3A_124 = vector.load %arg8[%get3A_121, %get3A_122, %get3A_123] : memref<36x160x320xbf16, #tpu.memory_space<vmem>>, vector<5x160x320xbf16>
      %reshape3A = vector.shape_cast %get3A_124 : vector<5x160x320xbf16> to vector<800x320xbf16>
      %dot_general3A = arith.constant dense<0.000000e+00> : vector<32x320xf32>
      %dot_general3A_125 = tpu.matmul %get3A_37, %reshape3A, %dot_general3A {dimension_numbers = #tpu.dot_dimension_numbers<[1], [0], [0], [1], [0, 0, 1, 1], [], []>, transpose_lhs_hint = false} : vector<32x800xbf16>, vector<800x320xbf16>, vector<32x320xf32> -> vector<32x320xf32>
      %add3A_126 = arith.addi %mul3A_52, %add3A_120 : i32
      %get3A_127 = arith.constant 0 : index
      %get3A_128 = arith.index_cast %add3A_126 : i32 to index
      %get3A_129 = arith.constant 0 : index
      %get3A_130 = vector.load %arg2[%get3A_127, %get3A_128, %get3A_129] : memref<1x320x320xf32, #tpu.memory_space<vmem>>, vector<1x1x320xf32>
      %get3A_131 = vector.shape_cast %get3A_130 : vector<1x1x320xf32> to vector<320xf32>
      %broadcast_in_dim3A_132 = vector.shape_cast %get3A_131 : vector<320xf32> to vector<1x320xf32>
      %eq3A = arith.constant 1.000000e+00 : f32
      %eq3A_133 = vector.broadcast %eq3A : f32 to vector<1x320xf32>
      %eq3A_134 = arith.cmpf oeq, %broadcast_in_dim3A_132, %eq3A_133 : vector<1x320xf32>
      %add3A_135 = arith.constant 2 : i32
      %add3A_136 = arith.addi %add3A_126, %add3A_135 : i32
      %get3A_137 = arith.index_cast %add3A_136 : i32 to index
      %get3A_138 = arith.constant 0 : index
      %get3A_139 = arith.constant 0 : index
      %get3A_140 = vector.load %arg6[%get3A_137, %get3A_138, %get3A_139] : memref<324x32x320xbf16, #tpu.memory_space<vmem>>, vector<1x32x320xbf16>
      %get3A_141 = vector.shape_cast %get3A_140 : vector<1x32x320xbf16> to vector<32x320xbf16>
      %convert_element_type3A = arith.truncf %dot_general3A_125 : vector<32x320xf32> to vector<32x320xbf16>
      %broadcast_in_dim3A_142 = vector.shape_cast %eq3A_134 : vector<1x320xi1> to vector<1x320xi1>
      %broadcast_in_dim3A_143 = vector.broadcast %broadcast_in_dim3A_142 : vector<1x320xi1> to vector<32x320xi1>
      %select_n3A = arith.select %broadcast_in_dim3A_143, %get3A_141, %convert_element_type3A : vector<32x320xi1>, vector<32x320xbf16>
      %add3A_144 = arith.constant 2 : i32
      %add3A_145 = arith.addi %add3A_126, %add3A_144 : i32
      %swap3A_146 = arith.index_cast %add3A_145 : i32 to index
      %swap3A_147 = arith.constant 0 : index
      %swap3A_148 = arith.constant 0 : index
      %swap3A_149 = vector.load %arg7[%swap3A_146, %swap3A_147, %swap3A_148] : memref<324x32x320xbf16, #tpu.memory_space<vmem>>, vector<1x32x320xbf16>
      %swap3A_150 = vector.shape_cast %swap3A_149 : vector<1x32x320xbf16> to vector<32x320xbf16>
      %swap3A_151 = vector.shape_cast %select_n3A : vector<32x320xbf16> to vector<1x32x320xbf16>
      tpu.vector_store %arg7[%swap3A_146, %swap3A_147, %swap3A_148], %swap3A_151 {strides = array<i32>} : memref<324x32x320xbf16, #tpu.memory_space<vmem>>, vector<1x32x320xbf16>,
      %mul3A_152 = arith.constant 32 : i32
      %mul3A_153 = arith.muli %scan3A_117, %mul3A_152 : i32
      %add3A_154 = arith.constant 1 : i32
      %add3A_155 = arith.addi %mul3A_153, %add3A_154 : i32
      %get3A_156 = arith.index_cast %add3A_155 : i32 to index
      %get3A_157 = arith.constant 0 : index
      %get3A_158 = arith.constant 0 : index
      %get3A_159 = vector.load %arg8[%get3A_156, %get3A_157, %get3A_158] : memref<36x160x320xbf16, #tpu.memory_space<vmem>>, vector<5x160x320xbf16>
      %reshape3A_160 = vector.shape_cast %get3A_159 : vector<5x160x320xbf16> to vector<800x320xbf16>
      %dot_general3A_161 = arith.constant dense<0.000000e+00> : vector<32x320xf32>
      %dot_general3A_162 = tpu.matmul %get3A_37, %reshape3A_160, %dot_general3A_161 {dimension_numbers = #tpu.dot_dimension_numbers<[1], [0], [0], [1], [0, 0, 1, 1], [], []>, transpose_lhs_hint = false} : vector<32x800xbf16>, vector<800x320xbf16>, vector<32x320xf32> -> vector<32x320xf32>
      %add3A_163 = arith.addi %mul3A_52, %add3A_155 : i32
      %get3A_164 = arith.constant 0 : index
      %get3A_165 = arith.index_cast %add3A_163 : i32 to index
      %get3A_166 = arith.constant 0 : index
      %get3A_167 = vector.load %arg2[%get3A_164, %get3A_165, %get3A_166] : memref<1x320x320xf32, #tpu.memory_space<vmem>>, vector<1x1x320xf32>
      %get3A_168 = vector.shape_cast %get3A_167 : vector<1x1x320xf32> to vector<320xf32>
      %broadcast_in_dim3A_169 = vector.shape_cast %get3A_168 : vector<320xf32> to vector<1x320xf32>
      %eq3A_170 = arith.constant 1.000000e+00 : f32
      %eq3A_171 = vector.broadcast %eq3A_170 : f32 to vector<1x320xf32>
      %eq3A_172 = arith.cmpf oeq, %broadcast_in_dim3A_169, %eq3A_171 : vector<1x320xf32>
      %add3A_173 = arith.constant 2 : i32
      %add3A_174 = arith.addi %add3A_163, %add3A_173 : i32
      %get3A_175 = arith.index_cast %add3A_174 : i32 to index
      %get3A_176 = arith.constant 0 : index
      %get3A_177 = arith.constant 0 : index
      %get3A_178 = vector.load %arg6[%get3A_175, %get3A_176, %get3A_177] : memref<324x32x320xbf16, #tpu.memory_space<vmem>>, vector<1x32x320xbf16>
      %get3A_179 = vector.shape_cast %get3A_178 : vector<1x32x320xbf16> to vector<32x320xbf16>
      %convert_element_type3A_180 = arith.truncf %dot_general3A_162 : vector<32x320xf32> to vector<32x320xbf16>
      %broadcast_in_dim3A_181 = vector.shape_cast %eq3A_172 : vector<1x320xi1> to vector<1x320xi1>
      %broadcast_in_dim3A_182 = vector.broadcast %broadcast_in_dim3A_181 : vector<1x320xi1> to vector<32x320xi1>
      %select_n3A_183 = arith.select %broadcast_in_dim3A_182, %get3A_179, %convert_element_type3A_180 : vector<32x320xi1>, vector<32x320xbf16>
      %add3A_184 = arith.constant 2 : i32
      %add3A_185 = arith.addi %add3A_163, %add3A_184 : i32
      %swap3A_186 = arith.index_cast %add3A_185 : i32 to index
      %swap3A_187 = arith.constant 0 : index
      %swap3A_188 = arith.constant 0 : index
      %swap3A_189 = vector.load %arg7[%swap3A_186, %swap3A_187, %swap3A_188] : memref<324x32x320xbf16, #tpu.memory_space<vmem>>, vector<1x32x320xbf16>
      %swap3A_190 = vector.shape_cast %swap3A_189 : vector<1x32x320xbf16> to vector<32x320xbf16>
      %swap3A_191 = vector.shape_cast %select_n3A_183 : vector<32x320xbf16> to vector<1x32x320xbf16>
      tpu.vector_store %arg7[%swap3A_186, %swap3A_187, %swap3A_188], %swap3A_191 {strides = array<i32>} : memref<324x32x320xbf16, #tpu.memory_space<vmem>>, vector<1x32x320xbf16>,
      %mul3A_192 = arith.constant 32 : i32
      %mul3A_193 = arith.muli %scan3A_117, %mul3A_192 : i32
      %add3A_194 = arith.constant 2 : i32
      %add3A_195 = arith.addi %mul3A_193, %add3A_194 : i32
      %get3A_196 = arith.index_cast %add3A_195 : i32 to index
      %get3A_197 = arith.constant 0 : index
      %get3A_198 = arith.constant 0 : index
      %get3A_199 = vector.load %arg8[%get3A_196, %get3A_197, %get3A_198] : memref<36x160x320xbf16, #tpu.memory_space<vmem>>, vector<5x160x320xbf16>
      %reshape3A_200 = vector.shape_cast %get3A_199 : vector<5x160x320xbf16> to vector<800x320xbf16>
      %dot_general3A_201 = arith.constant dense<0.000000e+00> : vector<32x320xf32>
      %dot_general3A_202 = tpu.matmul %get3A_37, %reshape3A_200, %dot_general3A_201 {dimension_numbers = #tpu.dot_dimension_numbers<[1], [0], [0], [1], [0, 0, 1, 1], [], []>, transpose_lhs_hint = false} : vector<32x800xbf16>, vector<800x320xbf16>, vector<32x320xf32> -> vector<32x320xf32>
      %add3A_203 = arith.addi %mul3A_52, %add3A_195 : i32
      %get3A_204 = arith.constant 0 : index
      %get3A_205 = arith.index_cast %add3A_203 : i32 to index
      %get3A_206 = arith.constant 0 : index
      %get3A_207 = vector.load %arg2[%get3A_204, %get3A_205, %get3A_206] : memref<1x320x320xf32, #tpu.memory_space<vmem>>, vector<1x1x320xf32>
      %get3A_208 = vector.shape_cast %get3A_207 : vector<1x1x320xf32> to vector<320xf32>
      %broadcast_in_dim3A_209 = vector.shape_cast %get3A_208 : vector<320xf32> to vector<1x320xf32>
      %eq3A_210 = arith.constant 1.000000e+00 : f32
      %eq3A_211 = vector.broadcast %eq3A_210 : f32 to vector<1x320xf32>
      %eq3A_212 = arith.cmpf oeq, %broadcast_in_dim3A_209, %eq3A_211 : vector<1x320xf32>
      %add3A_213 = arith.constant 2 : i32
      %add3A_214 = arith.addi %add3A_203, %add3A_213 : i32
      %get3A_215 = arith.index_cast %add3A_214 : i32 to index
      %get3A_216 = arith.constant 0 : index
      %get3A_217 = arith.constant 0 : index
      %get3A_218 = vector.load %arg6[%get3A_215, %get3A_216, %get3A_217] : memref<324x32x320xbf16, #tpu.memory_space<vmem>>, vector<1x32x320xbf16>
      %get3A_219 = vector.shape_cast %get3A_218 : vector<1x32x320xbf16> to vector<32x320xbf16>
      %convert_element_type3A_220 = arith.truncf %dot_general3A_202 : vector<32x320xf32> to vector<32x320xbf16>
      %broadcast_in_dim3A_221 = vector.shape_cast %eq3A_212 : vector<1x320xi1> to vector<1x320xi1>
      %broadcast_in_dim3A_222 = vector.broadcast %broadcast_in_dim3A_221 : vector<1x320xi1> to vector<32x320xi1>
      %select_n3A_223 = arith.select %broadcast_in_dim3A_222, %get3A_219, %convert_element_type3A_220 : vector<32x320xi1>, vector<32x320xbf16>
      %add3A_224 = arith.constant 2 : i32
      %add3A_225 = arith.addi %add3A_203, %add3A_224 : i32
      %swap3A_226 = arith.index_cast %add3A_225 : i32 to index
      %swap3A_227 = arith.constant 0 : index
      %swap3A_228 = arith.constant 0 : index
      %swap3A_229 = vector.load %arg7[%swap3A_226, %swap3A_227, %swap3A_228] : memref<324x32x320xbf16, #tpu.memory_space<vmem>>, vector<1x32x320xbf16>
      %swap3A_230 = vector.shape_cast %swap3A_229 : vector<1x32x320xbf16> to vector<32x320xbf16>
      %swap3A_231 = vector.shape_cast %select_n3A_223 : vector<32x320xbf16> to vector<1x32x320xbf16>
      tpu.vector_store %arg7[%swap3A_226, %swap3A_227, %swap3A_228], %swap3A_231 {strides = array<i32>} : memref<324x32x320xbf16, #tpu.memory_space<vmem>>, vector<1x32x320xbf16>,
      %mul3A_232 = arith.constant 32 : i32
      %mul3A_233 = arith.muli %scan3A_117, %mul3A_232 : i32
      %add3A_234 = arith.constant 3 : i32
      %add3A_235 = arith.addi %mul3A_233, %add3A_234 : i32
      %get3A_236 = arith.index_cast %add3A_235 : i32 to index
      %get3A_237 = arith.constant 0 : index
      %get3A_238 = arith.constant 0 : index
      %get3A_239 = vector.load %arg8[%get3A_236, %get3A_237, %get3A_238] : memref<36x160x320xbf16, #tpu.memory_space<vmem>>, vector<5x160x320xbf16>
      %reshape3A_240 = vector.shape_cast %get3A_239 : vector<5x160x320xbf16> to vector<800x320xbf16>
      %dot_general3A_241 = arith.constant dense<0.000000e+00> : vector<32x320xf32>
      %dot_general3A_242 = tpu.matmul %get3A_37, %reshape3A_240, %dot_general3A_241 {dimension_numbers = #tpu.dot_dimension_numbers<[1], [0], [0], [1], [0, 0, 1, 1], [], []>, transpose_lhs_hint = false} : vector<32x800xbf16>, vector<800x320xbf16>, vector<32x320xf32> -> vector<32x320xf32>
      %add3A_243 = arith.addi %mul3A_52, %add3A_235 : i32
      %get3A_244 = arith.constant 0 : index
      %get3A_245 = arith.index_cast %add3A_243 : i32 to index
      %get3A_246 = arith.constant 0 : index
      %get3A_247 = vector.load %arg2[%get3A_244, %get3A_245, %get3A_246] : memref<1x320x320xf32, #tpu.memory_space<vmem>>, vector<1x1x320xf32>
      %get3A_248 = vector.shape_cast %get3A_247 : vector<1x1x320xf32> to vector<320xf32>
      %broadcast_in_dim3A_249 = vector.shape_cast %get3A_248 : vector<320xf32> to vector<1x320xf32>
      %eq3A_250 = arith.constant 1.000000e+00 : f32
      %eq3A_251 = vector.broadcast %eq3A_250 : f32 to vector<1x320xf32>
      %eq3A_252 = arith.cmpf oeq, %broadcast_in_dim3A_249, %eq3A_251 : vector<1x320xf32>
      %add3A_253 = arith.constant 2 : i32
      %add3A_254 = arith.addi %add3A_243, %add3A_253 : i32
      %get3A_255 = arith.index_cast %add3A_254 : i32 to index
      %get3A_256 = arith.constant 0 : index
      %get3A_257 = arith.constant 0 : index
      %get3A_258 = vector.load %arg6[%get3A_255, %get3A_256, %get3A_257] : memref<324x32x320xbf16, #tpu.memory_space<vmem>>, vector<1x32x320xbf16>
      %get3A_259 = vector.shape_cast %get3A_258 : vector<1x32x320xbf16> to vector<32x320xbf16>
      %convert_element_type3A_260 = arith.truncf %dot_general3A_242 : vector<32x320xf32> to vector<32x320xbf16>
      %broadcast_in_dim3A_261 = vector.shape_cast %eq3A_252 : vector<1x320xi1> to vector<1x320xi1>
      %broadcast_in_dim3A_262 = vector.broadcast %broadcast_in_dim3A_261 : vector<1x320xi1> to vector<32x320xi1>
      %select_n3A_263 = arith.select %broadcast_in_dim3A_262, %get3A_259, %convert_element_type3A_260 : vector<32x320xi1>, vector<32x320xbf16>
      %add3A_264 = arith.constant 2 : i32
      %add3A_265 = arith.addi %add3A_243, %add3A_264 : i32
      %swap3A_266 = arith.index_cast %add3A_265 : i32 to index
      %swap3A_267 = arith.constant 0 : index
      %swap3A_268 = arith.constant 0 : index
      %swap3A_269 = vector.load %arg7[%swap3A_266, %swap3A_267, %swap3A_268] : memref<324x32x320xbf16, #tpu.memory_space<vmem>>, vector<1x32x320xbf16>
      %swap3A_270 = vector.shape_cast %swap3A_269 : vector<1x32x320xbf16> to vector<32x320xbf16>
      %swap3A_271 = vector.shape_cast %select_n3A_263 : vector<32x320xbf16> to vector<1x32x320xbf16>
      tpu.vector_store %arg7[%swap3A_266, %swap3A_267, %swap3A_268], %swap3A_271 {strides = array<i32>} : memref<324x32x320xbf16, #tpu.memory_space<vmem>>, vector<1x32x320xbf16>,
      %mul3A_272 = arith.constant 32 : i32
      %mul3A_273 = arith.muli %scan3A_117, %mul3A_272 : i32
      %add3A_274 = arith.constant 4 : i32
      %add3A_275 = arith.addi %mul3A_273, %add3A_274 : i32
      %get3A_276 = arith.index_cast %add3A_275 : i32 to index
      %get3A_277 = arith.constant 0 : index
      %get3A_278 = arith.constant 0 : index
      %get3A_279 = vector.load %arg8[%get3A_276, %get3A_277, %get3A_278] : memref<36x160x320xbf16, #tpu.memory_space<vmem>>, vector<5x160x320xbf16>
      %reshape3A_280 = vector.shape_cast %get3A_279 : vector<5x160x320xbf16> to vector<800x320xbf16>
      %dot_general3A_281 = arith.constant dense<0.000000e+00> : vector<32x320xf32>
      %dot_general3A_282 = tpu.matmul %get3A_37, %reshape3A_280, %dot_general3A_281 {dimension_numbers = #tpu.dot_dimension_numbers<[1], [0], [0], [1], [0, 0, 1, 1], [], []>, transpose_lhs_hint = false} : vector<32x800xbf16>, vector<800x320xbf16>, vector<32x320xf32> -> vector<32x320xf32>
      %add3A_283 = arith.addi %mul3A_52, %add3A_275 : i32
      %get3A_284 = arith.constant 0 : index
      %get3A_285 = arith.index_cast %add3A_283 : i32 to index
      %get3A_286 = arith.constant 0 : index
      %get3A_287 = vector.load %arg2[%get3A_284, %get3A_285, %get3A_286] : memref<1x320x320xf32, #tpu.memory_space<vmem>>, vector<1x1x320xf32>
      %get3A_288 = vector.shape_cast %get3A_287 : vector<1x1x320xf32> to vector<320xf32>
      %broadcast_in_dim3A_289 = vector.shape_cast %get3A_288 : vector<320xf32> to vector<1x320xf32>
      %eq3A_290 = arith.constant 1.000000e+00 : f32
      %eq3A_291 = vector.broadcast %eq3A_290 : f32 to vector<1x320xf32>
      %eq3A_292 = arith.cmpf oeq, %broadcast_in_dim3A_289, %eq3A_291 : vector<1x320xf32>
      %add3A_293 = arith.constant 2 : i32
      %add3A_294 = arith.addi %add3A_283, %add3A_293 : i32
      %get3A_295 = arith.index_cast %add3A_294 : i32 to index
      %get3A_296 = arith.constant 0 : index
      %get3A_297 = arith.constant 0 : index
      %get3A_298 = vector.load %arg6[%get3A_295, %get3A_296, %get3A_297] : memref<324x32x320xbf16, #tpu.memory_space<vmem>>, vector<1x32x320xbf16>
      %get3A_299 = vector.shape_cast %get3A_298 : vector<1x32x320xbf16> to vector<32x320xbf16>
      %convert_element_type3A_300 = arith.truncf %dot_general3A_282 : vector<32x320xf32> to vector<32x320xbf16>
      %broadcast_in_dim3A_301 = vector.shape_cast %eq3A_292 : vector<1x320xi1> to vector<1x320xi1>
      %broadcast_in_dim3A_302 = vector.broadcast %broadcast_in_dim3A_301 : vector<1x320xi1> to vector<32x320xi1>
      %select_n3A_303 = arith.select %broadcast_in_dim3A_302, %get3A_299, %convert_element_type3A_300 : vector<32x320xi1>, vector<32x320xbf16>
      %add3A_304 = arith.constant 2 : i32
      %add3A_305 = arith.addi %add3A_283, %add3A_304 : i32
      %swap3A_306 = arith.index_cast %add3A_305 : i32 to index
      %swap3A_307 = arith.constant 0 : index
      %swap3A_308 = arith.constant 0 : index
      %swap3A_309 = vector.load %arg7[%swap3A_306, %swap3A_307, %swap3A_308] : memref<324x32x320xbf16, #tpu.memory_space<vmem>>, vector<1x32x320xbf16>
      %swap3A_310 = vector.shape_cast %swap3A_309 : vector<1x32x320xbf16> to vector<32x320xbf16>
      %swap3A_311 = vector.shape_cast %select_n3A_303 : vector<32x320xbf16> to vector<1x32x320xbf16>
      tpu.vector_store %arg7[%swap3A_306, %swap3A_307, %swap3A_308], %swap3A_311 {strides = array<i32>} : memref<324x32x320xbf16, #tpu.memory_space<vmem>>, vector<1x32x320xbf16>,
      %mul3A_312 = arith.constant 32 : i32
      %mul3A_313 = arith.muli %scan3A_117, %mul3A_312 : i32
      %add3A_314 = arith.constant 5 : i32
      %add3A_315 = arith.addi %mul3A_313, %add3A_314 : i32
      %get3A_316 = arith.index_cast %add3A_315 : i32 to index
      %get3A_317 = arith.constant 0 : index
      %get3A_318 = arith.constant 0 : index
      %get3A_319 = vector.load %arg8[%get3A_316, %get3A_317, %get3A_318] : memref<36x160x320xbf16, #tpu.memory_space<vmem>>, vector<5x160x320xbf16>
      %reshape3A_320 = vector.shape_cast %get3A_319 : vector<5x160x320xbf16> to vector<800x320xbf16>
      %dot_general3A_321 = arith.constant dense<0.000000e+00> : vector<32x320xf32>
      %dot_general3A_322 = tpu.matmul %get3A_37, %reshape3A_320, %dot_general3A_321 {dimension_numbers = #tpu.dot_dimension_numbers<[1], [0], [0], [1], [0, 0, 1, 1], [], []>, transpose_lhs_hint = false} : vector<32x800xbf16>, vector<800x320xbf16>, vector<32x320xf32> -> vector<32x320xf32>
      %add3A_323 = arith.addi %mul3A_52, %add3A_315 : i32
      %get3A_324 = arith.constant 0 : index
      %get3A_325 = arith.index_cast %add3A_323 : i32 to index
      %get3A_326 = arith.constant 0 : index
      %get3A_327 = vector.load %arg2[%get3A_324, %get3A_325, %get3A_326] : memref<1x320x320xf32, #tpu.memory_space<vmem>>, vector<1x1x320xf32>
      %get3A_328 = vector.shape_cast %get3A_327 : vector<1x1x320xf32> to vector<320xf32>
      %broadcast_in_dim3A_329 = vector.shape_cast %get3A_328 : vector<320xf32> to vector<1x320xf32>
      %eq3A_330 = arith.constant 1.000000e+00 : f32
      %eq3A_331 = vector.broadcast %eq3A_330 : f32 to vector<1x320xf32>
      %eq3A_332 = arith.cmpf oeq, %broadcast_in_dim3A_329, %eq3A_331 : vector<1x320xf32>
      %add3A_333 = arith.constant 2 : i32
      %add3A_334 = arith.addi %add3A_323, %add3A_333 : i32
      %get3A_335 = arith.index_cast %add3A_334 : i32 to index
      %get3A_336 = arith.constant 0 : index
      %get3A_337 = arith.constant 0 : index
      %get3A_338 = vector.load %arg6[%get3A_335, %get3A_336, %get3A_337] : memref<324x32x320xbf16, #tpu.memory_space<vmem>>, vector<1x32x320xbf16>
      %get3A_339 = vector.shape_cast %get3A_338 : vector<1x32x320xbf16> to vector<32x320xbf16>
      %convert_element_type3A_340 = arith.truncf %dot_general3A_322 : vector<32x320xf32> to vector<32x320xbf16>
      %broadcast_in_dim3A_341 = vector.shape_cast %eq3A_332 : vector<1x320xi1> to vector<1x320xi1>
      %broadcast_in_dim3A_342 = vector.broadcast %broadcast_in_dim3A_341 : vector<1x320xi1> to vector<32x320xi1>
      %select_n3A_343 = arith.select %broadcast_in_dim3A_342, %get3A_339, %convert_element_type3A_340 : vector<32x320xi1>, vector<32x320xbf16>
      %add3A_344 = arith.constant 2 : i32
      %add3A_345 = arith.addi %add3A_323, %add3A_344 : i32
      %swap3A_346 = arith.index_cast %add3A_345 : i32 to index
      %swap3A_347 = arith.constant 0 : index
      %swap3A_348 = arith.constant 0 : index
      %swap3A_349 = vector.load %arg7[%swap3A_346, %swap3A_347, %swap3A_348] : memref<324x32x320xbf16, #tpu.memory_space<vmem>>, vector<1x32x320xbf16>
      %swap3A_350 = vector.shape_cast %swap3A_349 : vector<1x32x320xbf16> to vector<32x320xbf16>
      %swap3A_351 = vector.shape_cast %select_n3A_343 : vector<32x320xbf16> to vector<1x32x320xbf16>
      tpu.vector_store %arg7[%swap3A_346, %swap3A_347, %swap3A_348], %swap3A_351 {strides = array<i32>} : memref<324x32x320xbf16, #tpu.memory_space<vmem>>, vector<1x32x320xbf16>,
      %mul3A_352 = arith.constant 32 : i32
      %mul3A_353 = arith.muli %scan3A_117, %mul3A_352 : i32
      %add3A_354 = arith.constant 6 : i32
      %add3A_355 = arith.addi %mul3A_353, %add3A_354 : i32
      %get3A_356 = arith.index_cast %add3A_355 : i32 to index
      %get3A_357 = arith.constant 0 : index
      %get3A_358 = arith.constant 0 : index
      %get3A_359 = vector.load %arg8[%get3A_356, %get3A_357, %get3A_358] : memref<36x160x320xbf16, #tpu.memory_space<vmem>>, vector<5x160x320xbf16>
      %reshape3A_360 = vector.shape_cast %get3A_359 : vector<5x160x320xbf16> to vector<800x320xbf16>
      %dot_general3A_361 = arith.constant dense<0.000000e+00> : vector<32x320xf32>
      %dot_general3A_362 = tpu.matmul %get3A_37, %reshape3A_360, %dot_general3A_361 {dimension_numbers = #tpu.dot_dimension_numbers<[1], [0], [0], [1], [0, 0, 1, 1], [], []>, transpose_lhs_hint = false} : vector<32x800xbf16>, vector<800x320xbf16>, vector<32x320xf32> -> vector<32x320xf32>
      %add3A_363 = arith.addi %mul3A_52, %add3A_355 : i32
      %get3A_364 = arith.constant 0 : index
      %get3A_365 = arith.index_cast %add3A_363 : i32 to index
      %get3A_366 = arith.constant 0 : index
      %get3A_367 = vector.load %arg2[%get3A_364, %get3A_365, %get3A_366] : memref<1x320x320xf32, #tpu.memory_space<vmem>>, vector<1x1x320xf32>
      %get3A_368 = vector.shape_cast %get3A_367 : vector<1x1x320xf32> to vector<320xf32>
      %broadcast_in_dim3A_369 = vector.shape_cast %get3A_368 : vector<320xf32> to vector<1x320xf32>
      %eq3A_370 = arith.constant 1.000000e+00 : f32
      %eq3A_371 = vector.broadcast %eq3A_370 : f32 to vector<1x320xf32>
      %eq3A_372 = arith.cmpf oeq, %broadcast_in_dim3A_369, %eq3A_371 : vector<1x320xf32>
      %add3A_373 = arith.constant 2 : i32
      %add3A_374 = arith.addi %add3A_363, %add3A_373 : i32
      %get3A_375 = arith.index_cast %add3A_374 : i32 to index
      %get3A_376 = arith.constant 0 : index
      %get3A_377 = arith.constant 0 : index
      %get3A_378 = vector.load %arg6[%get3A_375, %get3A_376, %get3A_377] : memref<324x32x320xbf16, #tpu.memory_space<vmem>>, vector<1x32x320xbf16>
      %get3A_379 = vector.shape_cast %get3A_378 : vector<1x32x320xbf16> to vector<32x320xbf16>
      %convert_element_type3A_380 = arith.truncf %dot_general3A_362 : vector<32x320xf32> to vector<32x320xbf16>
      %broadcast_in_dim3A_381 = vector.shape_cast %eq3A_372 : vector<1x320xi1> to vector<1x320xi1>
      %broadcast_in_dim3A_382 = vector.broadcast %broadcast_in_dim3A_381 : vector<1x320xi1> to vector<32x320xi1>
      %select_n3A_383 = arith.select %broadcast_in_dim3A_382, %get3A_379, %convert_element_type3A_380 : vector<32x320xi1>, vector<32x320xbf16>
      %add3A_384 = arith.constant 2 : i32
      %add3A_385 = arith.addi %add3A_363, %add3A_384 : i32
      %swap3A_386 = arith.index_cast %add3A_385 : i32 to index
      %swap3A_387 = arith.constant 0 : index
      %swap3A_388 = arith.constant 0 : index
      %swap3A_389 = vector.load %arg7[%swap3A_386, %swap3A_387, %swap3A_388] : memref<324x32x320xbf16, #tpu.memory_space<vmem>>, vector<1x32x320xbf16>
      %swap3A_390 = vector.shape_cast %swap3A_389 : vector<1x32x320xbf16> to vector<32x320xbf16>
      %swap3A_391 = vector.shape_cast %select_n3A_383 : vector<32x320xbf16> to vector<1x32x320xbf16>
      tpu.vector_store %arg7[%swap3A_386, %swap3A_387, %swap3A_388], %swap3A_391 {strides = array<i32>} : memref<324x32x320xbf16, #tpu.memory_space<vmem>>, vector<1x32x320xbf16>,
      %mul3A_392 = arith.constant 32 : i32
      %mul3A_393 = arith.muli %scan3A_117, %mul3A_392 : i32
      %add3A_394 = arith.constant 7 : i32
      %add3A_395 = arith.addi %mul3A_393, %add3A_394 : i32
      %get3A_396 = arith.index_cast %add3A_395 : i32 to index
      %get3A_397 = arith.constant 0 : index
      %get3A_398 = arith.constant 0 : index
      %get3A_399 = vector.load %arg8[%get3A_396, %get3A_397, %get3A_398] : memref<36x160x320xbf16, #tpu.memory_space<vmem>>, vector<5x160x320xbf16>
      %reshape3A_400 = vector.shape_cast %get3A_399 : vector<5x160x320xbf16> to vector<800x320xbf16>
      %dot_general3A_401 = arith.constant dense<0.000000e+00> : vector<32x320xf32>
      %dot_general3A_402 = tpu.matmul %get3A_37, %reshape3A_400, %dot_general3A_401 {dimension_numbers = #tpu.dot_dimension_numbers<[1], [0], [0], [1], [0, 0, 1, 1], [], []>, transpose_lhs_hint = false} : vector<32x800xbf16>, vector<800x320xbf16>, vector<32x320xf32> -> vector<32x320xf32>
      %add3A_403 = arith.addi %mul3A_52, %add3A_395 : i32
      %get3A_404 = arith.constant 0 : index
      %get3A_405 = arith.index_cast %add3A_403 : i32 to index
      %get3A_406 = arith.constant 0 : index
      %get3A_407 = vector.load %arg2[%get3A_404, %get3A_405, %get3A_406] : memref<1x320x320xf32, #tpu.memory_space<vmem>>, vector<1x1x320xf32>
      %get3A_408 = vector.shape_cast %get3A_407 : vector<1x1x320xf32> to vector<320xf32>
      %broadcast_in_dim3A_409 = vector.shape_cast %get3A_408 : vector<320xf32> to vector<1x320xf32>
      %eq3A_410 = arith.constant 1.000000e+00 : f32
      %eq3A_411 = vector.broadcast %eq3A_410 : f32 to vector<1x320xf32>
      %eq3A_412 = arith.cmpf oeq, %broadcast_in_dim3A_409, %eq3A_411 : vector<1x320xf32>
      %add3A_413 = arith.constant 2 : i32
      %add3A_414 = arith.addi %add3A_403, %add3A_413 : i32
      %get3A_415 = arith.index_cast %add3A_414 : i32 to index
      %get3A_416 = arith.constant 0 : index
      %get3A_417 = arith.constant 0 : index
      %get3A_418 = vector.load %arg6[%get3A_415, %get3A_416, %get3A_417] : memref<324x32x320xbf16, #tpu.memory_space<vmem>>, vector<1x32x320xbf16>
      %get3A_419 = vector.shape_cast %get3A_418 : vector<1x32x320xbf16> to vector<32x320xbf16>
      %convert_element_type3A_420 = arith.truncf %dot_general3A_402 : vector<32x320xf32> to vector<32x320xbf16>
      %broadcast_in_dim3A_421 = vector.shape_cast %eq3A_412 : vector<1x320xi1> to vector<1x320xi1>
      %broadcast_in_dim3A_422 = vector.broadcast %broadcast_in_dim3A_421 : vector<1x320xi1> to vector<32x320xi1>
      %select_n3A_423 = arith.select %broadcast_in_dim3A_422, %get3A_419, %convert_element_type3A_420 : vector<32x320xi1>, vector<32x320xbf16>
      %add3A_424 = arith.constant 2 : i32
      %add3A_425 = arith.addi %add3A_403, %add3A_424 : i32
      %swap3A_426 = arith.index_cast %add3A_425 : i32 to index
      %swap3A_427 = arith.constant 0 : index
      %swap3A_428 = arith.constant 0 : index
      %swap3A_429 = vector.load %arg7[%swap3A_426, %swap3A_427, %swap3A_428] : memref<324x32x320xbf16, #tpu.memory_space<vmem>>, vector<1x32x320xbf16>
      %swap3A_430 = vector.shape_cast %swap3A_429 : vector<1x32x320xbf16> to vector<32x320xbf16>
      %swap3A_431 = vector.shape_cast %select_n3A_423 : vector<32x320xbf16> to vector<1x32x320xbf16>
      tpu.vector_store %arg7[%swap3A_426, %swap3A_427, %swap3A_428], %swap3A_431 {strides = array<i32>} : memref<324x32x320xbf16, #tpu.memory_space<vmem>>, vector<1x32x320xbf16>,
      %mul3A_432 = arith.constant 32 : i32
      %mul3A_433 = arith.muli %scan3A_117, %mul3A_432 : i32
      %add3A_434 = arith.constant 8 : i32
      %add3A_435 = arith.addi %mul3A_433, %add3A_434 : i32
      %get3A_436 = arith.index_cast %add3A_435 : i32 to index
      %get3A_437 = arith.constant 0 : index
      %get3A_438 = arith.constant 0 : index
      %get3A_439 = vector.load %arg8[%get3A_436, %get3A_437, %get3A_438] : memref<36x160x320xbf16, #tpu.memory_space<vmem>>, vector<5x160x320xbf16>
      %reshape3A_440 = vector.shape_cast %get3A_439 : vector<5x160x320xbf16> to vector<800x320xbf16>
      %dot_general3A_441 = arith.constant dense<0.000000e+00> : vector<32x320xf32>
      %dot_general3A_442 = tpu.matmul %get3A_37, %reshape3A_440, %dot_general3A_441 {dimension_numbers = #tpu.dot_dimension_numbers<[1], [0], [0], [1], [0, 0, 1, 1], [], []>, transpose_lhs_hint = false} : vector<32x800xbf16>, vector<800x320xbf16>, vector<32x320xf32> -> vector<32x320xf32>
      %add3A_443 = arith.addi %mul3A_52, %add3A_435 : i32
      %get3A_444 = arith.constant 0 : index
      %get3A_445 = arith.index_cast %add3A_443 : i32 to index
      %get3A_446 = arith.constant 0 : index
      %get3A_447 = vector.load %arg2[%get3A_444, %get3A_445, %get3A_446] : memref<1x320x320xf32, #tpu.memory_space<vmem>>, vector<1x1x320xf32>
      %get3A_448 = vector.shape_cast %get3A_447 : vector<1x1x320xf32> to vector<320xf32>
      %broadcast_in_dim3A_449 = vector.shape_cast %get3A_448 : vector<320xf32> to vector<1x320xf32>
      %eq3A_450 = arith.constant 1.000000e+00 : f32
      %eq3A_451 = vector.broadcast %eq3A_450 : f32 to vector<1x320xf32>
      %eq3A_452 = arith.cmpf oeq, %broadcast_in_dim3A_449, %eq3A_451 : vector<1x320xf32>
      %add3A_453 = arith.constant 2 : i32
      %add3A_454 = arith.addi %add3A_443, %add3A_453 : i32
      %get3A_455 = arith.index_cast %add3A_454 : i32 to index
      %get3A_456 = arith.constant 0 : index
      %get3A_457 = arith.constant 0 : index
      %get3A_458 = vector.load %arg6[%get3A_455, %get3A_456, %get3A_457] : memref<324x32x320xbf16, #tpu.memory_space<vmem>>, vector<1x32x320xbf16>
      %get3A_459 = vector.shape_cast %get3A_458 : vector<1x32x320xbf16> to vector<32x320xbf16>
      %convert_element_type3A_460 = arith.truncf %dot_general3A_442 : vector<32x320xf32> to vector<32x320xbf16>
      %broadcast_in_dim3A_461 = vector.shape_cast %eq3A_452 : vector<1x320xi1> to vector<1x320xi1>
      %broadcast_in_dim3A_462 = vector.broadcast %broadcast_in_dim3A_461 : vector<1x320xi1> to vector<32x320xi1>
      %select_n3A_463 = arith.select %broadcast_in_dim3A_462, %get3A_459, %convert_element_type3A_460 : vector<32x320xi1>, vector<32x320xbf16>
      %add3A_464 = arith.constant 2 : i32
      %add3A_465 = arith.addi %add3A_443, %add3A_464 : i32
      %swap3A_466 = arith.index_cast %add3A_465 : i32 to index
      %swap3A_467 = arith.constant 0 : index
      %swap3A_468 = arith.constant 0 : index
      %swap3A_469 = vector.load %arg7[%swap3A_466, %swap3A_467, %swap3A_468] : memref<324x32x320xbf16, #tpu.memory_space<vmem>>, vector<1x32x320xbf16>
      %swap3A_470 = vector.shape_cast %swap3A_469 : vector<1x32x320xbf16> to vector<32x320xbf16>
      %swap3A_471 = vector.shape_cast %select_n3A_463 : vector<32x320xbf16> to vector<1x32x320xbf16>
      tpu.vector_store %arg7[%swap3A_466, %swap3A_467, %swap3A_468], %swap3A_471 {strides = array<i32>} : memref<324x32x320xbf16, #tpu.memory_space<vmem>>, vector<1x32x320xbf16>,
      %mul3A_472 = arith.constant 32 : i32
      %mul3A_473 = arith.muli %scan3A_117, %mul3A_472 : i32
      %add3A_474 = arith.constant 9 : i32
      %add3A_475 = arith.addi %mul3A_473, %add3A_474 : i32
      %get3A_476 = arith.index_cast %add3A_475 : i32 to index
      %get3A_477 = arith.constant 0 : index
      %get3A_478 = arith.constant 0 : index
      %get3A_479 = vector.load %arg8[%get3A_476, %get3A_477, %get3A_478] : memref<36x160x320xbf16, #tpu.memory_space<vmem>>, vector<5x160x320xbf16>
      %reshape3A_480 = vector.shape_cast %get3A_479 : vector<5x160x320xbf16> to vector<800x320xbf16>
      %dot_general3A_481 = arith.constant dense<0.000000e+00> : vector<32x320xf32>
      %dot_general3A_482 = tpu.matmul %get3A_37, %reshape3A_480, %dot_general3A_481 {dimension_numbers = #tpu.dot_dimension_numbers<[1], [0], [0], [1], [0, 0, 1, 1], [], []>, transpose_lhs_hint = false} : vector<32x800xbf16>, vector<800x320xbf16>, vector<32x320xf32> -> vector<32x320xf32>
      %add3A_483 = arith.addi %mul3A_52, %add3A_475 : i32
      %get3A_484 = arith.constant 0 : index
      %get3A_485 = arith.index_cast %add3A_483 : i32 to index
      %get3A_486 = arith.constant 0 : index
      %get3A_487 = vector.load %arg2[%get3A_484, %get3A_485, %get3A_486] : memref<1x320x320xf32, #tpu.memory_space<vmem>>, vector<1x1x320xf32>
      %get3A_488 = vector.shape_cast %get3A_487 : vector<1x1x320xf32> to vector<320xf32>
      %broadcast_in_dim3A_489 = vector.shape_cast %get3A_488 : vector<320xf32> to vector<1x320xf32>
      %eq3A_490 = arith.constant 1.000000e+00 : f32
      %eq3A_491 = vector.broadcast %eq3A_490 : f32 to vector<1x320xf32>
      %eq3A_492 = arith.cmpf oeq, %broadcast_in_dim3A_489, %eq3A_491 : vector<1x320xf32>
      %add3A_493 = arith.constant 2 : i32
      %add3A_494 = arith.addi %add3A_483, %add3A_493 : i32
      %get3A_495 = arith.index_cast %add3A_494 : i32 to index
      %get3A_496 = arith.constant 0 : index
      %get3A_497 = arith.constant 0 : index
      %get3A_498 = vector.load %arg6[%get3A_495, %get3A_496, %get3A_497] : memref<324x32x320xbf16, #tpu.memory_space<vmem>>, vector<1x32x320xbf16>
      %get3A_499 = vector.shape_cast %get3A_498 : vector<1x32x320xbf16> to vector<32x320xbf16>
      %convert_element_type3A_500 = arith.truncf %dot_general3A_482 : vector<32x320xf32> to vector<32x320xbf16>
      %broadcast_in_dim3A_501 = vector.shape_cast %eq3A_492 : vector<1x320xi1> to vector<1x320xi1>
      %broadcast_in_dim3A_502 = vector.broadcast %broadcast_in_dim3A_501 : vector<1x320xi1> to vector<32x320xi1>
      %select_n3A_503 = arith.select %broadcast_in_dim3A_502, %get3A_499, %convert_element_type3A_500 : vector<32x320xi1>, vector<32x320xbf16>
      %add3A_504 = arith.constant 2 : i32
      %add3A_505 = arith.addi %add3A_483, %add3A_504 : i32
      %swap3A_506 = arith.index_cast %add3A_505 : i32 to index
      %swap3A_507 = arith.constant 0 : index
      %swap3A_508 = arith.constant 0 : index
      %swap3A_509 = vector.load %arg7[%swap3A_506, %swap3A_507, %swap3A_508] : memref<324x32x320xbf16, #tpu.memory_space<vmem>>, vector<1x32x320xbf16>
      %swap3A_510 = vector.shape_cast %swap3A_509 : vector<1x32x320xbf16> to vector<32x320xbf16>
      %swap3A_511 = vector.shape_cast %select_n3A_503 : vector<32x320xbf16> to vector<1x32x320xbf16>
      tpu.vector_store %arg7[%swap3A_506, %swap3A_507, %swap3A_508], %swap3A_511 {strides = array<i32>} : memref<324x32x320xbf16, #tpu.memory_space<vmem>>, vector<1x32x320xbf16>,
      %mul3A_512 = arith.constant 32 : i32
      %mul3A_513 = arith.muli %scan3A_117, %mul3A_512 : i32
      %add3A_514 = arith.constant 10 : i32
      %add3A_515 = arith.addi %mul3A_513, %add3A_514 : i32
      %get3A_516 = arith.index_cast %add3A_515 : i32 to index
      %get3A_517 = arith.constant 0 : index
      %get3A_518 = arith.constant 0 : index
      %get3A_519 = vector.load %arg8[%get3A_516, %get3A_517, %get3A_518] : memref<36x160x320xbf16, #tpu.memory_space<vmem>>, vector<5x160x320xbf16>
      %reshape3A_520 = vector.shape_cast %get3A_519 : vector<5x160x320xbf16> to vector<800x320xbf16>
      %dot_general3A_521 = arith.constant dense<0.000000e+00> : vector<32x320xf32>
      %dot_general3A_522 = tpu.matmul %get3A_37, %reshape3A_520, %dot_general3A_521 {dimension_numbers = #tpu.dot_dimension_numbers<[1], [0], [0], [1], [0, 0, 1, 1], [], []>, transpose_lhs_hint = false} : vector<32x800xbf16>, vector<800x320xbf16>, vector<32x320xf32> -> vector<32x320xf32>
      %add3A_523 = arith.addi %mul3A_52, %add3A_515 : i32
      %get3A_524 = arith.constant 0 : index
      %get3A_525 = arith.index_cast %add3A_523 : i32 to index
      %get3A_526 = arith.constant 0 : index
      %get3A_527 = vector.load %arg2[%get3A_524, %get3A_525, %get3A_526] : memref<1x320x320xf32, #tpu.memory_space<vmem>>, vector<1x1x320xf32>
      %get3A_528 = vector.shape_cast %get3A_527 : vector<1x1x320xf32> to vector<320xf32>
      %broadcast_in_dim3A_529 = vector.shape_cast %get3A_528 : vector<320xf32> to vector<1x320xf32>
      %eq3A_530 = arith.constant 1.000000e+00 : f32
      %eq3A_531 = vector.broadcast %eq3A_530 : f32 to vector<1x320xf32>
      %eq3A_532 = arith.cmpf oeq, %broadcast_in_dim3A_529, %eq3A_531 : vector<1x320xf32>
      %add3A_533 = arith.constant 2 : i32
      %add3A_534 = arith.addi %add3A_523, %add3A_533 : i32
      %get3A_535 = arith.index_cast %add3A_534 : i32 to index
      %get3A_536 = arith.constant 0 : index
      %get3A_537 = arith.constant 0 : index
      %get3A_538 = vector.load %arg6[%get3A_535, %get3A_536, %get3A_537] : memref<324x32x320xbf16, #tpu.memory_space<vmem>>, vector<1x32x320xbf16>
      %get3A_539 = vector.shape_cast %get3A_538 : vector<1x32x320xbf16> to vector<32x320xbf16>
      %convert_element_type3A_540 = arith.truncf %dot_general3A_522 : vector<32x320xf32> to vector<32x320xbf16>
      %broadcast_in_dim3A_541 = vector.shape_cast %eq3A_532 : vector<1x320xi1> to vector<1x320xi1>
      %broadcast_in_dim3A_542 = vector.broadcast %broadcast_in_dim3A_541 : vector<1x320xi1> to vector<32x320xi1>
      %select_n3A_543 = arith.select %broadcast_in_dim3A_542, %get3A_539, %convert_element_type3A_540 : vector<32x320xi1>, vector<32x320xbf16>
      %add3A_544 = arith.constant 2 : i32
      %add3A_545 = arith.addi %add3A_523, %add3A_544 : i32
      %swap3A_546 = arith.index_cast %add3A_545 : i32 to index
      %swap3A_547 = arith.constant 0 : index
      %swap3A_548 = arith.constant 0 : index
      %swap3A_549 = vector.load %arg7[%swap3A_546, %swap3A_547, %swap3A_548] : memref<324x32x320xbf16, #tpu.memory_space<vmem>>, vector<1x32x320xbf16>
      %swap3A_550 = vector.shape_cast %swap3A_549 : vector<1x32x320xbf16> to vector<32x320xbf16>
      %swap3A_551 = vector.shape_cast %select_n3A_543 : vector<32x320xbf16> to vector<1x32x320xbf16>
      tpu.vector_store %arg7[%swap3A_546, %swap3A_547, %swap3A_548], %swap3A_551 {strides = array<i32>} : memref<324x32x320xbf16, #tpu.memory_space<vmem>>, vector<1x32x320xbf16>,
      %mul3A_552 = arith.constant 32 : i32
      %mul3A_553 = arith.muli %scan3A_117, %mul3A_552 : i32
      %add3A_554 = arith.constant 11 : i32
      %add3A_555 = arith.addi %mul3A_553, %add3A_554 : i32
      %get3A_556 = arith.index_cast %add3A_555 : i32 to index
      %get3A_557 = arith.constant 0 : index
      %get3A_558 = arith.constant 0 : index
      %get3A_559 = vector.load %arg8[%get3A_556, %get3A_557, %get3A_558] : memref<36x160x320xbf16, #tpu.memory_space<vmem>>, vector<5x160x320xbf16>
      %reshape3A_560 = vector.shape_cast %get3A_559 : vector<5x160x320xbf16> to vector<800x320xbf16>
      %dot_general3A_561 = arith.constant dense<0.000000e+00> : vector<32x320xf32>
      %dot_general3A_562 = tpu.matmul %get3A_37, %reshape3A_560, %dot_general3A_561 {dimension_numbers = #tpu.dot_dimension_numbers<[1], [0], [0], [1], [0, 0, 1, 1], [], []>, transpose_lhs_hint = false} : vector<32x800xbf16>, vector<800x320xbf16>, vector<32x320xf32> -> vector<32x320xf32>
      %add3A_563 = arith.addi %mul3A_52, %add3A_555 : i32
      %get3A_564 = arith.constant 0 : index
      %get3A_565 = arith.index_cast %add3A_563 : i32 to index
      %get3A_566 = arith.constant 0 : index
      %get3A_567 = vector.load %arg2[%get3A_564, %get3A_565, %get3A_566] : memref<1x320x320xf32, #tpu.memory_space<vmem>>, vector<1x1x320xf32>
      %get3A_568 = vector.shape_cast %get3A_567 : vector<1x1x320xf32> to vector<320xf32>
      %broadcast_in_dim3A_569 = vector.shape_cast %get3A_568 : vector<320xf32> to vector<1x320xf32>
      %eq3A_570 = arith.constant 1.000000e+00 : f32
      %eq3A_571 = vector.broadcast %eq3A_570 : f32 to vector<1x320xf32>
      %eq3A_572 = arith.cmpf oeq, %broadcast_in_dim3A_569, %eq3A_571 : vector<1x320xf32>
      %add3A_573 = arith.constant 2 : i32
      %add3A_574 = arith.addi %add3A_563, %add3A_573 : i32
      %get3A_575 = arith.index_cast %add3A_574 : i32 to index
      %get3A_576 = arith.constant 0 : index
      %get3A_577 = arith.constant 0 : index
      %get3A_578 = vector.load %arg6[%get3A_575, %get3A_576, %get3A_577] : memref<324x32x320xbf16, #tpu.memory_space<vmem>>, vector<1x32x320xbf16>
      %get3A_579 = vector.shape_cast %get3A_578 : vector<1x32x320xbf16> to vector<32x320xbf16>
      %convert_element_type3A_580 = arith.truncf %dot_general3A_562 : vector<32x320xf32> to vector<32x320xbf16>
      %broadcast_in_dim3A_581 = vector.shape_cast %eq3A_572 : vector<1x320xi1> to vector<1x320xi1>
      %broadcast_in_dim3A_582 = vector.broadcast %broadcast_in_dim3A_581 : vector<1x320xi1> to vector<32x320xi1>
      %select_n3A_583 = arith.select %broadcast_in_dim3A_582, %get3A_579, %convert_element_type3A_580 : vector<32x320xi1>, vector<32x320xbf16>
      %add3A_584 = arith.constant 2 : i32
      %add3A_585 = arith.addi %add3A_563, %add3A_584 : i32
      %swap3A_586 = arith.index_cast %add3A_585 : i32 to index
      %swap3A_587 = arith.constant 0 : index
      %swap3A_588 = arith.constant 0 : index
      %swap3A_589 = vector.load %arg7[%swap3A_586, %swap3A_587, %swap3A_588] : memref<324x32x320xbf16, #tpu.memory_space<vmem>>, vector<1x32x320xbf16>
      %swap3A_590 = vector.shape_cast %swap3A_589 : vector<1x32x320xbf16> to vector<32x320xbf16>
      %swap3A_591 = vector.shape_cast %select_n3A_583 : vector<32x320xbf16> to vector<1x32x320xbf16>
      tpu.vector_store %arg7[%swap3A_586, %swap3A_587, %swap3A_588], %swap3A_591 {strides = array<i32>} : memref<324x32x320xbf16, #tpu.memory_space<vmem>>, vector<1x32x320xbf16>,
      %mul3A_592 = arith.constant 32 : i32
      %mul3A_593 = arith.muli %scan3A_117, %mul3A_592 : i32
      %add3A_594 = arith.constant 12 : i32
      %add3A_595 = arith.addi %mul3A_593, %add3A_594 : i32
      %get3A_596 = arith.index_cast %add3A_595 : i32 to index
      %get3A_597 = arith.constant 0 : index
      %get3A_598 = arith.constant 0 : index
      %get3A_599 = vector.load %arg8[%get3A_596, %get3A_597, %get3A_598] : memref<36x160x320xbf16, #tpu.memory_space<vmem>>, vector<5x160x320xbf16>
      %reshape3A_600 = vector.shape_cast %get3A_599 : vector<5x160x320xbf16> to vector<800x320xbf16>
      %dot_general3A_601 = arith.constant dense<0.000000e+00> : vector<32x320xf32>
      %dot_general3A_602 = tpu.matmul %get3A_37, %reshape3A_600, %dot_general3A_601 {dimension_numbers = #tpu.dot_dimension_numbers<[1], [0], [0], [1], [0, 0, 1, 1], [], []>, transpose_lhs_hint = false} : vector<32x800xbf16>, vector<800x320xbf16>, vector<32x320xf32> -> vector<32x320xf32>
      %add3A_603 = arith.addi %mul3A_52, %add3A_595 : i32
      %get3A_604 = arith.constant 0 : index
      %get3A_605 = arith.index_cast %add3A_603 : i32 to index
      %get3A_606 = arith.constant 0 : index
      %get3A_607 = vector.load %arg2[%get3A_604, %get3A_605, %get3A_606] : memref<1x320x320xf32, #tpu.memory_space<vmem>>, vector<1x1x320xf32>
      %get3A_608 = vector.shape_cast %get3A_607 : vector<1x1x320xf32> to vector<320xf32>
      %broadcast_in_dim3A_609 = vector.shape_cast %get3A_608 : vector<320xf32> to vector<1x320xf32>
      %eq3A_610 = arith.constant 1.000000e+00 : f32
      %eq3A_611 = vector.broadcast %eq3A_610 : f32 to vector<1x320xf32>
      %eq3A_612 = arith.cmpf oeq, %broadcast_in_dim3A_609, %eq3A_611 : vector<1x320xf32>
      %add3A_613 = arith.constant 2 : i32
      %add3A_614 = arith.addi %add3A_603, %add3A_613 : i32
      %get3A_615 = arith.index_cast %add3A_614 : i32 to index
      %get3A_616 = arith.constant 0 : index
      %get3A_617 = arith.constant 0 : index
      %get3A_618 = vector.load %arg6[%get3A_615, %get3A_616, %get3A_617] : memref<324x32x320xbf16, #tpu.memory_space<vmem>>, vector<1x32x320xbf16>
      %get3A_619 = vector.shape_cast %get3A_618 : vector<1x32x320xbf16> to vector<32x320xbf16>
      %convert_element_type3A_620 = arith.truncf %dot_general3A_602 : vector<32x320xf32> to vector<32x320xbf16>
      %broadcast_in_dim3A_621 = vector.shape_cast %eq3A_612 : vector<1x320xi1> to vector<1x320xi1>
      %broadcast_in_dim3A_622 = vector.broadcast %broadcast_in_dim3A_621 : vector<1x320xi1> to vector<32x320xi1>
      %select_n3A_623 = arith.select %broadcast_in_dim3A_622, %get3A_619, %convert_element_type3A_620 : vector<32x320xi1>, vector<32x320xbf16>
      %add3A_624 = arith.constant 2 : i32
      %add3A_625 = arith.addi %add3A_603, %add3A_624 : i32
      %swap3A_626 = arith.index_cast %add3A_625 : i32 to index
      %swap3A_627 = arith.constant 0 : index
      %swap3A_628 = arith.constant 0 : index
      %swap3A_629 = vector.load %arg7[%swap3A_626, %swap3A_627, %swap3A_628] : memref<324x32x320xbf16, #tpu.memory_space<vmem>>, vector<1x32x320xbf16>
      %swap3A_630 = vector.shape_cast %swap3A_629 : vector<1x32x320xbf16> to vector<32x320xbf16>
      %swap3A_631 = vector.shape_cast %select_n3A_623 : vector<32x320xbf16> to vector<1x32x320xbf16>
      tpu.vector_store %arg7[%swap3A_626, %swap3A_627, %swap3A_628], %swap3A_631 {strides = array<i32>} : memref<324x32x320xbf16, #tpu.memory_space<vmem>>, vector<1x32x320xbf16>,
      %mul3A_632 = arith.constant 32 : i32
      %mul3A_633 = arith.muli %scan3A_117, %mul3A_632 : i32
      %add3A_634 = arith.constant 13 : i32
      %add3A_635 = arith.addi %mul3A_633, %add3A_634 : i32
      %get3A_636 = arith.index_cast %add3A_635 : i32 to index
      %get3A_637 = arith.constant 0 : index
      %get3A_638 = arith.constant 0 : index
      %get3A_639 = vector.load %arg8[%get3A_636, %get3A_637, %get3A_638] : memref<36x160x320xbf16, #tpu.memory_space<vmem>>, vector<5x160x320xbf16>
      %reshape3A_640 = vector.shape_cast %get3A_639 : vector<5x160x320xbf16> to vector<800x320xbf16>
      %dot_general3A_641 = arith.constant dense<0.000000e+00> : vector<32x320xf32>
      %dot_general3A_642 = tpu.matmul %get3A_37, %reshape3A_640, %dot_general3A_641 {dimension_numbers = #tpu.dot_dimension_numbers<[1], [0], [0], [1], [0, 0, 1, 1], [], []>, transpose_lhs_hint = false} : vector<32x800xbf16>, vector<800x320xbf16>, vector<32x320xf32> -> vector<32x320xf32>
      %add3A_643 = arith.addi %mul3A_52, %add3A_635 : i32
      %get3A_644 = arith.constant 0 : index
      %get3A_645 = arith.index_cast %add3A_643 : i32 to index
      %get3A_646 = arith.constant 0 : index
      %get3A_647 = vector.load %arg2[%get3A_644, %get3A_645, %get3A_646] : memref<1x320x320xf32, #tpu.memory_space<vmem>>, vector<1x1x320xf32>
      %get3A_648 = vector.shape_cast %get3A_647 : vector<1x1x320xf32> to vector<320xf32>
      %broadcast_in_dim3A_649 = vector.shape_cast %get3A_648 : vector<320xf32> to vector<1x320xf32>
      %eq3A_650 = arith.constant 1.000000e+00 : f32
      %eq3A_651 = vector.broadcast %eq3A_650 : f32 to vector<1x320xf32>
      %eq3A_652 = arith.cmpf oeq, %broadcast_in_dim3A_649, %eq3A_651 : vector<1x320xf32>
      %add3A_653 = arith.constant 2 : i32
      %add3A_654 = arith.addi %add3A_643, %add3A_653 : i32
      %get3A_655 = arith.index_cast %add3A_654 : i32 to index
      %get3A_656 = arith.constant 0 : index
      %get3A_657 = arith.constant 0 : index
      %get3A_658 = vector.load %arg6[%get3A_655, %get3A_656, %get3A_657] : memref<324x32x320xbf16, #tpu.memory_space<vmem>>, vector<1x32x320xbf16>
      %get3A_659 = vector.shape_cast %get3A_658 : vector<1x32x320xbf16> to vector<32x320xbf16>
      %convert_element_type3A_660 = arith.truncf %dot_general3A_642 : vector<32x320xf32> to vector<32x320xbf16>
      %broadcast_in_dim3A_661 = vector.shape_cast %eq3A_652 : vector<1x320xi1> to vector<1x320xi1>
      %broadcast_in_dim3A_662 = vector.broadcast %broadcast_in_dim3A_661 : vector<1x320xi1> to vector<32x320xi1>
      %select_n3A_663 = arith.select %broadcast_in_dim3A_662, %get3A_659, %convert_element_type3A_660 : vector<32x320xi1>, vector<32x320xbf16>
      %add3A_664 = arith.constant 2 : i32
      %add3A_665 = arith.addi %add3A_643, %add3A_664 : i32
      %swap3A_666 = arith.index_cast %add3A_665 : i32 to index
      %swap3A_667 = arith.constant 0 : index
      %swap3A_668 = arith.constant 0 : index
      %swap3A_669 = vector.load %arg7[%swap3A_666, %swap3A_667, %swap3A_668] : memref<324x32x320xbf16, #tpu.memory_space<vmem>>, vector<1x32x320xbf16>
      %swap3A_670 = vector.shape_cast %swap3A_669 : vector<1x32x320xbf16> to vector<32x320xbf16>
      %swap3A_671 = vector.shape_cast %select_n3A_663 : vector<32x320xbf16> to vector<1x32x320xbf16>
      tpu.vector_store %arg7[%swap3A_666, %swap3A_667, %swap3A_668], %swap3A_671 {strides = array<i32>} : memref<324x32x320xbf16, #tpu.memory_space<vmem>>, vector<1x32x320xbf16>,
      %mul3A_672 = arith.constant 32 : i32
      %mul3A_673 = arith.muli %scan3A_117, %mul3A_672 : i32
      %add3A_674 = arith.constant 14 : i32
      %add3A_675 = arith.addi %mul3A_673, %add3A_674 : i32
      %get3A_676 = arith.index_cast %add3A_675 : i32 to index
      %get3A_677 = arith.constant 0 : index
      %get3A_678 = arith.constant 0 : index
      %get3A_679 = vector.load %arg8[%get3A_676, %get3A_677, %get3A_678] : memref<36x160x320xbf16, #tpu.memory_space<vmem>>, vector<5x160x320xbf16>
      %reshape3A_680 = vector.shape_cast %get3A_679 : vector<5x160x320xbf16> to vector<800x320xbf16>
      %dot_general3A_681 = arith.constant dense<0.000000e+00> : vector<32x320xf32>
      %dot_general3A_682 = tpu.matmul %get3A_37, %reshape3A_680, %dot_general3A_681 {dimension_numbers = #tpu.dot_dimension_numbers<[1], [0], [0], [1], [0, 0, 1, 1], [], []>, transpose_lhs_hint = false} : vector<32x800xbf16>, vector<800x320xbf16>, vector<32x320xf32> -> vector<32x320xf32>
      %add3A_683 = arith.addi %mul3A_52, %add3A_675 : i32
      %get3A_684 = arith.constant 0 : index
      %get3A_685 = arith.index_cast %add3A_683 : i32 to index
      %get3A_686 = arith.constant 0 : index
      %get3A_687 = vector.load %arg2[%get3A_684, %get3A_685, %get3A_686] : memref<1x320x320xf32, #tpu.memory_space<vmem>>, vector<1x1x320xf32>
      %get3A_688 = vector.shape_cast %get3A_687 : vector<1x1x320xf32> to vector<320xf32>
      %broadcast_in_dim3A_689 = vector.shape_cast %get3A_688 : vector<320xf32> to vector<1x320xf32>
      %eq3A_690 = arith.constant 1.000000e+00 : f32
      %eq3A_691 = vector.broadcast %eq3A_690 : f32 to vector<1x320xf32>
      %eq3A_692 = arith.cmpf oeq, %broadcast_in_dim3A_689, %eq3A_691 : vector<1x320xf32>
      %add3A_693 = arith.constant 2 : i32
      %add3A_694 = arith.addi %add3A_683, %add3A_693 : i32
      %get3A_695 = arith.index_cast %add3A_694 : i32 to index
      %get3A_696 = arith.constant 0 : index
      %get3A_697 = arith.constant 0 : index
      %get3A_698 = vector.load %arg6[%get3A_695, %get3A_696, %get3A_697] : memref<324x32x320xbf16, #tpu.memory_space<vmem>>, vector<1x32x320xbf16>
      %get3A_699 = vector.shape_cast %get3A_698 : vector<1x32x320xbf16> to vector<32x320xbf16>
      %convert_element_type3A_700 = arith.truncf %dot_general3A_682 : vector<32x320xf32> to vector<32x320xbf16>
      %broadcast_in_dim3A_701 = vector.shape_cast %eq3A_692 : vector<1x320xi1> to vector<1x320xi1>
      %broadcast_in_dim3A_702 = vector.broadcast %broadcast_in_dim3A_701 : vector<1x320xi1> to vector<32x320xi1>
      %select_n3A_703 = arith.select %broadcast_in_dim3A_702, %get3A_699, %convert_element_type3A_700 : vector<32x320xi1>, vector<32x320xbf16>
      %add3A_704 = arith.constant 2 : i32
      %add3A_705 = arith.addi %add3A_683, %add3A_704 : i32
      %swap3A_706 = arith.index_cast %add3A_705 : i32 to index
      %swap3A_707 = arith.constant 0 : index
      %swap3A_708 = arith.constant 0 : index
      %swap3A_709 = vector.load %arg7[%swap3A_706, %swap3A_707, %swap3A_708] : memref<324x32x320xbf16, #tpu.memory_space<vmem>>, vector<1x32x320xbf16>
      %swap3A_710 = vector.shape_cast %swap3A_709 : vector<1x32x320xbf16> to vector<32x320xbf16>
      %swap3A_711 = vector.shape_cast %select_n3A_703 : vector<32x320xbf16> to vector<1x32x320xbf16>
      tpu.vector_store %arg7[%swap3A_706, %swap3A_707, %swap3A_708], %swap3A_711 {strides = array<i32>} : memref<324x32x320xbf16, #tpu.memory_space<vmem>>, vector<1x32x320xbf16>,
      %mul3A_712 = arith.constant 32 : i32
      %mul3A_713 = arith.muli %scan3A_117, %mul3A_712 : i32
      %add3A_714 = arith.constant 15 : i32
      %add3A_715 = arith.addi %mul3A_713, %add3A_714 : i32
      %get3A_716 = arith.index_cast %add3A_715 : i32 to index
      %get3A_717 = arith.constant 0 : index
      %get3A_718 = arith.constant 0 : index
      %get3A_719 = vector.load %arg8[%get3A_716, %get3A_717, %get3A_718] : memref<36x160x320xbf16, #tpu.memory_space<vmem>>, vector<5x160x320xbf16>
      %reshape3A_720 = vector.shape_cast %get3A_719 : vector<5x160x320xbf16> to vector<800x320xbf16>
      %dot_general3A_721 = arith.constant dense<0.000000e+00> : vector<32x320xf32>
      %dot_general3A_722 = tpu.matmul %get3A_37, %reshape3A_720, %dot_general3A_721 {dimension_numbers = #tpu.dot_dimension_numbers<[1], [0], [0], [1], [0, 0, 1, 1], [], []>, transpose_lhs_hint = false} : vector<32x800xbf16>, vector<800x320xbf16>, vector<32x320xf32> -> vector<32x320xf32>
      %add3A_723 = arith.addi %mul3A_52, %add3A_715 : i32
      %get3A_724 = arith.constant 0 : index
      %get3A_725 = arith.index_cast %add3A_723 : i32 to index
      %get3A_726 = arith.constant 0 : index
      %get3A_727 = vector.load %arg2[%get3A_724, %get3A_725, %get3A_726] : memref<1x320x320xf32, #tpu.memory_space<vmem>>, vector<1x1x320xf32>
      %get3A_728 = vector.shape_cast %get3A_727 : vector<1x1x320xf32> to vector<320xf32>
      %broadcast_in_dim3A_729 = vector.shape_cast %get3A_728 : vector<320xf32> to vector<1x320xf32>
      %eq3A_730 = arith.constant 1.000000e+00 : f32
      %eq3A_731 = vector.broadcast %eq3A_730 : f32 to vector<1x320xf32>
      %eq3A_732 = arith.cmpf oeq, %broadcast_in_dim3A_729, %eq3A_731 : vector<1x320xf32>
      %add3A_733 = arith.constant 2 : i32
      %add3A_734 = arith.addi %add3A_723, %add3A_733 : i32
      %get3A_735 = arith.index_cast %add3A_734 : i32 to index
      %get3A_736 = arith.constant 0 : index
      %get3A_737 = arith.constant 0 : index
      %get3A_738 = vector.load %arg6[%get3A_735, %get3A_736, %get3A_737] : memref<324x32x320xbf16, #tpu.memory_space<vmem>>, vector<1x32x320xbf16>
      %get3A_739 = vector.shape_cast %get3A_738 : vector<1x32x320xbf16> to vector<32x320xbf16>
      %convert_element_type3A_740 = arith.truncf %dot_general3A_722 : vector<32x320xf32> to vector<32x320xbf16>
      %broadcast_in_dim3A_741 = vector.shape_cast %eq3A_732 : vector<1x320xi1> to vector<1x320xi1>
      %broadcast_in_dim3A_742 = vector.broadcast %broadcast_in_dim3A_741 : vector<1x320xi1> to vector<32x320xi1>
      %select_n3A_743 = arith.select %broadcast_in_dim3A_742, %get3A_739, %convert_element_type3A_740 : vector<32x320xi1>, vector<32x320xbf16>
      %add3A_744 = arith.constant 2 : i32
      %add3A_745 = arith.addi %add3A_723, %add3A_744 : i32
      %swap3A_746 = arith.index_cast %add3A_745 : i32 to index
      %swap3A_747 = arith.constant 0 : index
      %swap3A_748 = arith.constant 0 : index
      %swap3A_749 = vector.load %arg7[%swap3A_746, %swap3A_747, %swap3A_748] : memref<324x32x320xbf16, #tpu.memory_space<vmem>>, vector<1x32x320xbf16>
      %swap3A_750 = vector.shape_cast %swap3A_749 : vector<1x32x320xbf16> to vector<32x320xbf16>
      %swap3A_751 = vector.shape_cast %select_n3A_743 : vector<32x320xbf16> to vector<1x32x320xbf16>
      tpu.vector_store %arg7[%swap3A_746, %swap3A_747, %swap3A_748], %swap3A_751 {strides = array<i32>} : memref<324x32x320xbf16, #tpu.memory_space<vmem>>, vector<1x32x320xbf16>,
      %mul3A_752 = arith.constant 32 : i32
      %mul3A_753 = arith.muli %scan3A_117, %mul3A_752 : i32
      %add3A_754 = arith.constant 16 : i32
      %add3A_755 = arith.addi %mul3A_753, %add3A_754 : i32
      %get3A_756 = arith.index_cast %add3A_755 : i32 to index
      %get3A_757 = arith.constant 0 : index
      %get3A_758 = arith.constant 0 : index
      %get3A_759 = vector.load %arg8[%get3A_756, %get3A_757, %get3A_758] : memref<36x160x320xbf16, #tpu.memory_space<vmem>>, vector<5x160x320xbf16>
      %reshape3A_760 = vector.shape_cast %get3A_759 : vector<5x160x320xbf16> to vector<800x320xbf16>
      %dot_general3A_761 = arith.constant dense<0.000000e+00> : vector<32x320xf32>
      %dot_general3A_762 = tpu.matmul %get3A_37, %reshape3A_760, %dot_general3A_761 {dimension_numbers = #tpu.dot_dimension_numbers<[1], [0], [0], [1], [0, 0, 1, 1], [], []>, transpose_lhs_hint = false} : vector<32x800xbf16>, vector<800x320xbf16>, vector<32x320xf32> -> vector<32x320xf32>
      %add3A_763 = arith.addi %mul3A_52, %add3A_755 : i32
      %get3A_764 = arith.constant 0 : index
      %get3A_765 = arith.index_cast %add3A_763 : i32 to index
      %get3A_766 = arith.constant 0 : index
      %get3A_767 = vector.load %arg2[%get3A_764, %get3A_765, %get3A_766] : memref<1x320x320xf32, #tpu.memory_space<vmem>>, vector<1x1x320xf32>
      %get3A_768 = vector.shape_cast %get3A_767 : vector<1x1x320xf32> to vector<320xf32>
      %broadcast_in_dim3A_769 = vector.shape_cast %get3A_768 : vector<320xf32> to vector<1x320xf32>
      %eq3A_770 = arith.constant 1.000000e+00 : f32
      %eq3A_771 = vector.broadcast %eq3A_770 : f32 to vector<1x320xf32>
      %eq3A_772 = arith.cmpf oeq, %broadcast_in_dim3A_769, %eq3A_771 : vector<1x320xf32>
      %add3A_773 = arith.constant 2 : i32
      %add3A_774 = arith.addi %add3A_763, %add3A_773 : i32
      %get3A_775 = arith.index_cast %add3A_774 : i32 to index
      %get3A_776 = arith.constant 0 : index
      %get3A_777 = arith.constant 0 : index
      %get3A_778 = vector.load %arg6[%get3A_775, %get3A_776, %get3A_777] : memref<324x32x320xbf16, #tpu.memory_space<vmem>>, vector<1x32x320xbf16>
      %get3A_779 = vector.shape_cast %get3A_778 : vector<1x32x320xbf16> to vector<32x320xbf16>
      %convert_element_type3A_780 = arith.truncf %dot_general3A_762 : vector<32x320xf32> to vector<32x320xbf16>
      %broadcast_in_dim3A_781 = vector.shape_cast %eq3A_772 : vector<1x320xi1> to vector<1x320xi1>
      %broadcast_in_dim3A_782 = vector.broadcast %broadcast_in_dim3A_781 : vector<1x320xi1> to vector<32x320xi1>
      %select_n3A_783 = arith.select %broadcast_in_dim3A_782, %get3A_779, %convert_element_type3A_780 : vector<32x320xi1>, vector<32x320xbf16>
      %add3A_784 = arith.constant 2 : i32
      %add3A_785 = arith.addi %add3A_763, %add3A_784 : i32
      %swap3A_786 = arith.index_cast %add3A_785 : i32 to index
      %swap3A_787 = arith.constant 0 : index
      %swap3A_788 = arith.constant 0 : index
      %swap3A_789 = vector.load %arg7[%swap3A_786, %swap3A_787, %swap3A_788] : memref<324x32x320xbf16, #tpu.memory_space<vmem>>, vector<1x32x320xbf16>
      %swap3A_790 = vector.shape_cast %swap3A_789 : vector<1x32x320xbf16> to vector<32x320xbf16>
      %swap3A_791 = vector.shape_cast %select_n3A_783 : vector<32x320xbf16> to vector<1x32x320xbf16>
      tpu.vector_store %arg7[%swap3A_786, %swap3A_787, %swap3A_788], %swap3A_791 {strides = array<i32>} : memref<324x32x320xbf16, #tpu.memory_space<vmem>>, vector<1x32x320xbf16>,
      %mul3A_792 = arith.constant 32 : i32
      %mul3A_793 = arith.muli %scan3A_117, %mul3A_792 : i32
      %add3A_794 = arith.constant 17 : i32
      %add3A_795 = arith.addi %mul3A_793, %add3A_794 : i32
      %get3A_796 = arith.index_cast %add3A_795 : i32 to index
      %get3A_797 = arith.constant 0 : index
      %get3A_798 = arith.constant 0 : index
      %get3A_799 = vector.load %arg8[%get3A_796, %get3A_797, %get3A_798] : memref<36x160x320xbf16, #tpu.memory_space<vmem>>, vector<5x160x320xbf16>
      %reshape3A_800 = vector.shape_cast %get3A_799 : vector<5x160x320xbf16> to vector<800x320xbf16>
      %dot_general3A_801 = arith.constant dense<0.000000e+00> : vector<32x320xf32>
      %dot_general3A_802 = tpu.matmul %get3A_37, %reshape3A_800, %dot_general3A_801 {dimension_numbers = #tpu.dot_dimension_numbers<[1], [0], [0], [1], [0, 0, 1, 1], [], []>, transpose_lhs_hint = false} : vector<32x800xbf16>, vector<800x320xbf16>, vector<32x320xf32> -> vector<32x320xf32>
      %add3A_803 = arith.addi %mul3A_52, %add3A_795 : i32
      %get3A_804 = arith.constant 0 : index
      %get3A_805 = arith.index_cast %add3A_803 : i32 to index
      %get3A_806 = arith.constant 0 : index
      %get3A_807 = vector.load %arg2[%get3A_804, %get3A_805, %get3A_806] : memref<1x320x320xf32, #tpu.memory_space<vmem>>, vector<1x1x320xf32>
      %get3A_808 = vector.shape_cast %get3A_807 : vector<1x1x320xf32> to vector<320xf32>
      %broadcast_in_dim3A_809 = vector.shape_cast %get3A_808 : vector<320xf32> to vector<1x320xf32>
      %eq3A_810 = arith.constant 1.000000e+00 : f32
      %eq3A_811 = vector.broadcast %eq3A_810 : f32 to vector<1x320xf32>
      %eq3A_812 = arith.cmpf oeq, %broadcast_in_dim3A_809, %eq3A_811 : vector<1x320xf32>
      %add3A_813 = arith.constant 2 : i32
      %add3A_814 = arith.addi %add3A_803, %add3A_813 : i32
      %get3A_815 = arith.index_cast %add3A_814 : i32 to index
      %get3A_816 = arith.constant 0 : index
      %get3A_817 = arith.constant 0 : index
      %get3A_818 = vector.load %arg6[%get3A_815, %get3A_816, %get3A_817] : memref<324x32x320xbf16, #tpu.memory_space<vmem>>, vector<1x32x320xbf16>
      %get3A_819 = vector.shape_cast %get3A_818 : vector<1x32x320xbf16> to vector<32x320xbf16>
      %convert_element_type3A_820 = arith.truncf %dot_general3A_802 : vector<32x320xf32> to vector<32x320xbf16>
      %broadcast_in_dim3A_821 = vector.shape_cast %eq3A_812 : vector<1x320xi1> to vector<1x320xi1>
      %broadcast_in_dim3A_822 = vector.broadcast %broadcast_in_dim3A_821 : vector<1x320xi1> to vector<32x320xi1>
      %select_n3A_823 = arith.select %broadcast_in_dim3A_822, %get3A_819, %convert_element_type3A_820 : vector<32x320xi1>, vector<32x320xbf16>
      %add3A_824 = arith.constant 2 : i32
      %add3A_825 = arith.addi %add3A_803, %add3A_824 : i32
      %swap3A_826 = arith.index_cast %add3A_825 : i32 to index
      %swap3A_827 = arith.constant 0 : index
      %swap3A_828 = arith.constant 0 : index
      %swap3A_829 = vector.load %arg7[%swap3A_826, %swap3A_827, %swap3A_828] : memref<324x32x320xbf16, #tpu.memory_space<vmem>>, vector<1x32x320xbf16>
      %swap3A_830 = vector.shape_cast %swap3A_829 : vector<1x32x320xbf16> to vector<32x320xbf16>
      %swap3A_831 = vector.shape_cast %select_n3A_823 : vector<32x320xbf16> to vector<1x32x320xbf16>
      tpu.vector_store %arg7[%swap3A_826, %swap3A_827, %swap3A_828], %swap3A_831 {strides = array<i32>} : memref<324x32x320xbf16, #tpu.memory_space<vmem>>, vector<1x32x320xbf16>,
      %mul3A_832 = arith.constant 32 : i32
      %mul3A_833 = arith.muli %scan3A_117, %mul3A_832 : i32
      %add3A_834 = arith.constant 18 : i32
      %add3A_835 = arith.addi %mul3A_833, %add3A_834 : i32
      %get3A_836 = arith.index_cast %add3A_835 : i32 to index
      %get3A_837 = arith.constant 0 : index
      %get3A_838 = arith.constant 0 : index
      %get3A_839 = vector.load %arg8[%get3A_836, %get3A_837, %get3A_838] : memref<36x160x320xbf16, #tpu.memory_space<vmem>>, vector<5x160x320xbf16>
      %reshape3A_840 = vector.shape_cast %get3A_839 : vector<5x160x320xbf16> to vector<800x320xbf16>
      %dot_general3A_841 = arith.constant dense<0.000000e+00> : vector<32x320xf32>
      %dot_general3A_842 = tpu.matmul %get3A_37, %reshape3A_840, %dot_general3A_841 {dimension_numbers = #tpu.dot_dimension_numbers<[1], [0], [0], [1], [0, 0, 1, 1], [], []>, transpose_lhs_hint = false} : vector<32x800xbf16>, vector<800x320xbf16>, vector<32x320xf32> -> vector<32x320xf32>
      %add3A_843 = arith.addi %mul3A_52, %add3A_835 : i32
      %get3A_844 = arith.constant 0 : index
      %get3A_845 = arith.index_cast %add3A_843 : i32 to index
      %get3A_846 = arith.constant 0 : index
      %get3A_847 = vector.load %arg2[%get3A_844, %get3A_845, %get3A_846] : memref<1x320x320xf32, #tpu.memory_space<vmem>>, vector<1x1x320xf32>
      %get3A_848 = vector.shape_cast %get3A_847 : vector<1x1x320xf32> to vector<320xf32>
      %broadcast_in_dim3A_849 = vector.shape_cast %get3A_848 : vector<320xf32> to vector<1x320xf32>
      %eq3A_850 = arith.constant 1.000000e+00 : f32
      %eq3A_851 = vector.broadcast %eq3A_850 : f32 to vector<1x320xf32>
      %eq3A_852 = arith.cmpf oeq, %broadcast_in_dim3A_849, %eq3A_851 : vector<1x320xf32>
      %add3A_853 = arith.constant 2 : i32
      %add3A_854 = arith.addi %add3A_843, %add3A_853 : i32
      %get3A_855 = arith.index_cast %add3A_854 : i32 to index
      %get3A_856 = arith.constant 0 : index
      %get3A_857 = arith.constant 0 : index
      %get3A_858 = vector.load %arg6[%get3A_855, %get3A_856, %get3A_857] : memref<324x32x320xbf16, #tpu.memory_space<vmem>>, vector<1x32x320xbf16>
      %get3A_859 = vector.shape_cast %get3A_858 : vector<1x32x320xbf16> to vector<32x320xbf16>
      %convert_element_type3A_860 = arith.truncf %dot_general3A_842 : vector<32x320xf32> to vector<32x320xbf16>
      %broadcast_in_dim3A_861 = vector.shape_cast %eq3A_852 : vector<1x320xi1> to vector<1x320xi1>
      %broadcast_in_dim3A_862 = vector.broadcast %broadcast_in_dim3A_861 : vector<1x320xi1> to vector<32x320xi1>
      %select_n3A_863 = arith.select %broadcast_in_dim3A_862, %get3A_859, %convert_element_type3A_860 : vector<32x320xi1>, vector<32x320xbf16>
      %add3A_864 = arith.constant 2 : i32
      %add3A_865 = arith.addi %add3A_843, %add3A_864 : i32
      %swap3A_866 = arith.index_cast %add3A_865 : i32 to index
      %swap3A_867 = arith.constant 0 : index
      %swap3A_868 = arith.constant 0 : index
      %swap3A_869 = vector.load %arg7[%swap3A_866, %swap3A_867, %swap3A_868] : memref<324x32x320xbf16, #tpu.memory_space<vmem>>, vector<1x32x320xbf16>
      %swap3A_870 = vector.shape_cast %swap3A_869 : vector<1x32x320xbf16> to vector<32x320xbf16>
      %swap3A_871 = vector.shape_cast %select_n3A_863 : vector<32x320xbf16> to vector<1x32x320xbf16>
      tpu.vector_store %arg7[%swap3A_866, %swap3A_867, %swap3A_868], %swap3A_871 {strides = array<i32>} : memref<324x32x320xbf16, #tpu.memory_space<vmem>>, vector<1x32x320xbf16>,
      %mul3A_872 = arith.constant 32 : i32
      %mul3A_873 = arith.muli %scan3A_117, %mul3A_872 : i32
      %add3A_874 = arith.constant 19 : i32
      %add3A_875 = arith.addi %mul3A_873, %add3A_874 : i32
      %get3A_876 = arith.index_cast %add3A_875 : i32 to index
      %get3A_877 = arith.constant 0 : index
      %get3A_878 = arith.constant 0 : index
      %get3A_879 = vector.load %arg8[%get3A_876, %get3A_877, %get3A_878] : memref<36x160x320xbf16, #tpu.memory_space<vmem>>, vector<5x160x320xbf16>
      %reshape3A_880 = vector.shape_cast %get3A_879 : vector<5x160x320xbf16> to vector<800x320xbf16>
      %dot_general3A_881 = arith.constant dense<0.000000e+00> : vector<32x320xf32>
      %dot_general3A_882 = tpu.matmul %get3A_37, %reshape3A_880, %dot_general3A_881 {dimension_numbers = #tpu.dot_dimension_numbers<[1], [0], [0], [1], [0, 0, 1, 1], [], []>, transpose_lhs_hint = false} : vector<32x800xbf16>, vector<800x320xbf16>, vector<32x320xf32> -> vector<32x320xf32>
      %add3A_883 = arith.addi %mul3A_52, %add3A_875 : i32
      %get3A_884 = arith.constant 0 : index
      %get3A_885 = arith.index_cast %add3A_883 : i32 to index
      %get3A_886 = arith.constant 0 : index
      %get3A_887 = vector.load %arg2[%get3A_884, %get3A_885, %get3A_886] : memref<1x320x320xf32, #tpu.memory_space<vmem>>, vector<1x1x320xf32>
      %get3A_888 = vector.shape_cast %get3A_887 : vector<1x1x320xf32> to vector<320xf32>
      %broadcast_in_dim3A_889 = vector.shape_cast %get3A_888 : vector<320xf32> to vector<1x320xf32>
      %eq3A_890 = arith.constant 1.000000e+00 : f32
      %eq3A_891 = vector.broadcast %eq3A_890 : f32 to vector<1x320xf32>
      %eq3A_892 = arith.cmpf oeq, %broadcast_in_dim3A_889, %eq3A_891 : vector<1x320xf32>
      %add3A_893 = arith.constant 2 : i32
      %add3A_894 = arith.addi %add3A_883, %add3A_893 : i32
      %get3A_895 = arith.index_cast %add3A_894 : i32 to index
      %get3A_896 = arith.constant 0 : index
      %get3A_897 = arith.constant 0 : index
      %get3A_898 = vector.load %arg6[%get3A_895, %get3A_896, %get3A_897] : memref<324x32x320xbf16, #tpu.memory_space<vmem>>, vector<1x32x320xbf16>
      %get3A_899 = vector.shape_cast %get3A_898 : vector<1x32x320xbf16> to vector<32x320xbf16>
      %convert_element_type3A_900 = arith.truncf %dot_general3A_882 : vector<32x320xf32> to vector<32x320xbf16>
      %broadcast_in_dim3A_901 = vector.shape_cast %eq3A_892 : vector<1x320xi1> to vector<1x320xi1>
      %broadcast_in_dim3A_902 = vector.broadcast %broadcast_in_dim3A_901 : vector<1x320xi1> to vector<32x320xi1>
      %select_n3A_903 = arith.select %broadcast_in_dim3A_902, %get3A_899, %convert_element_type3A_900 : vector<32x320xi1>, vector<32x320xbf16>
      %add3A_904 = arith.constant 2 : i32
      %add3A_905 = arith.addi %add3A_883, %add3A_904 : i32
      %swap3A_906 = arith.index_cast %add3A_905 : i32 to index
      %swap3A_907 = arith.constant 0 : index
      %swap3A_908 = arith.constant 0 : index
      %swap3A_909 = vector.load %arg7[%swap3A_906, %swap3A_907, %swap3A_908] : memref<324x32x320xbf16, #tpu.memory_space<vmem>>, vector<1x32x320xbf16>
      %swap3A_910 = vector.shape_cast %swap3A_909 : vector<1x32x320xbf16> to vector<32x320xbf16>
      %swap3A_911 = vector.shape_cast %select_n3A_903 : vector<32x320xbf16> to vector<1x32x320xbf16>
      tpu.vector_store %arg7[%swap3A_906, %swap3A_907, %swap3A_908], %swap3A_911 {strides = array<i32>} : memref<324x32x320xbf16, #tpu.memory_space<vmem>>, vector<1x32x320xbf16>,
      %mul3A_912 = arith.constant 32 : i32
      %mul3A_913 = arith.muli %scan3A_117, %mul3A_912 : i32
      %add3A_914 = arith.constant 20 : i32
      %add3A_915 = arith.addi %mul3A_913, %add3A_914 : i32
      %get3A_916 = arith.index_cast %add3A_915 : i32 to index
      %get3A_917 = arith.constant 0 : index
      %get3A_918 = arith.constant 0 : index
      %get3A_919 = vector.load %arg8[%get3A_916, %get3A_917, %get3A_918] : memref<36x160x320xbf16, #tpu.memory_space<vmem>>, vector<5x160x320xbf16>
      %reshape3A_920 = vector.shape_cast %get3A_919 : vector<5x160x320xbf16> to vector<800x320xbf16>
      %dot_general3A_921 = arith.constant dense<0.000000e+00> : vector<32x320xf32>
      %dot_general3A_922 = tpu.matmul %get3A_37, %reshape3A_920, %dot_general3A_921 {dimension_numbers = #tpu.dot_dimension_numbers<[1], [0], [0], [1], [0, 0, 1, 1], [], []>, transpose_lhs_hint = false} : vector<32x800xbf16>, vector<800x320xbf16>, vector<32x320xf32> -> vector<32x320xf32>
      %add3A_923 = arith.addi %mul3A_52, %add3A_915 : i32
      %get3A_924 = arith.constant 0 : index
      %get3A_925 = arith.index_cast %add3A_923 : i32 to index
      %get3A_926 = arith.constant 0 : index
      %get3A_927 = vector.load %arg2[%get3A_924, %get3A_925, %get3A_926] : memref<1x320x320xf32, #tpu.memory_space<vmem>>, vector<1x1x320xf32>
      %get3A_928 = vector.shape_cast %get3A_927 : vector<1x1x320xf32> to vector<320xf32>
      %broadcast_in_dim3A_929 = vector.shape_cast %get3A_928 : vector<320xf32> to vector<1x320xf32>
      %eq3A_930 = arith.constant 1.000000e+00 : f32
      %eq3A_931 = vector.broadcast %eq3A_930 : f32 to vector<1x320xf32>
      %eq3A_932 = arith.cmpf oeq, %broadcast_in_dim3A_929, %eq3A_931 : vector<1x320xf32>
      %add3A_933 = arith.constant 2 : i32
      %add3A_934 = arith.addi %add3A_923, %add3A_933 : i32
      %get3A_935 = arith.index_cast %add3A_934 : i32 to index
      %get3A_936 = arith.constant 0 : index
      %get3A_937 = arith.constant 0 : index
      %get3A_938 = vector.load %arg6[%get3A_935, %get3A_936, %get3A_937] : memref<324x32x320xbf16, #tpu.memory_space<vmem>>, vector<1x32x320xbf16>
      %get3A_939 = vector.shape_cast %get3A_938 : vector<1x32x320xbf16> to vector<32x320xbf16>
      %convert_element_type3A_940 = arith.truncf %dot_general3A_922 : vector<32x320xf32> to vector<32x320xbf16>
      %broadcast_in_dim3A_941 = vector.shape_cast %eq3A_932 : vector<1x320xi1> to vector<1x320xi1>
      %broadcast_in_dim3A_942 = vector.broadcast %broadcast_in_dim3A_941 : vector<1x320xi1> to vector<32x320xi1>
      %select_n3A_943 = arith.select %broadcast_in_dim3A_942, %get3A_939, %convert_element_type3A_940 : vector<32x320xi1>, vector<32x320xbf16>
      %add3A_944 = arith.constant 2 : i32
      %add3A_945 = arith.addi %add3A_923, %add3A_944 : i32
      %swap3A_946 = arith.index_cast %add3A_945 : i32 to index
      %swap3A_947 = arith.constant 0 : index
      %swap3A_948 = arith.constant 0 : index
      %swap3A_949 = vector.load %arg7[%swap3A_946, %swap3A_947, %swap3A_948] : memref<324x32x320xbf16, #tpu.memory_space<vmem>>, vector<1x32x320xbf16>
      %swap3A_950 = vector.shape_cast %swap3A_949 : vector<1x32x320xbf16> to vector<32x320xbf16>
      %swap3A_951 = vector.shape_cast %select_n3A_943 : vector<32x320xbf16> to vector<1x32x320xbf16>
      tpu.vector_store %arg7[%swap3A_946, %swap3A_947, %swap3A_948], %swap3A_951 {strides = array<i32>} : memref<324x32x320xbf16, #tpu.memory_space<vmem>>, vector<1x32x320xbf16>,
      %mul3A_952 = arith.constant 32 : i32
      %mul3A_953 = arith.muli %scan3A_117, %mul3A_952 : i32
      %add3A_954 = arith.constant 21 : i32
      %add3A_955 = arith.addi %mul3A_953, %add3A_954 : i32
      %get3A_956 = arith.index_cast %add3A_955 : i32 to index
      %get3A_957 = arith.constant 0 : index
      %get3A_958 = arith.constant 0 : index
      %get3A_959 = vector.load %arg8[%get3A_956, %get3A_957, %get3A_958] : memref<36x160x320xbf16, #tpu.memory_space<vmem>>, vector<5x160x320xbf16>
      %reshape3A_960 = vector.shape_cast %get3A_959 : vector<5x160x320xbf16> to vector<800x320xbf16>
      %dot_general3A_961 = arith.constant dense<0.000000e+00> : vector<32x320xf32>
      %dot_general3A_962 = tpu.matmul %get3A_37, %reshape3A_960, %dot_general3A_961 {dimension_numbers = #tpu.dot_dimension_numbers<[1], [0], [0], [1], [0, 0, 1, 1], [], []>, transpose_lhs_hint = false} : vector<32x800xbf16>, vector<800x320xbf16>, vector<32x320xf32> -> vector<32x320xf32>
      %add3A_963 = arith.addi %mul3A_52, %add3A_955 : i32
      %get3A_964 = arith.constant 0 : index
      %get3A_965 = arith.index_cast %add3A_963 : i32 to index
      %get3A_966 = arith.constant 0 : index
      %get3A_967 = vector.load %arg2[%get3A_964, %get3A_965, %get3A_966] : memref<1x320x320xf32, #tpu.memory_space<vmem>>, vector<1x1x320xf32>
      %get3A_968 = vector.shape_cast %get3A_967 : vector<1x1x320xf32> to vector<320xf32>
      %broadcast_in_dim3A_969 = vector.shape_cast %get3A_968 : vector<320xf32> to vector<1x320xf32>
      %eq3A_970 = arith.constant 1.000000e+00 : f32
      %eq3A_971 = vector.broadcast %eq3A_970 : f32 to vector<1x320xf32>
      %eq3A_972 = arith.cmpf oeq, %broadcast_in_dim3A_969, %eq3A_971 : vector<1x320xf32>
      %add3A_973 = arith.constant 2 : i32
      %add3A_974 = arith.addi %add3A_963, %add3A_973 : i32
      %get3A_975 = arith.index_cast %add3A_974 : i32 to index
      %get3A_976 = arith.constant 0 : index
      %get3A_977 = arith.constant 0 : index
      %get3A_978 = vector.load %arg6[%get3A_975, %get3A_976, %get3A_977] : memref<324x32x320xbf16, #tpu.memory_space<vmem>>, vector<1x32x320xbf16>
      %get3A_979 = vector.shape_cast %get3A_978 : vector<1x32x320xbf16> to vector<32x320xbf16>
      %convert_element_type3A_980 = arith.truncf %dot_general3A_962 : vector<32x320xf32> to vector<32x320xbf16>
      %broadcast_in_dim3A_981 = vector.shape_cast %eq3A_972 : vector<1x320xi1> to vector<1x320xi1>
      %broadcast_in_dim3A_982 = vector.broadcast %broadcast_in_dim3A_981 : vector<1x320xi1> to vector<32x320xi1>
      %select_n3A_983 = arith.select %broadcast_in_dim3A_982, %get3A_979, %convert_element_type3A_980 : vector<32x320xi1>, vector<32x320xbf16>
      %add3A_984 = arith.constant 2 : i32
      %add3A_985 = arith.addi %add3A_963, %add3A_984 : i32
      %swap3A_986 = arith.index_cast %add3A_985 : i32 to index
      %swap3A_987 = arith.constant 0 : index
      %swap3A_988 = arith.constant 0 : index
      %swap3A_989 = vector.load %arg7[%swap3A_986, %swap3A_987, %swap3A_988] : memref<324x32x320xbf16, #tpu.memory_space<vmem>>, vector<1x32x320xbf16>
      %swap3A_990 = vector.shape_cast %swap3A_989 : vector<1x32x320xbf16> to vector<32x320xbf16>
      %swap3A_991 = vector.shape_cast %select_n3A_983 : vector<32x320xbf16> to vector<1x32x320xbf16>
      tpu.vector_store %arg7[%swap3A_986, %swap3A_987, %swap3A_988], %swap3A_991 {strides = array<i32>} : memref<324x32x320xbf16, #tpu.memory_space<vmem>>, vector<1x32x320xbf16>,
      %mul3A_992 = arith.constant 32 : i32
      %mul3A_993 = arith.muli %scan3A_117, %mul3A_992 : i32
      %add3A_994 = arith.constant 22 : i32
      %add3A_995 = arith.addi %mul3A_993, %add3A_994 : i32
      %get3A_996 = arith.index_cast %add3A_995 : i32 to index
      %get3A_997 = arith.constant 0 : index
      %get3A_998 = arith.constant 0 : index
      %get3A_999 = vector.load %arg8[%get3A_996, %get3A_997, %get3A_998] : memref<36x160x320xbf16, #tpu.memory_space<vmem>>, vector<5x160x320xbf16>
      %reshape3A_1000 = vector.shape_cast %get3A_999 : vector<5x160x320xbf16> to vector<800x320xbf16>
      %dot_general3A_1001 = arith.constant dense<0.000000e+00> : vector<32x320xf32>
      %dot_general3A_1002 = tpu.matmul %get3A_37, %reshape3A_1000, %dot_general3A_1001 {dimension_numbers = #tpu.dot_dimension_numbers<[1], [0], [0], [1], [0, 0, 1, 1], [], []>, transpose_lhs_hint = false} : vector<32x800xbf16>, vector<800x320xbf16>, vector<32x320xf32> -> vector<32x320xf32>
      %add3A_1003 = arith.addi %mul3A_52, %add3A_995 : i32
      %get3A_1004 = arith.constant 0 : index
      %get3A_1005 = arith.index_cast %add3A_1003 : i32 to index
      %get3A_1006 = arith.constant 0 : index
      %get3A_1007 = vector.load %arg2[%get3A_1004, %get3A_1005, %get3A_1006] : memref<1x320x320xf32, #tpu.memory_space<vmem>>, vector<1x1x320xf32>
      %get3A_1008 = vector.shape_cast %get3A_1007 : vector<1x1x320xf32> to vector<320xf32>
      %broadcast_in_dim3A_1009 = vector.shape_cast %get3A_1008 : vector<320xf32> to vector<1x320xf32>
      %eq3A_1010 = arith.constant 1.000000e+00 : f32
      %eq3A_1011 = vector.broadcast %eq3A_1010 : f32 to vector<1x320xf32>
      %eq3A_1012 = arith.cmpf oeq, %broadcast_in_dim3A_1009, %eq3A_1011 : vector<1x320xf32>
      %add3A_1013 = arith.constant 2 : i32
      %add3A_1014 = arith.addi %add3A_1003, %add3A_1013 : i32
      %get3A_1015 = arith.index_cast %add3A_1014 : i32 to index
      %get3A_1016 = arith.constant 0 : index
      %get3A_1017 = arith.constant 0 : index
      %get3A_1018 = vector.load %arg6[%get3A_1015, %get3A_1016, %get3A_1017] : memref<324x32x320xbf16, #tpu.memory_space<vmem>>, vector<1x32x320xbf16>
      %get3A_1019 = vector.shape_cast %get3A_1018 : vector<1x32x320xbf16> to vector<32x320xbf16>
      %convert_element_type3A_1020 = arith.truncf %dot_general3A_1002 : vector<32x320xf32> to vector<32x320xbf16>
      %broadcast_in_dim3A_1021 = vector.shape_cast %eq3A_1012 : vector<1x320xi1> to vector<1x320xi1>
      %broadcast_in_dim3A_1022 = vector.broadcast %broadcast_in_dim3A_1021 : vector<1x320xi1> to vector<32x320xi1>
      %select_n3A_1023 = arith.select %broadcast_in_dim3A_1022, %get3A_1019, %convert_element_type3A_1020 : vector<32x320xi1>, vector<32x320xbf16>
      %add3A_1024 = arith.constant 2 : i32
      %add3A_1025 = arith.addi %add3A_1003, %add3A_1024 : i32
      %swap3A_1026 = arith.index_cast %add3A_1025 : i32 to index
      %swap3A_1027 = arith.constant 0 : index
      %swap3A_1028 = arith.constant 0 : index
      %swap3A_1029 = vector.load %arg7[%swap3A_1026, %swap3A_1027, %swap3A_1028] : memref<324x32x320xbf16, #tpu.memory_space<vmem>>, vector<1x32x320xbf16>
      %swap3A_1030 = vector.shape_cast %swap3A_1029 : vector<1x32x320xbf16> to vector<32x320xbf16>
      %swap3A_1031 = vector.shape_cast %select_n3A_1023 : vector<32x320xbf16> to vector<1x32x320xbf16>
      tpu.vector_store %arg7[%swap3A_1026, %swap3A_1027, %swap3A_1028], %swap3A_1031 {strides = array<i32>} : memref<324x32x320xbf16, #tpu.memory_space<vmem>>, vector<1x32x320xbf16>,
      %mul3A_1032 = arith.constant 32 : i32
      %mul3A_1033 = arith.muli %scan3A_117, %mul3A_1032 : i32
      %add3A_1034 = arith.constant 23 : i32
      %add3A_1035 = arith.addi %mul3A_1033, %add3A_1034 : i32
      %get3A_1036 = arith.index_cast %add3A_1035 : i32 to index
      %get3A_1037 = arith.constant 0 : index
      %get3A_1038 = arith.constant 0 : index
      %get3A_1039 = vector.load %arg8[%get3A_1036, %get3A_1037, %get3A_1038] : memref<36x160x320xbf16, #tpu.memory_space<vmem>>, vector<5x160x320xbf16>
      %reshape3A_1040 = vector.shape_cast %get3A_1039 : vector<5x160x320xbf16> to vector<800x320xbf16>
      %dot_general3A_1041 = arith.constant dense<0.000000e+00> : vector<32x320xf32>
      %dot_general3A_1042 = tpu.matmul %get3A_37, %reshape3A_1040, %dot_general3A_1041 {dimension_numbers = #tpu.dot_dimension_numbers<[1], [0], [0], [1], [0, 0, 1, 1], [], []>, transpose_lhs_hint = false} : vector<32x800xbf16>, vector<800x320xbf16>, vector<32x320xf32> -> vector<32x320xf32>
      %add3A_1043 = arith.addi %mul3A_52, %add3A_1035 : i32
      %get3A_1044 = arith.constant 0 : index
      %get3A_1045 = arith.index_cast %add3A_1043 : i32 to index
      %get3A_1046 = arith.constant 0 : index
      %get3A_1047 = vector.load %arg2[%get3A_1044, %get3A_1045, %get3A_1046] : memref<1x320x320xf32, #tpu.memory_space<vmem>>, vector<1x1x320xf32>
      %get3A_1048 = vector.shape_cast %get3A_1047 : vector<1x1x320xf32> to vector<320xf32>
      %broadcast_in_dim3A_1049 = vector.shape_cast %get3A_1048 : vector<320xf32> to vector<1x320xf32>
      %eq3A_1050 = arith.constant 1.000000e+00 : f32
      %eq3A_1051 = vector.broadcast %eq3A_1050 : f32 to vector<1x320xf32>
      %eq3A_1052 = arith.cmpf oeq, %broadcast_in_dim3A_1049, %eq3A_1051 : vector<1x320xf32>
      %add3A_1053 = arith.constant 2 : i32
      %add3A_1054 = arith.addi %add3A_1043, %add3A_1053 : i32
      %get3A_1055 = arith.index_cast %add3A_1054 : i32 to index
      %get3A_1056 = arith.constant 0 : index
      %get3A_1057 = arith.constant 0 : index
      %get3A_1058 = vector.load %arg6[%get3A_1055, %get3A_1056, %get3A_1057] : memref<324x32x320xbf16, #tpu.memory_space<vmem>>, vector<1x32x320xbf16>
      %get3A_1059 = vector.shape_cast %get3A_1058 : vector<1x32x320xbf16> to vector<32x320xbf16>
      %convert_element_type3A_1060 = arith.truncf %dot_general3A_1042 : vector<32x320xf32> to vector<32x320xbf16>
      %broadcast_in_dim3A_1061 = vector.shape_cast %eq3A_1052 : vector<1x320xi1> to vector<1x320xi1>
      %broadcast_in_dim3A_1062 = vector.broadcast %broadcast_in_dim3A_1061 : vector<1x320xi1> to vector<32x320xi1>
      %select_n3A_1063 = arith.select %broadcast_in_dim3A_1062, %get3A_1059, %convert_element_type3A_1060 : vector<32x320xi1>, vector<32x320xbf16>
      %add3A_1064 = arith.constant 2 : i32
      %add3A_1065 = arith.addi %add3A_1043, %add3A_1064 : i32
      %swap3A_1066 = arith.index_cast %add3A_1065 : i32 to index
      %swap3A_1067 = arith.constant 0 : index
      %swap3A_1068 = arith.constant 0 : index
      %swap3A_1069 = vector.load %arg7[%swap3A_1066, %swap3A_1067, %swap3A_1068] : memref<324x32x320xbf16, #tpu.memory_space<vmem>>, vector<1x32x320xbf16>
      %swap3A_1070 = vector.shape_cast %swap3A_1069 : vector<1x32x320xbf16> to vector<32x320xbf16>
      %swap3A_1071 = vector.shape_cast %select_n3A_1063 : vector<32x320xbf16> to vector<1x32x320xbf16>
      tpu.vector_store %arg7[%swap3A_1066, %swap3A_1067, %swap3A_1068], %swap3A_1071 {strides = array<i32>} : memref<324x32x320xbf16, #tpu.memory_space<vmem>>, vector<1x32x320xbf16>,
      %mul3A_1072 = arith.constant 32 : i32
      %mul3A_1073 = arith.muli %scan3A_117, %mul3A_1072 : i32
      %add3A_1074 = arith.constant 24 : i32
      %add3A_1075 = arith.addi %mul3A_1073, %add3A_1074 : i32
      %get3A_1076 = arith.index_cast %add3A_1075 : i32 to index
      %get3A_1077 = arith.constant 0 : index
      %get3A_1078 = arith.constant 0 : index
      %get3A_1079 = vector.load %arg8[%get3A_1076, %get3A_1077, %get3A_1078] : memref<36x160x320xbf16, #tpu.memory_space<vmem>>, vector<5x160x320xbf16>
      %reshape3A_1080 = vector.shape_cast %get3A_1079 : vector<5x160x320xbf16> to vector<800x320xbf16>
      %dot_general3A_1081 = arith.constant dense<0.000000e+00> : vector<32x320xf32>
      %dot_general3A_1082 = tpu.matmul %get3A_37, %reshape3A_1080, %dot_general3A_1081 {dimension_numbers = #tpu.dot_dimension_numbers<[1], [0], [0], [1], [0, 0, 1, 1], [], []>, transpose_lhs_hint = false} : vector<32x800xbf16>, vector<800x320xbf16>, vector<32x320xf32> -> vector<32x320xf32>
      %add3A_1083 = arith.addi %mul3A_52, %add3A_1075 : i32
      %get3A_1084 = arith.constant 0 : index
      %get3A_1085 = arith.index_cast %add3A_1083 : i32 to index
      %get3A_1086 = arith.constant 0 : index
      %get3A_1087 = vector.load %arg2[%get3A_1084, %get3A_1085, %get3A_1086] : memref<1x320x320xf32, #tpu.memory_space<vmem>>, vector<1x1x320xf32>
      %get3A_1088 = vector.shape_cast %get3A_1087 : vector<1x1x320xf32> to vector<320xf32>
      %broadcast_in_dim3A_1089 = vector.shape_cast %get3A_1088 : vector<320xf32> to vector<1x320xf32>
      %eq3A_1090 = arith.constant 1.000000e+00 : f32
      %eq3A_1091 = vector.broadcast %eq3A_1090 : f32 to vector<1x320xf32>
      %eq3A_1092 = arith.cmpf oeq, %broadcast_in_dim3A_1089, %eq3A_1091 : vector<1x320xf32>
      %add3A_1093 = arith.constant 2 : i32
      %add3A_1094 = arith.addi %add3A_1083, %add3A_1093 : i32
      %get3A_1095 = arith.index_cast %add3A_1094 : i32 to index
      %get3A_1096 = arith.constant 0 : index
      %get3A_1097 = arith.constant 0 : index
      %get3A_1098 = vector.load %arg6[%get3A_1095, %get3A_1096, %get3A_1097] : memref<324x32x320xbf16, #tpu.memory_space<vmem>>, vector<1x32x320xbf16>
      %get3A_1099 = vector.shape_cast %get3A_1098 : vector<1x32x320xbf16> to vector<32x320xbf16>
      %convert_element_type3A_1100 = arith.truncf %dot_general3A_1082 : vector<32x320xf32> to vector<32x320xbf16>
      %broadcast_in_dim3A_1101 = vector.shape_cast %eq3A_1092 : vector<1x320xi1> to vector<1x320xi1>
      %broadcast_in_dim3A_1102 = vector.broadcast %broadcast_in_dim3A_1101 : vector<1x320xi1> to vector<32x320xi1>
      %select_n3A_1103 = arith.select %broadcast_in_dim3A_1102, %get3A_1099, %convert_element_type3A_1100 : vector<32x320xi1>, vector<32x320xbf16>
      %add3A_1104 = arith.constant 2 : i32
      %add3A_1105 = arith.addi %add3A_1083, %add3A_1104 : i32
      %swap3A_1106 = arith.index_cast %add3A_1105 : i32 to index
      %swap3A_1107 = arith.constant 0 : index
      %swap3A_1108 = arith.constant 0 : index
      %swap3A_1109 = vector.load %arg7[%swap3A_1106, %swap3A_1107, %swap3A_1108] : memref<324x32x320xbf16, #tpu.memory_space<vmem>>, vector<1x32x320xbf16>
      %swap3A_1110 = vector.shape_cast %swap3A_1109 : vector<1x32x320xbf16> to vector<32x320xbf16>
      %swap3A_1111 = vector.shape_cast %select_n3A_1103 : vector<32x320xbf16> to vector<1x32x320xbf16>
      tpu.vector_store %arg7[%swap3A_1106, %swap3A_1107, %swap3A_1108], %swap3A_1111 {strides = array<i32>} : memref<324x32x320xbf16, #tpu.memory_space<vmem>>, vector<1x32x320xbf16>,
      %mul3A_1112 = arith.constant 32 : i32
      %mul3A_1113 = arith.muli %scan3A_117, %mul3A_1112 : i32
      %add3A_1114 = arith.constant 25 : i32
      %add3A_1115 = arith.addi %mul3A_1113, %add3A_1114 : i32
      %get3A_1116 = arith.index_cast %add3A_1115 : i32 to index
      %get3A_1117 = arith.constant 0 : index
      %get3A_1118 = arith.constant 0 : index
      %get3A_1119 = vector.load %arg8[%get3A_1116, %get3A_1117, %get3A_1118] : memref<36x160x320xbf16, #tpu.memory_space<vmem>>, vector<5x160x320xbf16>
      %reshape3A_1120 = vector.shape_cast %get3A_1119 : vector<5x160x320xbf16> to vector<800x320xbf16>
      %dot_general3A_1121 = arith.constant dense<0.000000e+00> : vector<32x320xf32>
      %dot_general3A_1122 = tpu.matmul %get3A_37, %reshape3A_1120, %dot_general3A_1121 {dimension_numbers = #tpu.dot_dimension_numbers<[1], [0], [0], [1], [0, 0, 1, 1], [], []>, transpose_lhs_hint = false} : vector<32x800xbf16>, vector<800x320xbf16>, vector<32x320xf32> -> vector<32x320xf32>
      %add3A_1123 = arith.addi %mul3A_52, %add3A_1115 : i32
      %get3A_1124 = arith.constant 0 : index
      %get3A_1125 = arith.index_cast %add3A_1123 : i32 to index
      %get3A_1126 = arith.constant 0 : index
      %get3A_1127 = vector.load %arg2[%get3A_1124, %get3A_1125, %get3A_1126] : memref<1x320x320xf32, #tpu.memory_space<vmem>>, vector<1x1x320xf32>
      %get3A_1128 = vector.shape_cast %get3A_1127 : vector<1x1x320xf32> to vector<320xf32>
      %broadcast_in_dim3A_1129 = vector.shape_cast %get3A_1128 : vector<320xf32> to vector<1x320xf32>
      %eq3A_1130 = arith.constant 1.000000e+00 : f32
      %eq3A_1131 = vector.broadcast %eq3A_1130 : f32 to vector<1x320xf32>
      %eq3A_1132 = arith.cmpf oeq, %broadcast_in_dim3A_1129, %eq3A_1131 : vector<1x320xf32>
      %add3A_1133 = arith.constant 2 : i32
      %add3A_1134 = arith.addi %add3A_1123, %add3A_1133 : i32
      %get3A_1135 = arith.index_cast %add3A_1134 : i32 to index
      %get3A_1136 = arith.constant 0 : index
      %get3A_1137 = arith.constant 0 : index
      %get3A_1138 = vector.load %arg6[%get3A_1135, %get3A_1136, %get3A_1137] : memref<324x32x320xbf16, #tpu.memory_space<vmem>>, vector<1x32x320xbf16>
      %get3A_1139 = vector.shape_cast %get3A_1138 : vector<1x32x320xbf16> to vector<32x320xbf16>
      %convert_element_type3A_1140 = arith.truncf %dot_general3A_1122 : vector<32x320xf32> to vector<32x320xbf16>
      %broadcast_in_dim3A_1141 = vector.shape_cast %eq3A_1132 : vector<1x320xi1> to vector<1x320xi1>
      %broadcast_in_dim3A_1142 = vector.broadcast %broadcast_in_dim3A_1141 : vector<1x320xi1> to vector<32x320xi1>
      %select_n3A_1143 = arith.select %broadcast_in_dim3A_1142, %get3A_1139, %convert_element_type3A_1140 : vector<32x320xi1>, vector<32x320xbf16>
      %add3A_1144 = arith.constant 2 : i32
      %add3A_1145 = arith.addi %add3A_1123, %add3A_1144 : i32
      %swap3A_1146 = arith.index_cast %add3A_1145 : i32 to index
      %swap3A_1147 = arith.constant 0 : index
      %swap3A_1148 = arith.constant 0 : index
      %swap3A_1149 = vector.load %arg7[%swap3A_1146, %swap3A_1147, %swap3A_1148] : memref<324x32x320xbf16, #tpu.memory_space<vmem>>, vector<1x32x320xbf16>
      %swap3A_1150 = vector.shape_cast %swap3A_1149 : vector<1x32x320xbf16> to vector<32x320xbf16>
      %swap3A_1151 = vector.shape_cast %select_n3A_1143 : vector<32x320xbf16> to vector<1x32x320xbf16>
      tpu.vector_store %arg7[%swap3A_1146, %swap3A_1147, %swap3A_1148], %swap3A_1151 {strides = array<i32>} : memref<324x32x320xbf16, #tpu.memory_space<vmem>>, vector<1x32x320xbf16>,
      %mul3A_1152 = arith.constant 32 : i32
      %mul3A_1153 = arith.muli %scan3A_117, %mul3A_1152 : i32
      %add3A_1154 = arith.constant 26 : i32
      %add3A_1155 = arith.addi %mul3A_1153, %add3A_1154 : i32
      %get3A_1156 = arith.index_cast %add3A_1155 : i32 to index
      %get3A_1157 = arith.constant 0 : index
      %get3A_1158 = arith.constant 0 : index
      %get3A_1159 = vector.load %arg8[%get3A_1156, %get3A_1157, %get3A_1158] : memref<36x160x320xbf16, #tpu.memory_space<vmem>>, vector<5x160x320xbf16>
      %reshape3A_1160 = vector.shape_cast %get3A_1159 : vector<5x160x320xbf16> to vector<800x320xbf16>
      %dot_general3A_1161 = arith.constant dense<0.000000e+00> : vector<32x320xf32>
      %dot_general3A_1162 = tpu.matmul %get3A_37, %reshape3A_1160, %dot_general3A_1161 {dimension_numbers = #tpu.dot_dimension_numbers<[1], [0], [0], [1], [0, 0, 1, 1], [], []>, transpose_lhs_hint = false} : vector<32x800xbf16>, vector<800x320xbf16>, vector<32x320xf32> -> vector<32x320xf32>
      %add3A_1163 = arith.addi %mul3A_52, %add3A_1155 : i32
      %get3A_1164 = arith.constant 0 : index
      %get3A_1165 = arith.index_cast %add3A_1163 : i32 to index
      %get3A_1166 = arith.constant 0 : index
      %get3A_1167 = vector.load %arg2[%get3A_1164, %get3A_1165, %get3A_1166] : memref<1x320x320xf32, #tpu.memory_space<vmem>>, vector<1x1x320xf32>
      %get3A_1168 = vector.shape_cast %get3A_1167 : vector<1x1x320xf32> to vector<320xf32>
      %broadcast_in_dim3A_1169 = vector.shape_cast %get3A_1168 : vector<320xf32> to vector<1x320xf32>
      %eq3A_1170 = arith.constant 1.000000e+00 : f32
      %eq3A_1171 = vector.broadcast %eq3A_1170 : f32 to vector<1x320xf32>
      %eq3A_1172 = arith.cmpf oeq, %broadcast_in_dim3A_1169, %eq3A_1171 : vector<1x320xf32>
      %add3A_1173 = arith.constant 2 : i32
      %add3A_1174 = arith.addi %add3A_1163, %add3A_1173 : i32
      %get3A_1175 = arith.index_cast %add3A_1174 : i32 to index
      %get3A_1176 = arith.constant 0 : index
      %get3A_1177 = arith.constant 0 : index
      %get3A_1178 = vector.load %arg6[%get3A_1175, %get3A_1176, %get3A_1177] : memref<324x32x320xbf16, #tpu.memory_space<vmem>>, vector<1x32x320xbf16>
      %get3A_1179 = vector.shape_cast %get3A_1178 : vector<1x32x320xbf16> to vector<32x320xbf16>
      %convert_element_type3A_1180 = arith.truncf %dot_general3A_1162 : vector<32x320xf32> to vector<32x320xbf16>
      %broadcast_in_dim3A_1181 = vector.shape_cast %eq3A_1172 : vector<1x320xi1> to vector<1x320xi1>
      %broadcast_in_dim3A_1182 = vector.broadcast %broadcast_in_dim3A_1181 : vector<1x320xi1> to vector<32x320xi1>
      %select_n3A_1183 = arith.select %broadcast_in_dim3A_1182, %get3A_1179, %convert_element_type3A_1180 : vector<32x320xi1>, vector<32x320xbf16>
      %add3A_1184 = arith.constant 2 : i32
      %add3A_1185 = arith.addi %add3A_1163, %add3A_1184 : i32
      %swap3A_1186 = arith.index_cast %add3A_1185 : i32 to index
      %swap3A_1187 = arith.constant 0 : index
      %swap3A_1188 = arith.constant 0 : index
      %swap3A_1189 = vector.load %arg7[%swap3A_1186, %swap3A_1187, %swap3A_1188] : memref<324x32x320xbf16, #tpu.memory_space<vmem>>, vector<1x32x320xbf16>
      %swap3A_1190 = vector.shape_cast %swap3A_1189 : vector<1x32x320xbf16> to vector<32x320xbf16>
      %swap3A_1191 = vector.shape_cast %select_n3A_1183 : vector<32x320xbf16> to vector<1x32x320xbf16>
      tpu.vector_store %arg7[%swap3A_1186, %swap3A_1187, %swap3A_1188], %swap3A_1191 {strides = array<i32>} : memref<324x32x320xbf16, #tpu.memory_space<vmem>>, vector<1x32x320xbf16>,
      %mul3A_1192 = arith.constant 32 : i32
      %mul3A_1193 = arith.muli %scan3A_117, %mul3A_1192 : i32
      %add3A_1194 = arith.constant 27 : i32
      %add3A_1195 = arith.addi %mul3A_1193, %add3A_1194 : i32
      %get3A_1196 = arith.index_cast %add3A_1195 : i32 to index
      %get3A_1197 = arith.constant 0 : index
      %get3A_1198 = arith.constant 0 : index
      %get3A_1199 = vector.load %arg8[%get3A_1196, %get3A_1197, %get3A_1198] : memref<36x160x320xbf16, #tpu.memory_space<vmem>>, vector<5x160x320xbf16>
      %reshape3A_1200 = vector.shape_cast %get3A_1199 : vector<5x160x320xbf16> to vector<800x320xbf16>
      %dot_general3A_1201 = arith.constant dense<0.000000e+00> : vector<32x320xf32>
      %dot_general3A_1202 = tpu.matmul %get3A_37, %reshape3A_1200, %dot_general3A_1201 {dimension_numbers = #tpu.dot_dimension_numbers<[1], [0], [0], [1], [0, 0, 1, 1], [], []>, transpose_lhs_hint = false} : vector<32x800xbf16>, vector<800x320xbf16>, vector<32x320xf32> -> vector<32x320xf32>
      %add3A_1203 = arith.addi %mul3A_52, %add3A_1195 : i32
      %get3A_1204 = arith.constant 0 : index
      %get3A_1205 = arith.index_cast %add3A_1203 : i32 to index
      %get3A_1206 = arith.constant 0 : index
      %get3A_1207 = vector.load %arg2[%get3A_1204, %get3A_1205, %get3A_1206] : memref<1x320x320xf32, #tpu.memory_space<vmem>>, vector<1x1x320xf32>
      %get3A_1208 = vector.shape_cast %get3A_1207 : vector<1x1x320xf32> to vector<320xf32>
      %broadcast_in_dim3A_1209 = vector.shape_cast %get3A_1208 : vector<320xf32> to vector<1x320xf32>
      %eq3A_1210 = arith.constant 1.000000e+00 : f32
      %eq3A_1211 = vector.broadcast %eq3A_1210 : f32 to vector<1x320xf32>
      %eq3A_1212 = arith.cmpf oeq, %broadcast_in_dim3A_1209, %eq3A_1211 : vector<1x320xf32>
      %add3A_1213 = arith.constant 2 : i32
      %add3A_1214 = arith.addi %add3A_1203, %add3A_1213 : i32
      %get3A_1215 = arith.index_cast %add3A_1214 : i32 to index
      %get3A_1216 = arith.constant 0 : index
      %get3A_1217 = arith.constant 0 : index
      %get3A_1218 = vector.load %arg6[%get3A_1215, %get3A_1216, %get3A_1217] : memref<324x32x320xbf16, #tpu.memory_space<vmem>>, vector<1x32x320xbf16>
      %get3A_1219 = vector.shape_cast %get3A_1218 : vector<1x32x320xbf16> to vector<32x320xbf16>
      %convert_element_type3A_1220 = arith.truncf %dot_general3A_1202 : vector<32x320xf32> to vector<32x320xbf16>
      %broadcast_in_dim3A_1221 = vector.shape_cast %eq3A_1212 : vector<1x320xi1> to vector<1x320xi1>
      %broadcast_in_dim3A_1222 = vector.broadcast %broadcast_in_dim3A_1221 : vector<1x320xi1> to vector<32x320xi1>
      %select_n3A_1223 = arith.select %broadcast_in_dim3A_1222, %get3A_1219, %convert_element_type3A_1220 : vector<32x320xi1>, vector<32x320xbf16>
      %add3A_1224 = arith.constant 2 : i32
      %add3A_1225 = arith.addi %add3A_1203, %add3A_1224 : i32
      %swap3A_1226 = arith.index_cast %add3A_1225 : i32 to index
      %swap3A_1227 = arith.constant 0 : index
      %swap3A_1228 = arith.constant 0 : index
      %swap3A_1229 = vector.load %arg7[%swap3A_1226, %swap3A_1227, %swap3A_1228] : memref<324x32x320xbf16, #tpu.memory_space<vmem>>, vector<1x32x320xbf16>
      %swap3A_1230 = vector.shape_cast %swap3A_1229 : vector<1x32x320xbf16> to vector<32x320xbf16>
      %swap3A_1231 = vector.shape_cast %select_n3A_1223 : vector<32x320xbf16> to vector<1x32x320xbf16>
      tpu.vector_store %arg7[%swap3A_1226, %swap3A_1227, %swap3A_1228], %swap3A_1231 {strides = array<i32>} : memref<324x32x320xbf16, #tpu.memory_space<vmem>>, vector<1x32x320xbf16>,
      %mul3A_1232 = arith.constant 32 : i32
      %mul3A_1233 = arith.muli %scan3A_117, %mul3A_1232 : i32
      %add3A_1234 = arith.constant 28 : i32
      %add3A_1235 = arith.addi %mul3A_1233, %add3A_1234 : i32
      %get3A_1236 = arith.index_cast %add3A_1235 : i32 to index
      %get3A_1237 = arith.constant 0 : index
      %get3A_1238 = arith.constant 0 : index
      %get3A_1239 = vector.load %arg8[%get3A_1236, %get3A_1237, %get3A_1238] : memref<36x160x320xbf16, #tpu.memory_space<vmem>>, vector<5x160x320xbf16>
      %reshape3A_1240 = vector.shape_cast %get3A_1239 : vector<5x160x320xbf16> to vector<800x320xbf16>
      %dot_general3A_1241 = arith.constant dense<0.000000e+00> : vector<32x320xf32>
      %dot_general3A_1242 = tpu.matmul %get3A_37, %reshape3A_1240, %dot_general3A_1241 {dimension_numbers = #tpu.dot_dimension_numbers<[1], [0], [0], [1], [0, 0, 1, 1], [], []>, transpose_lhs_hint = false} : vector<32x800xbf16>, vector<800x320xbf16>, vector<32x320xf32> -> vector<32x320xf32>
      %add3A_1243 = arith.addi %mul3A_52, %add3A_1235 : i32
      %get3A_1244 = arith.constant 0 : index
      %get3A_1245 = arith.index_cast %add3A_1243 : i32 to index
      %get3A_1246 = arith.constant 0 : index
      %get3A_1247 = vector.load %arg2[%get3A_1244, %get3A_1245, %get3A_1246] : memref<1x320x320xf32, #tpu.memory_space<vmem>>, vector<1x1x320xf32>
      %get3A_1248 = vector.shape_cast %get3A_1247 : vector<1x1x320xf32> to vector<320xf32>
      %broadcast_in_dim3A_1249 = vector.shape_cast %get3A_1248 : vector<320xf32> to vector<1x320xf32>
      %eq3A_1250 = arith.constant 1.000000e+00 : f32
      %eq3A_1251 = vector.broadcast %eq3A_1250 : f32 to vector<1x320xf32>
      %eq3A_1252 = arith.cmpf oeq, %broadcast_in_dim3A_1249, %eq3A_1251 : vector<1x320xf32>
      %add3A_1253 = arith.constant 2 : i32
      %add3A_1254 = arith.addi %add3A_1243, %add3A_1253 : i32
      %get3A_1255 = arith.index_cast %add3A_1254 : i32 to index
      %get3A_1256 = arith.constant 0 : index
      %get3A_1257 = arith.constant 0 : index
      %get3A_1258 = vector.load %arg6[%get3A_1255, %get3A_1256, %get3A_1257] : memref<324x32x320xbf16, #tpu.memory_space<vmem>>, vector<1x32x320xbf16>
      %get3A_1259 = vector.shape_cast %get3A_1258 : vector<1x32x320xbf16> to vector<32x320xbf16>
      %convert_element_type3A_1260 = arith.truncf %dot_general3A_1242 : vector<32x320xf32> to vector<32x320xbf16>
      %broadcast_in_dim3A_1261 = vector.shape_cast %eq3A_1252 : vector<1x320xi1> to vector<1x320xi1>
      %broadcast_in_dim3A_1262 = vector.broadcast %broadcast_in_dim3A_1261 : vector<1x320xi1> to vector<32x320xi1>
      %select_n3A_1263 = arith.select %broadcast_in_dim3A_1262, %get3A_1259, %convert_element_type3A_1260 : vector<32x320xi1>, vector<32x320xbf16>
      %add3A_1264 = arith.constant 2 : i32
      %add3A_1265 = arith.addi %add3A_1243, %add3A_1264 : i32
      %swap3A_1266 = arith.index_cast %add3A_1265 : i32 to index
      %swap3A_1267 = arith.constant 0 : index
      %swap3A_1268 = arith.constant 0 : index
      %swap3A_1269 = vector.load %arg7[%swap3A_1266, %swap3A_1267, %swap3A_1268] : memref<324x32x320xbf16, #tpu.memory_space<vmem>>, vector<1x32x320xbf16>
      %swap3A_1270 = vector.shape_cast %swap3A_1269 : vector<1x32x320xbf16> to vector<32x320xbf16>
      %swap3A_1271 = vector.shape_cast %select_n3A_1263 : vector<32x320xbf16> to vector<1x32x320xbf16>
      tpu.vector_store %arg7[%swap3A_1266, %swap3A_1267, %swap3A_1268], %swap3A_1271 {strides = array<i32>} : memref<324x32x320xbf16, #tpu.memory_space<vmem>>, vector<1x32x320xbf16>,
      %mul3A_1272 = arith.constant 32 : i32
      %mul3A_1273 = arith.muli %scan3A_117, %mul3A_1272 : i32
      %add3A_1274 = arith.constant 29 : i32
      %add3A_1275 = arith.addi %mul3A_1273, %add3A_1274 : i32
      %get3A_1276 = arith.index_cast %add3A_1275 : i32 to index
      %get3A_1277 = arith.constant 0 : index
      %get3A_1278 = arith.constant 0 : index
      %get3A_1279 = vector.load %arg8[%get3A_1276, %get3A_1277, %get3A_1278] : memref<36x160x320xbf16, #tpu.memory_space<vmem>>, vector<5x160x320xbf16>
      %reshape3A_1280 = vector.shape_cast %get3A_1279 : vector<5x160x320xbf16> to vector<800x320xbf16>
      %dot_general3A_1281 = arith.constant dense<0.000000e+00> : vector<32x320xf32>
      %dot_general3A_1282 = tpu.matmul %get3A_37, %reshape3A_1280, %dot_general3A_1281 {dimension_numbers = #tpu.dot_dimension_numbers<[1], [0], [0], [1], [0, 0, 1, 1], [], []>, transpose_lhs_hint = false} : vector<32x800xbf16>, vector<800x320xbf16>, vector<32x320xf32> -> vector<32x320xf32>
      %add3A_1283 = arith.addi %mul3A_52, %add3A_1275 : i32
      %get3A_1284 = arith.constant 0 : index
      %get3A_1285 = arith.index_cast %add3A_1283 : i32 to index
      %get3A_1286 = arith.constant 0 : index
      %get3A_1287 = vector.load %arg2[%get3A_1284, %get3A_1285, %get3A_1286] : memref<1x320x320xf32, #tpu.memory_space<vmem>>, vector<1x1x320xf32>
      %get3A_1288 = vector.shape_cast %get3A_1287 : vector<1x1x320xf32> to vector<320xf32>
      %broadcast_in_dim3A_1289 = vector.shape_cast %get3A_1288 : vector<320xf32> to vector<1x320xf32>
      %eq3A_1290 = arith.constant 1.000000e+00 : f32
      %eq3A_1291 = vector.broadcast %eq3A_1290 : f32 to vector<1x320xf32>
      %eq3A_1292 = arith.cmpf oeq, %broadcast_in_dim3A_1289, %eq3A_1291 : vector<1x320xf32>
      %add3A_1293 = arith.constant 2 : i32
      %add3A_1294 = arith.addi %add3A_1283, %add3A_1293 : i32
      %get3A_1295 = arith.index_cast %add3A_1294 : i32 to index
      %get3A_1296 = arith.constant 0 : index
      %get3A_1297 = arith.constant 0 : index
      %get3A_1298 = vector.load %arg6[%get3A_1295, %get3A_1296, %get3A_1297] : memref<324x32x320xbf16, #tpu.memory_space<vmem>>, vector<1x32x320xbf16>
      %get3A_1299 = vector.shape_cast %get3A_1298 : vector<1x32x320xbf16> to vector<32x320xbf16>
      %convert_element_type3A_1300 = arith.truncf %dot_general3A_1282 : vector<32x320xf32> to vector<32x320xbf16>
      %broadcast_in_dim3A_1301 = vector.shape_cast %eq3A_1292 : vector<1x320xi1> to vector<1x320xi1>
      %broadcast_in_dim3A_1302 = vector.broadcast %broadcast_in_dim3A_1301 : vector<1x320xi1> to vector<32x320xi1>
      %select_n3A_1303 = arith.select %broadcast_in_dim3A_1302, %get3A_1299, %convert_element_type3A_1300 : vector<32x320xi1>, vector<32x320xbf16>
      %add3A_1304 = arith.constant 2 : i32
      %add3A_1305 = arith.addi %add3A_1283, %add3A_1304 : i32
      %swap3A_1306 = arith.index_cast %add3A_1305 : i32 to index
      %swap3A_1307 = arith.constant 0 : index
      %swap3A_1308 = arith.constant 0 : index
      %swap3A_1309 = vector.load %arg7[%swap3A_1306, %swap3A_1307, %swap3A_1308] : memref<324x32x320xbf16, #tpu.memory_space<vmem>>, vector<1x32x320xbf16>
      %swap3A_1310 = vector.shape_cast %swap3A_1309 : vector<1x32x320xbf16> to vector<32x320xbf16>
      %swap3A_1311 = vector.shape_cast %select_n3A_1303 : vector<32x320xbf16> to vector<1x32x320xbf16>
      tpu.vector_store %arg7[%swap3A_1306, %swap3A_1307, %swap3A_1308], %swap3A_1311 {strides = array<i32>} : memref<324x32x320xbf16, #tpu.memory_space<vmem>>, vector<1x32x320xbf16>,
      %mul3A_1312 = arith.constant 32 : i32
      %mul3A_1313 = arith.muli %scan3A_117, %mul3A_1312 : i32
      %add3A_1314 = arith.constant 30 : i32
      %add3A_1315 = arith.addi %mul3A_1313, %add3A_1314 : i32
      %get3A_1316 = arith.index_cast %add3A_1315 : i32 to index
      %get3A_1317 = arith.constant 0 : index
      %get3A_1318 = arith.constant 0 : index
      %get3A_1319 = vector.load %arg8[%get3A_1316, %get3A_1317, %get3A_1318] : memref<36x160x320xbf16, #tpu.memory_space<vmem>>, vector<5x160x320xbf16>
      %reshape3A_1320 = vector.shape_cast %get3A_1319 : vector<5x160x320xbf16> to vector<800x320xbf16>
      %dot_general3A_1321 = arith.constant dense<0.000000e+00> : vector<32x320xf32>
      %dot_general3A_1322 = tpu.matmul %get3A_37, %reshape3A_1320, %dot_general3A_1321 {dimension_numbers = #tpu.dot_dimension_numbers<[1], [0], [0], [1], [0, 0, 1, 1], [], []>, transpose_lhs_hint = false} : vector<32x800xbf16>, vector<800x320xbf16>, vector<32x320xf32> -> vector<32x320xf32>
      %add3A_1323 = arith.addi %mul3A_52, %add3A_1315 : i32
      %get3A_1324 = arith.constant 0 : index
      %get3A_1325 = arith.index_cast %add3A_1323 : i32 to index
      %get3A_1326 = arith.constant 0 : index
      %get3A_1327 = vector.load %arg2[%get3A_1324, %get3A_1325, %get3A_1326] : memref<1x320x320xf32, #tpu.memory_space<vmem>>, vector<1x1x320xf32>
      %get3A_1328 = vector.shape_cast %get3A_1327 : vector<1x1x320xf32> to vector<320xf32>
      %broadcast_in_dim3A_1329 = vector.shape_cast %get3A_1328 : vector<320xf32> to vector<1x320xf32>
      %eq3A_1330 = arith.constant 1.000000e+00 : f32
      %eq3A_1331 = vector.broadcast %eq3A_1330 : f32 to vector<1x320xf32>
      %eq3A_1332 = arith.cmpf oeq, %broadcast_in_dim3A_1329, %eq3A_1331 : vector<1x320xf32>
      %add3A_1333 = arith.constant 2 : i32
      %add3A_1334 = arith.addi %add3A_1323, %add3A_1333 : i32
      %get3A_1335 = arith.index_cast %add3A_1334 : i32 to index
      %get3A_1336 = arith.constant 0 : index
      %get3A_1337 = arith.constant 0 : index
      %get3A_1338 = vector.load %arg6[%get3A_1335, %get3A_1336, %get3A_1337] : memref<324x32x320xbf16, #tpu.memory_space<vmem>>, vector<1x32x320xbf16>
      %get3A_1339 = vector.shape_cast %get3A_1338 : vector<1x32x320xbf16> to vector<32x320xbf16>
      %convert_element_type3A_1340 = arith.truncf %dot_general3A_1322 : vector<32x320xf32> to vector<32x320xbf16>
      %broadcast_in_dim3A_1341 = vector.shape_cast %eq3A_1332 : vector<1x320xi1> to vector<1x320xi1>
      %broadcast_in_dim3A_1342 = vector.broadcast %broadcast_in_dim3A_1341 : vector<1x320xi1> to vector<32x320xi1>
      %select_n3A_1343 = arith.select %broadcast_in_dim3A_1342, %get3A_1339, %convert_element_type3A_1340 : vector<32x320xi1>, vector<32x320xbf16>
      %add3A_1344 = arith.constant 2 : i32
      %add3A_1345 = arith.addi %add3A_1323, %add3A_1344 : i32
      %swap3A_1346 = arith.index_cast %add3A_1345 : i32 to index
      %swap3A_1347 = arith.constant 0 : index
      %swap3A_1348 = arith.constant 0 : index
      %swap3A_1349 = vector.load %arg7[%swap3A_1346, %swap3A_1347, %swap3A_1348] : memref<324x32x320xbf16, #tpu.memory_space<vmem>>, vector<1x32x320xbf16>
      %swap3A_1350 = vector.shape_cast %swap3A_1349 : vector<1x32x320xbf16> to vector<32x320xbf16>
      %swap3A_1351 = vector.shape_cast %select_n3A_1343 : vector<32x320xbf16> to vector<1x32x320xbf16>
      tpu.vector_store %arg7[%swap3A_1346, %swap3A_1347, %swap3A_1348], %swap3A_1351 {strides = array<i32>} : memref<324x32x320xbf16, #tpu.memory_space<vmem>>, vector<1x32x320xbf16>,
      %mul3A_1352 = arith.constant 32 : i32
      %mul3A_1353 = arith.muli %scan3A_117, %mul3A_1352 : i32
      %add3A_1354 = arith.constant 31 : i32
      %add3A_1355 = arith.addi %mul3A_1353, %add3A_1354 : i32
      %get3A_1356 = arith.index_cast %add3A_1355 : i32 to index
      %get3A_1357 = arith.constant 0 : index
      %get3A_1358 = arith.constant 0 : index
      %get3A_1359 = vector.load %arg8[%get3A_1356, %get3A_1357, %get3A_1358] : memref<36x160x320xbf16, #tpu.memory_space<vmem>>, vector<5x160x320xbf16>
      %reshape3A_1360 = vector.shape_cast %get3A_1359 : vector<5x160x320xbf16> to vector<800x320xbf16>
      %dot_general3A_1361 = arith.constant dense<0.000000e+00> : vector<32x320xf32>
      %dot_general3A_1362 = tpu.matmul %get3A_37, %reshape3A_1360, %dot_general3A_1361 {dimension_numbers = #tpu.dot_dimension_numbers<[1], [0], [0], [1], [0, 0, 1, 1], [], []>, transpose_lhs_hint = false} : vector<32x800xbf16>, vector<800x320xbf16>, vector<32x320xf32> -> vector<32x320xf32>
      %add3A_1363 = arith.addi %mul3A_52, %add3A_1355 : i32
      %get3A_1364 = arith.constant 0 : index
      %get3A_1365 = arith.index_cast %add3A_1363 : i32 to index
      %get3A_1366 = arith.constant 0 : index
      %get3A_1367 = vector.load %arg2[%get3A_1364, %get3A_1365, %get3A_1366] : memref<1x320x320xf32, #tpu.memory_space<vmem>>, vector<1x1x320xf32>
      %get3A_1368 = vector.shape_cast %get3A_1367 : vector<1x1x320xf32> to vector<320xf32>
      %broadcast_in_dim3A_1369 = vector.shape_cast %get3A_1368 : vector<320xf32> to vector<1x320xf32>
      %eq3A_1370 = arith.constant 1.000000e+00 : f32
      %eq3A_1371 = vector.broadcast %eq3A_1370 : f32 to vector<1x320xf32>
      %eq3A_1372 = arith.cmpf oeq, %broadcast_in_dim3A_1369, %eq3A_1371 : vector<1x320xf32>
      %add3A_1373 = arith.constant 2 : i32
      %add3A_1374 = arith.addi %add3A_1363, %add3A_1373 : i32
      %get3A_1375 = arith.index_cast %add3A_1374 : i32 to index
      %get3A_1376 = arith.constant 0 : index
      %get3A_1377 = arith.constant 0 : index
      %get3A_1378 = vector.load %arg6[%get3A_1375, %get3A_1376, %get3A_1377] : memref<324x32x320xbf16, #tpu.memory_space<vmem>>, vector<1x32x320xbf16>
      %get3A_1379 = vector.shape_cast %get3A_1378 : vector<1x32x320xbf16> to vector<32x320xbf16>
      %convert_element_type3A_1380 = arith.truncf %dot_general3A_1362 : vector<32x320xf32> to vector<32x320xbf16>
      %broadcast_in_dim3A_1381 = vector.shape_cast %eq3A_1372 : vector<1x320xi1> to vector<1x320xi1>
      %broadcast_in_dim3A_1382 = vector.broadcast %broadcast_in_dim3A_1381 : vector<1x320xi1> to vector<32x320xi1>
      %select_n3A_1383 = arith.select %broadcast_in_dim3A_1382, %get3A_1379, %convert_element_type3A_1380 : vector<32x320xi1>, vector<32x320xbf16>
      %add3A_1384 = arith.constant 2 : i32
      %add3A_1385 = arith.addi %add3A_1363, %add3A_1384 : i32
      %swap3A_1386 = arith.index_cast %add3A_1385 : i32 to index
      %swap3A_1387 = arith.constant 0 : index
      %swap3A_1388 = arith.constant 0 : index
      %swap3A_1389 = vector.load %arg7[%swap3A_1386, %swap3A_1387, %swap3A_1388] : memref<324x32x320xbf16, #tpu.memory_space<vmem>>, vector<1x32x320xbf16>
      %swap3A_1390 = vector.shape_cast %swap3A_1389 : vector<1x32x320xbf16> to vector<32x320xbf16>
      %swap3A_1391 = vector.shape_cast %select_n3A_1383 : vector<32x320xbf16> to vector<1x32x320xbf16>
      tpu.vector_store %arg7[%swap3A_1386, %swap3A_1387, %swap3A_1388], %swap3A_1391 {strides = array<i32>} : memref<324x32x320xbf16, #tpu.memory_space<vmem>>, vector<1x32x320xbf16>,
      %scan3A_1392 = arith.constant 1 : i32
    }
    %scan3A_42 = arith.constant 10 : i32
    %get3A_43 = arith.constant 0 : index
    %get3A_44 = arith.constant 0 : index
    %get3A_45 = vector.load %arg4[%get3A_43, %get3A_44] : memref<32x800xbf16, #tpu.memory_space<vmem>>, vector<32x800xbf16>
    %scan3A_46 = arith.constant 0 : i32
    %scan3A_47 = arith.constant 10 : i32
    %scan3A_48 = arith.addi %scan3A_46, %scan3A_47 : i32
    %scan3A_49 = arith.constant 1 : i32
    scf.for %scan3A_51 = %scan3A_46 to %scan3A_48 step %scan3A_49  : i32 {
      %mul3A = arith.constant 32 : i32
      %mul3A_52 = arith.muli %scan3A_51, %mul3A : i32
      %get3A_53 = arith.index_cast %mul3A_52 : i32 to index
      %get3A_54 = arith.constant 0 : index
      %get3A_55 = arith.constant 0 : index
      %get3A_56 = vector.load %arg7[%get3A_53, %get3A_54, %get3A_55] : memref<324x32x320xbf16, #tpu.memory_space<vmem>>, vector<36x32x318xbf16>
      %swap3A_57 = arith.constant 0 : index
      %swap3A_58 = arith.constant 0 : index
      %swap3A_59 = arith.constant 2 : index
      %swap3A_60 = vector.load %arg8[%swap3A_57, %swap3A_58, %swap3A_59] : memref<36x160x320xbf16, #tpu.memory_space<vmem>>, vector<36x32x318xbf16>
      tpu.vector_store %arg8[%swap3A_57, %swap3A_58, %swap3A_59], %get3A_56 {strides = array<i32>} : memref<36x160x320xbf16, #tpu.memory_space<vmem>>, vector<36x32x318xbf16>,
      %broadcast_in_dim3A_61 = arith.constant 0.000000e+00 : bf16
      %broadcast_in_dim3A_62 = vector.broadcast %broadcast_in_dim3A_61 : bf16 to vector<36x32x2xbf16>
      %swap3A_63 = arith.constant 0 : index
      %swap3A_64 = arith.constant 0 : index
      %swap3A_65 = arith.constant 0 : index
      %swap3A_66 = vector.load %arg8[%swap3A_63, %swap3A_64, %swap3A_65] : memref<36x160x320xbf16, #tpu.memory_space<vmem>>, vector<36x32x2xbf16>
      tpu.vector_store %arg8[%swap3A_63, %swap3A_64, %swap3A_65], %broadcast_in_dim3A_62 {strides = array<i32>} : memref<36x160x320xbf16, #tpu.memory_space<vmem>>, vector<36x32x2xbf16>,
      %get3A_67 = arith.index_cast %mul3A_52 : i32 to index
      %get3A_68 = arith.constant 0 : index
      %get3A_69 = arith.constant 0 : index
      %get3A_70 = vector.load %arg7[%get3A_67, %get3A_68, %get3A_69] : memref<324x32x320xbf16, #tpu.memory_space<vmem>>, vector<36x32x319xbf16>
      %swap3A_71 = arith.constant 0 : index
      %swap3A_72 = arith.constant 32 : index
      %swap3A_73 = arith.constant 1 : index
      %swap3A_74 = vector.load %arg8[%swap3A_71, %swap3A_72, %swap3A_73] : memref<36x160x320xbf16, #tpu.memory_space<vmem>>, vector<36x32x319xbf16>
      tpu.vector_store %arg8[%swap3A_71, %swap3A_72, %swap3A_73], %get3A_70 {strides = array<i32>} : memref<36x160x320xbf16, #tpu.memory_space<vmem>>, vector<36x32x319xbf16>,
      %broadcast_in_dim3A_75 = arith.constant 0.000000e+00 : bf16
      %broadcast_in_dim3A_76 = vector.broadcast %broadcast_in_dim3A_75 : bf16 to vector<36x32x1xbf16>
      %swap3A_77 = arith.constant 0 : index
      %swap3A_78 = arith.constant 32 : index
      %swap3A_79 = arith.constant 0 : index
      %swap3A_80 = vector.load %arg8[%swap3A_77, %swap3A_78, %swap3A_79] : memref<36x160x320xbf16, #tpu.memory_space<vmem>>, vector<36x32x1xbf16>
      tpu.vector_store %arg8[%swap3A_77, %swap3A_78, %swap3A_79], %broadcast_in_dim3A_76 {strides = array<i32>} : memref<36x160x320xbf16, #tpu.memory_space<vmem>>, vector<36x32x1xbf16>,
      %get3A_81 = arith.index_cast %mul3A_52 : i32 to index
      %get3A_82 = arith.constant 0 : index
      %get3A_83 = arith.constant 0 : index
      %get3A_84 = vector.load %arg7[%get3A_81, %get3A_82, %get3A_83] : memref<324x32x320xbf16, #tpu.memory_space<vmem>>, vector<36x32x320xbf16>
      %swap3A_85 = arith.constant 0 : index
      %swap3A_86 = arith.constant 64 : index
      %swap3A_87 = arith.constant 0 : index
      %swap3A_88 = vector.load %arg8[%swap3A_85, %swap3A_86, %swap3A_87] : memref<36x160x320xbf16, #tpu.memory_space<vmem>>, vector<36x32x320xbf16>
      tpu.vector_store %arg8[%swap3A_85, %swap3A_86, %swap3A_87], %get3A_84 {strides = array<i32>} : memref<36x160x320xbf16, #tpu.memory_space<vmem>>, vector<36x32x320xbf16>,
      %get3A_89 = arith.index_cast %mul3A_52 : i32 to index
      %get3A_90 = arith.constant 0 : index
      %get3A_91 = arith.constant 1 : index
      %get3A_92 = vector.load %arg7[%get3A_89, %get3A_90, %get3A_91] : memref<324x32x320xbf16, #tpu.memory_space<vmem>>, vector<36x32x319xbf16>
      %swap3A_93 = arith.constant 0 : index
      %swap3A_94 = arith.constant 96 : index
      %swap3A_95 = arith.constant 0 : index
      %swap3A_96 = vector.load %arg8[%swap3A_93, %swap3A_94, %swap3A_95] : memref<36x160x320xbf16, #tpu.memory_space<vmem>>, vector<36x32x319xbf16>
      tpu.vector_store %arg8[%swap3A_93, %swap3A_94, %swap3A_95], %get3A_92 {strides = array<i32>} : memref<36x160x320xbf16, #tpu.memory_space<vmem>>, vector<36x32x319xbf16>,
      %broadcast_in_dim3A_97 = arith.constant 0.000000e+00 : bf16
      %broadcast_in_dim3A_98 = vector.broadcast %broadcast_in_dim3A_97 : bf16 to vector<36x32x1xbf16>
      %swap3A_99 = arith.constant 0 : index
      %swap3A_100 = arith.constant 96 : index
      %swap3A_101 = arith.constant 319 : index
      %swap3A_102 = vector.load %arg8[%swap3A_99, %swap3A_100, %swap3A_101] : memref<36x160x320xbf16, #tpu.memory_space<vmem>>, vector<36x32x1xbf16>
      tpu.vector_store %arg8[%swap3A_99, %swap3A_100, %swap3A_101], %broadcast_in_dim3A_98 {strides = array<i32>} : memref<36x160x320xbf16, #tpu.memory_space<vmem>>, vector<36x32x1xbf16>,
      %get3A_103 = arith.index_cast %mul3A_52 : i32 to index
      %get3A_104 = arith.constant 0 : index
      %get3A_105 = arith.constant 2 : index
      %get3A_106 = vector.load %arg7[%get3A_103, %get3A_104, %get3A_105] : memref<324x32x320xbf16, #tpu.memory_space<vmem>>, vector<36x32x318xbf16>
      %swap3A_107 = arith.constant 0 : index
      %swap3A_108 = arith.constant 128 : index
      %swap3A_109 = arith.constant 0 : index
      %swap3A_110 = vector.load %arg8[%swap3A_107, %swap3A_108, %swap3A_109] : memref<36x160x320xbf16, #tpu.memory_space<vmem>>, vector<36x32x318xbf16>
      tpu.vector_store %arg8[%swap3A_107, %swap3A_108, %swap3A_109], %get3A_106 {strides = array<i32>} : memref<36x160x320xbf16, #tpu.memory_space<vmem>>, vector<36x32x318xbf16>,
      %broadcast_in_dim3A_111 = arith.constant 0.000000e+00 : bf16
      %broadcast_in_dim3A_112 = vector.broadcast %broadcast_in_dim3A_111 : bf16 to vector<36x32x2xbf16>
      %swap3A_113 = arith.constant 0 : index
      %swap3A_114 = arith.constant 128 : index
      %swap3A_115 = arith.constant 318 : index
      %swap3A_116 = vector.load %arg8[%swap3A_113, %swap3A_114, %swap3A_115] : memref<36x160x320xbf16, #tpu.memory_space<vmem>>, vector<36x32x2xbf16>
      tpu.vector_store %arg8[%swap3A_113, %swap3A_114, %swap3A_115], %broadcast_in_dim3A_112 {strides = array<i32>} : memref<36x160x320xbf16, #tpu.memory_space<vmem>>, vector<36x32x2xbf16>,
      %scan3A_117 = arith.constant 0 : i32
      %mul3A_118 = arith.constant 32 : i32
      %mul3A_119 = arith.muli %scan3A_117, %mul3A_118 : i32
      %add3A = arith.constant 0 : i32
      %add3A_120 = arith.addi %mul3A_119, %add3A : i32
      %get3A_121 = arith.index_cast %add3A_120 : i32 to index
      %get3A_122 = arith.constant 0 : index
      %get3A_123 = arith.constant 0 : index
      %get3A_124 = vector.load %arg8[%get3A_121, %get3A_122, %get3A_123] : memref<36x160x320xbf16, #tpu.memory_space<vmem>>, vector<5x160x320xbf16>
      %reshape3A = vector.shape_cast %get3A_124 : vector<5x160x320xbf16> to vector<800x320xbf16>
      %dot_general3A = arith.constant dense<0.000000e+00> : vector<32x320xf32>
      %dot_general3A_125 = tpu.matmul %get3A_45, %reshape3A, %dot_general3A {dimension_numbers = #tpu.dot_dimension_numbers<[1], [0], [0], [1], [0, 0, 1, 1], [], []>, transpose_lhs_hint = false} : vector<32x800xbf16>, vector<800x320xbf16>, vector<32x320xf32> -> vector<32x320xf32>
      %add3A_126 = arith.addi %mul3A_52, %add3A_120 : i32
      %get3A_127 = arith.constant 0 : index
      %get3A_128 = arith.index_cast %add3A_126 : i32 to index
      %get3A_129 = arith.constant 0 : index
      %get3A_130 = vector.load %arg2[%get3A_127, %get3A_128, %get3A_129] : memref<1x320x320xf32, #tpu.memory_space<vmem>>, vector<1x1x320xf32>
      %get3A_131 = vector.shape_cast %get3A_130 : vector<1x1x320xf32> to vector<320xf32>
      %broadcast_in_dim3A_132 = vector.shape_cast %get3A_131 : vector<320xf32> to vector<1x320xf32>
      %eq3A = arith.constant 1.000000e+00 : f32
      %eq3A_133 = vector.broadcast %eq3A : f32 to vector<1x320xf32>
      %eq3A_134 = arith.cmpf oeq, %broadcast_in_dim3A_132, %eq3A_133 : vector<1x320xf32>
      %add3A_135 = arith.constant 2 : i32
      %add3A_136 = arith.addi %add3A_126, %add3A_135 : i32
      %get3A_137 = arith.index_cast %add3A_136 : i32 to index
      %get3A_138 = arith.constant 0 : index
      %get3A_139 = arith.constant 0 : index
      %get3A_140 = vector.load %arg7[%get3A_137, %get3A_138, %get3A_139] : memref<324x32x320xbf16, #tpu.memory_space<vmem>>, vector<1x32x320xbf16>
      %get3A_141 = vector.shape_cast %get3A_140 : vector<1x32x320xbf16> to vector<32x320xbf16>
      %convert_element_type3A = arith.extf %get3A_141 : vector<32x320xbf16> to vector<32x320xf32>
      %broadcast_in_dim3A_142 = vector.shape_cast %eq3A_134 : vector<1x320xi1> to vector<1x320xi1>
      %broadcast_in_dim3A_143 = vector.broadcast %broadcast_in_dim3A_142 : vector<1x320xi1> to vector<32x320xi1>
      %select_n3A = arith.select %broadcast_in_dim3A_143, %convert_element_type3A, %dot_general3A_125 : vector<32x320xi1>, vector<32x320xf32>
      %swap3A_144 = arith.index_cast %add3A_120 : i32 to index
      %swap3A_145 = arith.constant 0 : index
      %swap3A_146 = arith.constant 0 : index
      %swap3A_147 = vector.load %arg9[%swap3A_144, %swap3A_145, %swap3A_146] : memref<32x32x320xf32, #tpu.memory_space<vmem>>, vector<1x32x320xf32>
      %swap3A_148 = vector.shape_cast %swap3A_147 : vector<1x32x320xf32> to vector<32x320xf32>
      %swap3A_149 = vector.shape_cast %select_n3A : vector<32x320xf32> to vector<1x32x320xf32>
      tpu.vector_store %arg9[%swap3A_144, %swap3A_145, %swap3A_146], %swap3A_149 {strides = array<i32>} : memref<32x32x320xf32, #tpu.memory_space<vmem>>, vector<1x32x320xf32>,
      %mul3A_150 = arith.constant 32 : i32
      %mul3A_151 = arith.muli %scan3A_117, %mul3A_150 : i32
      %add3A_152 = arith.constant 1 : i32
      %add3A_153 = arith.addi %mul3A_151, %add3A_152 : i32
      %get3A_154 = arith.index_cast %add3A_153 : i32 to index
      %get3A_155 = arith.constant 0 : index
      %get3A_156 = arith.constant 0 : index
      %get3A_157 = vector.load %arg8[%get3A_154, %get3A_155, %get3A_156] : memref<36x160x320xbf16, #tpu.memory_space<vmem>>, vector<5x160x320xbf16>
      %reshape3A_158 = vector.shape_cast %get3A_157 : vector<5x160x320xbf16> to vector<800x320xbf16>
      %dot_general3A_159 = arith.constant dense<0.000000e+00> : vector<32x320xf32>
      %dot_general3A_160 = tpu.matmul %get3A_45, %reshape3A_158, %dot_general3A_159 {dimension_numbers = #tpu.dot_dimension_numbers<[1], [0], [0], [1], [0, 0, 1, 1], [], []>, transpose_lhs_hint = false} : vector<32x800xbf16>, vector<800x320xbf16>, vector<32x320xf32> -> vector<32x320xf32>
      %add3A_161 = arith.addi %mul3A_52, %add3A_153 : i32
      %get3A_162 = arith.constant 0 : index
      %get3A_163 = arith.index_cast %add3A_161 : i32 to index
      %get3A_164 = arith.constant 0 : index
      %get3A_165 = vector.load %arg2[%get3A_162, %get3A_163, %get3A_164] : memref<1x320x320xf32, #tpu.memory_space<vmem>>, vector<1x1x320xf32>
      %get3A_166 = vector.shape_cast %get3A_165 : vector<1x1x320xf32> to vector<320xf32>
      %broadcast_in_dim3A_167 = vector.shape_cast %get3A_166 : vector<320xf32> to vector<1x320xf32>
      %eq3A_168 = arith.constant 1.000000e+00 : f32
      %eq3A_169 = vector.broadcast %eq3A_168 : f32 to vector<1x320xf32>
      %eq3A_170 = arith.cmpf oeq, %broadcast_in_dim3A_167, %eq3A_169 : vector<1x320xf32>
      %add3A_171 = arith.constant 2 : i32
      %add3A_172 = arith.addi %add3A_161, %add3A_171 : i32
      %get3A_173 = arith.index_cast %add3A_172 : i32 to index
      %get3A_174 = arith.constant 0 : index
      %get3A_175 = arith.constant 0 : index
      %get3A_176 = vector.load %arg7[%get3A_173, %get3A_174, %get3A_175] : memref<324x32x320xbf16, #tpu.memory_space<vmem>>, vector<1x32x320xbf16>
      %get3A_177 = vector.shape_cast %get3A_176 : vector<1x32x320xbf16> to vector<32x320xbf16>
      %convert_element_type3A_178 = arith.extf %get3A_177 : vector<32x320xbf16> to vector<32x320xf32>
      %broadcast_in_dim3A_179 = vector.shape_cast %eq3A_170 : vector<1x320xi1> to vector<1x320xi1>
      %broadcast_in_dim3A_180 = vector.broadcast %broadcast_in_dim3A_179 : vector<1x320xi1> to vector<32x320xi1>
      %select_n3A_181 = arith.select %broadcast_in_dim3A_180, %convert_element_type3A_178, %dot_general3A_160 : vector<32x320xi1>, vector<32x320xf32>
      %swap3A_182 = arith.index_cast %add3A_153 : i32 to index
      %swap3A_183 = arith.constant 0 : index
      %swap3A_184 = arith.constant 0 : index
      %swap3A_185 = vector.load %arg9[%swap3A_182, %swap3A_183, %swap3A_184] : memref<32x32x320xf32, #tpu.memory_space<vmem>>, vector<1x32x320xf32>
      %swap3A_186 = vector.shape_cast %swap3A_185 : vector<1x32x320xf32> to vector<32x320xf32>
      %swap3A_187 = vector.shape_cast %select_n3A_181 : vector<32x320xf32> to vector<1x32x320xf32>
      tpu.vector_store %arg9[%swap3A_182, %swap3A_183, %swap3A_184], %swap3A_187 {strides = array<i32>} : memref<32x32x320xf32, #tpu.memory_space<vmem>>, vector<1x32x320xf32>,
      %mul3A_188 = arith.constant 32 : i32
      %mul3A_189 = arith.muli %scan3A_117, %mul3A_188 : i32
      %add3A_190 = arith.constant 2 : i32
      %add3A_191 = arith.addi %mul3A_189, %add3A_190 : i32
      %get3A_192 = arith.index_cast %add3A_191 : i32 to index
      %get3A_193 = arith.constant 0 : index
      %get3A_194 = arith.constant 0 : index
      %get3A_195 = vector.load %arg8[%get3A_192, %get3A_193, %get3A_194] : memref<36x160x320xbf16, #tpu.memory_space<vmem>>, vector<5x160x320xbf16>
      %reshape3A_196 = vector.shape_cast %get3A_195 : vector<5x160x320xbf16> to vector<800x320xbf16>
      %dot_general3A_197 = arith.constant dense<0.000000e+00> : vector<32x320xf32>
      %dot_general3A_198 = tpu.matmul %get3A_45, %reshape3A_196, %dot_general3A_197 {dimension_numbers = #tpu.dot_dimension_numbers<[1], [0], [0], [1], [0, 0, 1, 1], [], []>, transpose_lhs_hint = false} : vector<32x800xbf16>, vector<800x320xbf16>, vector<32x320xf32> -> vector<32x320xf32>
      %add3A_199 = arith.addi %mul3A_52, %add3A_191 : i32
      %get3A_200 = arith.constant 0 : index
      %get3A_201 = arith.index_cast %add3A_199 : i32 to index
      %get3A_202 = arith.constant 0 : index
      %get3A_203 = vector.load %arg2[%get3A_200, %get3A_201, %get3A_202] : memref<1x320x320xf32, #tpu.memory_space<vmem>>, vector<1x1x320xf32>
      %get3A_204 = vector.shape_cast %get3A_203 : vector<1x1x320xf32> to vector<320xf32>
      %broadcast_in_dim3A_205 = vector.shape_cast %get3A_204 : vector<320xf32> to vector<1x320xf32>
      %eq3A_206 = arith.constant 1.000000e+00 : f32
      %eq3A_207 = vector.broadcast %eq3A_206 : f32 to vector<1x320xf32>
      %eq3A_208 = arith.cmpf oeq, %broadcast_in_dim3A_205, %eq3A_207 : vector<1x320xf32>
      %add3A_209 = arith.constant 2 : i32
      %add3A_210 = arith.addi %add3A_199, %add3A_209 : i32
      %get3A_211 = arith.index_cast %add3A_210 : i32 to index
      %get3A_212 = arith.constant 0 : index
      %get3A_213 = arith.constant 0 : index
      %get3A_214 = vector.load %arg7[%get3A_211, %get3A_212, %get3A_213] : memref<324x32x320xbf16, #tpu.memory_space<vmem>>, vector<1x32x320xbf16>
      %get3A_215 = vector.shape_cast %get3A_214 : vector<1x32x320xbf16> to vector<32x320xbf16>
      %convert_element_type3A_216 = arith.extf %get3A_215 : vector<32x320xbf16> to vector<32x320xf32>
      %broadcast_in_dim3A_217 = vector.shape_cast %eq3A_208 : vector<1x320xi1> to vector<1x320xi1>
      %broadcast_in_dim3A_218 = vector.broadcast %broadcast_in_dim3A_217 : vector<1x320xi1> to vector<32x320xi1>
      %select_n3A_219 = arith.select %broadcast_in_dim3A_218, %convert_element_type3A_216, %dot_general3A_198 : vector<32x320xi1>, vector<32x320xf32>
      %swap3A_220 = arith.index_cast %add3A_191 : i32 to index
      %swap3A_221 = arith.constant 0 : index
      %swap3A_222 = arith.constant 0 : index
      %swap3A_223 = vector.load %arg9[%swap3A_220, %swap3A_221, %swap3A_222] : memref<32x32x320xf32, #tpu.memory_space<vmem>>, vector<1x32x320xf32>
      %swap3A_224 = vector.shape_cast %swap3A_223 : vector<1x32x320xf32> to vector<32x320xf32>
      %swap3A_225 = vector.shape_cast %select_n3A_219 : vector<32x320xf32> to vector<1x32x320xf32>
      tpu.vector_store %arg9[%swap3A_220, %swap3A_221, %swap3A_222], %swap3A_225 {strides = array<i32>} : memref<32x32x320xf32, #tpu.memory_space<vmem>>, vector<1x32x320xf32>,
      %mul3A_226 = arith.constant 32 : i32
      %mul3A_227 = arith.muli %scan3A_117, %mul3A_226 : i32
      %add3A_228 = arith.constant 3 : i32
      %add3A_229 = arith.addi %mul3A_227, %add3A_228 : i32
      %get3A_230 = arith.index_cast %add3A_229 : i32 to index
      %get3A_231 = arith.constant 0 : index
      %get3A_232 = arith.constant 0 : index
      %get3A_233 = vector.load %arg8[%get3A_230, %get3A_231, %get3A_232] : memref<36x160x320xbf16, #tpu.memory_space<vmem>>, vector<5x160x320xbf16>
      %reshape3A_234 = vector.shape_cast %get3A_233 : vector<5x160x320xbf16> to vector<800x320xbf16>
      %dot_general3A_235 = arith.constant dense<0.000000e+00> : vector<32x320xf32>
      %dot_general3A_236 = tpu.matmul %get3A_45, %reshape3A_234, %dot_general3A_235 {dimension_numbers = #tpu.dot_dimension_numbers<[1], [0], [0], [1], [0, 0, 1, 1], [], []>, transpose_lhs_hint = false} : vector<32x800xbf16>, vector<800x320xbf16>, vector<32x320xf32> -> vector<32x320xf32>
      %add3A_237 = arith.addi %mul3A_52, %add3A_229 : i32
      %get3A_238 = arith.constant 0 : index
      %get3A_239 = arith.index_cast %add3A_237 : i32 to index
      %get3A_240 = arith.constant 0 : index
      %get3A_241 = vector.load %arg2[%get3A_238, %get3A_239, %get3A_240] : memref<1x320x320xf32, #tpu.memory_space<vmem>>, vector<1x1x320xf32>
      %get3A_242 = vector.shape_cast %get3A_241 : vector<1x1x320xf32> to vector<320xf32>
      %broadcast_in_dim3A_243 = vector.shape_cast %get3A_242 : vector<320xf32> to vector<1x320xf32>
      %eq3A_244 = arith.constant 1.000000e+00 : f32
      %eq3A_245 = vector.broadcast %eq3A_244 : f32 to vector<1x320xf32>
      %eq3A_246 = arith.cmpf oeq, %broadcast_in_dim3A_243, %eq3A_245 : vector<1x320xf32>
      %add3A_247 = arith.constant 2 : i32
      %add3A_248 = arith.addi %add3A_237, %add3A_247 : i32
      %get3A_249 = arith.index_cast %add3A_248 : i32 to index
      %get3A_250 = arith.constant 0 : index
      %get3A_251 = arith.constant 0 : index
      %get3A_252 = vector.load %arg7[%get3A_249, %get3A_250, %get3A_251] : memref<324x32x320xbf16, #tpu.memory_space<vmem>>, vector<1x32x320xbf16>
      %get3A_253 = vector.shape_cast %get3A_252 : vector<1x32x320xbf16> to vector<32x320xbf16>
      %convert_element_type3A_254 = arith.extf %get3A_253 : vector<32x320xbf16> to vector<32x320xf32>
      %broadcast_in_dim3A_255 = vector.shape_cast %eq3A_246 : vector<1x320xi1> to vector<1x320xi1>
      %broadcast_in_dim3A_256 = vector.broadcast %broadcast_in_dim3A_255 : vector<1x320xi1> to vector<32x320xi1>
      %select_n3A_257 = arith.select %broadcast_in_dim3A_256, %convert_element_type3A_254, %dot_general3A_236 : vector<32x320xi1>, vector<32x320xf32>
      %swap3A_258 = arith.index_cast %add3A_229 : i32 to index
      %swap3A_259 = arith.constant 0 : index
      %swap3A_260 = arith.constant 0 : index
      %swap3A_261 = vector.load %arg9[%swap3A_258, %swap3A_259, %swap3A_260] : memref<32x32x320xf32, #tpu.memory_space<vmem>>, vector<1x32x320xf32>
      %swap3A_262 = vector.shape_cast %swap3A_261 : vector<1x32x320xf32> to vector<32x320xf32>
      %swap3A_263 = vector.shape_cast %select_n3A_257 : vector<32x320xf32> to vector<1x32x320xf32>
      tpu.vector_store %arg9[%swap3A_258, %swap3A_259, %swap3A_260], %swap3A_263 {strides = array<i32>} : memref<32x32x320xf32, #tpu.memory_space<vmem>>, vector<1x32x320xf32>,
      %mul3A_264 = arith.constant 32 : i32
      %mul3A_265 = arith.muli %scan3A_117, %mul3A_264 : i32
      %add3A_266 = arith.constant 4 : i32
      %add3A_267 = arith.addi %mul3A_265, %add3A_266 : i32
      %get3A_268 = arith.index_cast %add3A_267 : i32 to index
      %get3A_269 = arith.constant 0 : index
      %get3A_270 = arith.constant 0 : index
      %get3A_271 = vector.load %arg8[%get3A_268, %get3A_269, %get3A_270] : memref<36x160x320xbf16, #tpu.memory_space<vmem>>, vector<5x160x320xbf16>
      %reshape3A_272 = vector.shape_cast %get3A_271 : vector<5x160x320xbf16> to vector<800x320xbf16>
      %dot_general3A_273 = arith.constant dense<0.000000e+00> : vector<32x320xf32>
      %dot_general3A_274 = tpu.matmul %get3A_45, %reshape3A_272, %dot_general3A_273 {dimension_numbers = #tpu.dot_dimension_numbers<[1], [0], [0], [1], [0, 0, 1, 1], [], []>, transpose_lhs_hint = false} : vector<32x800xbf16>, vector<800x320xbf16>, vector<32x320xf32> -> vector<32x320xf32>
      %add3A_275 = arith.addi %mul3A_52, %add3A_267 : i32
      %get3A_276 = arith.constant 0 : index
      %get3A_277 = arith.index_cast %add3A_275 : i32 to index
      %get3A_278 = arith.constant 0 : index
      %get3A_279 = vector.load %arg2[%get3A_276, %get3A_277, %get3A_278] : memref<1x320x320xf32, #tpu.memory_space<vmem>>, vector<1x1x320xf32>
      %get3A_280 = vector.shape_cast %get3A_279 : vector<1x1x320xf32> to vector<320xf32>
      %broadcast_in_dim3A_281 = vector.shape_cast %get3A_280 : vector<320xf32> to vector<1x320xf32>
      %eq3A_282 = arith.constant 1.000000e+00 : f32
      %eq3A_283 = vector.broadcast %eq3A_282 : f32 to vector<1x320xf32>
      %eq3A_284 = arith.cmpf oeq, %broadcast_in_dim3A_281, %eq3A_283 : vector<1x320xf32>
      %add3A_285 = arith.constant 2 : i32
      %add3A_286 = arith.addi %add3A_275, %add3A_285 : i32
      %get3A_287 = arith.index_cast %add3A_286 : i32 to index
      %get3A_288 = arith.constant 0 : index
      %get3A_289 = arith.constant 0 : index
      %get3A_290 = vector.load %arg7[%get3A_287, %get3A_288, %get3A_289] : memref<324x32x320xbf16, #tpu.memory_space<vmem>>, vector<1x32x320xbf16>
      %get3A_291 = vector.shape_cast %get3A_290 : vector<1x32x320xbf16> to vector<32x320xbf16>
      %convert_element_type3A_292 = arith.extf %get3A_291 : vector<32x320xbf16> to vector<32x320xf32>
      %broadcast_in_dim3A_293 = vector.shape_cast %eq3A_284 : vector<1x320xi1> to vector<1x320xi1>
      %broadcast_in_dim3A_294 = vector.broadcast %broadcast_in_dim3A_293 : vector<1x320xi1> to vector<32x320xi1>
      %select_n3A_295 = arith.select %broadcast_in_dim3A_294, %convert_element_type3A_292, %dot_general3A_274 : vector<32x320xi1>, vector<32x320xf32>
      %swap3A_296 = arith.index_cast %add3A_267 : i32 to index
      %swap3A_297 = arith.constant 0 : index
      %swap3A_298 = arith.constant 0 : index
      %swap3A_299 = vector.load %arg9[%swap3A_296, %swap3A_297, %swap3A_298] : memref<32x32x320xf32, #tpu.memory_space<vmem>>, vector<1x32x320xf32>
      %swap3A_300 = vector.shape_cast %swap3A_299 : vector<1x32x320xf32> to vector<32x320xf32>
      %swap3A_301 = vector.shape_cast %select_n3A_295 : vector<32x320xf32> to vector<1x32x320xf32>
      tpu.vector_store %arg9[%swap3A_296, %swap3A_297, %swap3A_298], %swap3A_301 {strides = array<i32>} : memref<32x32x320xf32, #tpu.memory_space<vmem>>, vector<1x32x320xf32>,
      %mul3A_302 = arith.constant 32 : i32
      %mul3A_303 = arith.muli %scan3A_117, %mul3A_302 : i32
      %add3A_304 = arith.constant 5 : i32
      %add3A_305 = arith.addi %mul3A_303, %add3A_304 : i32
      %get3A_306 = arith.index_cast %add3A_305 : i32 to index
      %get3A_307 = arith.constant 0 : index
      %get3A_308 = arith.constant 0 : index
      %get3A_309 = vector.load %arg8[%get3A_306, %get3A_307, %get3A_308] : memref<36x160x320xbf16, #tpu.memory_space<vmem>>, vector<5x160x320xbf16>
      %reshape3A_310 = vector.shape_cast %get3A_309 : vector<5x160x320xbf16> to vector<800x320xbf16>
      %dot_general3A_311 = arith.constant dense<0.000000e+00> : vector<32x320xf32>
      %dot_general3A_312 = tpu.matmul %get3A_45, %reshape3A_310, %dot_general3A_311 {dimension_numbers = #tpu.dot_dimension_numbers<[1], [0], [0], [1], [0, 0, 1, 1], [], []>, transpose_lhs_hint = false} : vector<32x800xbf16>, vector<800x320xbf16>, vector<32x320xf32> -> vector<32x320xf32>
      %add3A_313 = arith.addi %mul3A_52, %add3A_305 : i32
      %get3A_314 = arith.constant 0 : index
      %get3A_315 = arith.index_cast %add3A_313 : i32 to index
      %get3A_316 = arith.constant 0 : index
      %get3A_317 = vector.load %arg2[%get3A_314, %get3A_315, %get3A_316] : memref<1x320x320xf32, #tpu.memory_space<vmem>>, vector<1x1x320xf32>
      %get3A_318 = vector.shape_cast %get3A_317 : vector<1x1x320xf32> to vector<320xf32>
      %broadcast_in_dim3A_319 = vector.shape_cast %get3A_318 : vector<320xf32> to vector<1x320xf32>
      %eq3A_320 = arith.constant 1.000000e+00 : f32
      %eq3A_321 = vector.broadcast %eq3A_320 : f32 to vector<1x320xf32>
      %eq3A_322 = arith.cmpf oeq, %broadcast_in_dim3A_319, %eq3A_321 : vector<1x320xf32>
      %add3A_323 = arith.constant 2 : i32
      %add3A_324 = arith.addi %add3A_313, %add3A_323 : i32
      %get3A_325 = arith.index_cast %add3A_324 : i32 to index
      %get3A_326 = arith.constant 0 : index
      %get3A_327 = arith.constant 0 : index
      %get3A_328 = vector.load %arg7[%get3A_325, %get3A_326, %get3A_327] : memref<324x32x320xbf16, #tpu.memory_space<vmem>>, vector<1x32x320xbf16>
      %get3A_329 = vector.shape_cast %get3A_328 : vector<1x32x320xbf16> to vector<32x320xbf16>
      %convert_element_type3A_330 = arith.extf %get3A_329 : vector<32x320xbf16> to vector<32x320xf32>
      %broadcast_in_dim3A_331 = vector.shape_cast %eq3A_322 : vector<1x320xi1> to vector<1x320xi1>
      %broadcast_in_dim3A_332 = vector.broadcast %broadcast_in_dim3A_331 : vector<1x320xi1> to vector<32x320xi1>
      %select_n3A_333 = arith.select %broadcast_in_dim3A_332, %convert_element_type3A_330, %dot_general3A_312 : vector<32x320xi1>, vector<32x320xf32>
      %swap3A_334 = arith.index_cast %add3A_305 : i32 to index
      %swap3A_335 = arith.constant 0 : index
      %swap3A_336 = arith.constant 0 : index
      %swap3A_337 = vector.load %arg9[%swap3A_334, %swap3A_335, %swap3A_336] : memref<32x32x320xf32, #tpu.memory_space<vmem>>, vector<1x32x320xf32>
      %swap3A_338 = vector.shape_cast %swap3A_337 : vector<1x32x320xf32> to vector<32x320xf32>
      %swap3A_339 = vector.shape_cast %select_n3A_333 : vector<32x320xf32> to vector<1x32x320xf32>
      tpu.vector_store %arg9[%swap3A_334, %swap3A_335, %swap3A_336], %swap3A_339 {strides = array<i32>} : memref<32x32x320xf32, #tpu.memory_space<vmem>>, vector<1x32x320xf32>,
      %mul3A_340 = arith.constant 32 : i32
      %mul3A_341 = arith.muli %scan3A_117, %mul3A_340 : i32
      %add3A_342 = arith.constant 6 : i32
      %add3A_343 = arith.addi %mul3A_341, %add3A_342 : i32
      %get3A_344 = arith.index_cast %add3A_343 : i32 to index
      %get3A_345 = arith.constant 0 : index
      %get3A_346 = arith.constant 0 : index
      %get3A_347 = vector.load %arg8[%get3A_344, %get3A_345, %get3A_346] : memref<36x160x320xbf16, #tpu.memory_space<vmem>>, vector<5x160x320xbf16>
      %reshape3A_348 = vector.shape_cast %get3A_347 : vector<5x160x320xbf16> to vector<800x320xbf16>
      %dot_general3A_349 = arith.constant dense<0.000000e+00> : vector<32x320xf32>
      %dot_general3A_350 = tpu.matmul %get3A_45, %reshape3A_348, %dot_general3A_349 {dimension_numbers = #tpu.dot_dimension_numbers<[1], [0], [0], [1], [0, 0, 1, 1], [], []>, transpose_lhs_hint = false} : vector<32x800xbf16>, vector<800x320xbf16>, vector<32x320xf32> -> vector<32x320xf32>
      %add3A_351 = arith.addi %mul3A_52, %add3A_343 : i32
      %get3A_352 = arith.constant 0 : index
      %get3A_353 = arith.index_cast %add3A_351 : i32 to index
      %get3A_354 = arith.constant 0 : index
      %get3A_355 = vector.load %arg2[%get3A_352, %get3A_353, %get3A_354] : memref<1x320x320xf32, #tpu.memory_space<vmem>>, vector<1x1x320xf32>
      %get3A_356 = vector.shape_cast %get3A_355 : vector<1x1x320xf32> to vector<320xf32>
      %broadcast_in_dim3A_357 = vector.shape_cast %get3A_356 : vector<320xf32> to vector<1x320xf32>
      %eq3A_358 = arith.constant 1.000000e+00 : f32
      %eq3A_359 = vector.broadcast %eq3A_358 : f32 to vector<1x320xf32>
      %eq3A_360 = arith.cmpf oeq, %broadcast_in_dim3A_357, %eq3A_359 : vector<1x320xf32>
      %add3A_361 = arith.constant 2 : i32
      %add3A_362 = arith.addi %add3A_351, %add3A_361 : i32
      %get3A_363 = arith.index_cast %add3A_362 : i32 to index
      %get3A_364 = arith.constant 0 : index
      %get3A_365 = arith.constant 0 : index
      %get3A_366 = vector.load %arg7[%get3A_363, %get3A_364, %get3A_365] : memref<324x32x320xbf16, #tpu.memory_space<vmem>>, vector<1x32x320xbf16>
      %get3A_367 = vector.shape_cast %get3A_366 : vector<1x32x320xbf16> to vector<32x320xbf16>
      %convert_element_type3A_368 = arith.extf %get3A_367 : vector<32x320xbf16> to vector<32x320xf32>
      %broadcast_in_dim3A_369 = vector.shape_cast %eq3A_360 : vector<1x320xi1> to vector<1x320xi1>
      %broadcast_in_dim3A_370 = vector.broadcast %broadcast_in_dim3A_369 : vector<1x320xi1> to vector<32x320xi1>
      %select_n3A_371 = arith.select %broadcast_in_dim3A_370, %convert_element_type3A_368, %dot_general3A_350 : vector<32x320xi1>, vector<32x320xf32>
      %swap3A_372 = arith.index_cast %add3A_343 : i32 to index
      %swap3A_373 = arith.constant 0 : index
      %swap3A_374 = arith.constant 0 : index
      %swap3A_375 = vector.load %arg9[%swap3A_372, %swap3A_373, %swap3A_374] : memref<32x32x320xf32, #tpu.memory_space<vmem>>, vector<1x32x320xf32>
      %swap3A_376 = vector.shape_cast %swap3A_375 : vector<1x32x320xf32> to vector<32x320xf32>
      %swap3A_377 = vector.shape_cast %select_n3A_371 : vector<32x320xf32> to vector<1x32x320xf32>
      tpu.vector_store %arg9[%swap3A_372, %swap3A_373, %swap3A_374], %swap3A_377 {strides = array<i32>} : memref<32x32x320xf32, #tpu.memory_space<vmem>>, vector<1x32x320xf32>,
      %mul3A_378 = arith.constant 32 : i32
      %mul3A_379 = arith.muli %scan3A_117, %mul3A_378 : i32
      %add3A_380 = arith.constant 7 : i32
      %add3A_381 = arith.addi %mul3A_379, %add3A_380 : i32
      %get3A_382 = arith.index_cast %add3A_381 : i32 to index
      %get3A_383 = arith.constant 0 : index
      %get3A_384 = arith.constant 0 : index
      %get3A_385 = vector.load %arg8[%get3A_382, %get3A_383, %get3A_384] : memref<36x160x320xbf16, #tpu.memory_space<vmem>>, vector<5x160x320xbf16>
      %reshape3A_386 = vector.shape_cast %get3A_385 : vector<5x160x320xbf16> to vector<800x320xbf16>
      %dot_general3A_387 = arith.constant dense<0.000000e+00> : vector<32x320xf32>
      %dot_general3A_388 = tpu.matmul %get3A_45, %reshape3A_386, %dot_general3A_387 {dimension_numbers = #tpu.dot_dimension_numbers<[1], [0], [0], [1], [0, 0, 1, 1], [], []>, transpose_lhs_hint = false} : vector<32x800xbf16>, vector<800x320xbf16>, vector<32x320xf32> -> vector<32x320xf32>
      %add3A_389 = arith.addi %mul3A_52, %add3A_381 : i32
      %get3A_390 = arith.constant 0 : index
      %get3A_391 = arith.index_cast %add3A_389 : i32 to index
      %get3A_392 = arith.constant 0 : index
      %get3A_393 = vector.load %arg2[%get3A_390, %get3A_391, %get3A_392] : memref<1x320x320xf32, #tpu.memory_space<vmem>>, vector<1x1x320xf32>
      %get3A_394 = vector.shape_cast %get3A_393 : vector<1x1x320xf32> to vector<320xf32>
      %broadcast_in_dim3A_395 = vector.shape_cast %get3A_394 : vector<320xf32> to vector<1x320xf32>
      %eq3A_396 = arith.constant 1.000000e+00 : f32
      %eq3A_397 = vector.broadcast %eq3A_396 : f32 to vector<1x320xf32>
      %eq3A_398 = arith.cmpf oeq, %broadcast_in_dim3A_395, %eq3A_397 : vector<1x320xf32>
      %add3A_399 = arith.constant 2 : i32
      %add3A_400 = arith.addi %add3A_389, %add3A_399 : i32
      %get3A_401 = arith.index_cast %add3A_400 : i32 to index
      %get3A_402 = arith.constant 0 : index
      %get3A_403 = arith.constant 0 : index
      %get3A_404 = vector.load %arg7[%get3A_401, %get3A_402, %get3A_403] : memref<324x32x320xbf16, #tpu.memory_space<vmem>>, vector<1x32x320xbf16>
      %get3A_405 = vector.shape_cast %get3A_404 : vector<1x32x320xbf16> to vector<32x320xbf16>
      %convert_element_type3A_406 = arith.extf %get3A_405 : vector<32x320xbf16> to vector<32x320xf32>
      %broadcast_in_dim3A_407 = vector.shape_cast %eq3A_398 : vector<1x320xi1> to vector<1x320xi1>
      %broadcast_in_dim3A_408 = vector.broadcast %broadcast_in_dim3A_407 : vector<1x320xi1> to vector<32x320xi1>
      %select_n3A_409 = arith.select %broadcast_in_dim3A_408, %convert_element_type3A_406, %dot_general3A_388 : vector<32x320xi1>, vector<32x320xf32>
      %swap3A_410 = arith.index_cast %add3A_381 : i32 to index
      %swap3A_411 = arith.constant 0 : index
      %swap3A_412 = arith.constant 0 : index
      %swap3A_413 = vector.load %arg9[%swap3A_410, %swap3A_411, %swap3A_412] : memref<32x32x320xf32, #tpu.memory_space<vmem>>, vector<1x32x320xf32>
      %swap3A_414 = vector.shape_cast %swap3A_413 : vector<1x32x320xf32> to vector<32x320xf32>
      %swap3A_415 = vector.shape_cast %select_n3A_409 : vector<32x320xf32> to vector<1x32x320xf32>
      tpu.vector_store %arg9[%swap3A_410, %swap3A_411, %swap3A_412], %swap3A_415 {strides = array<i32>} : memref<32x32x320xf32, #tpu.memory_space<vmem>>, vector<1x32x320xf32>,
      %mul3A_416 = arith.constant 32 : i32
      %mul3A_417 = arith.muli %scan3A_117, %mul3A_416 : i32
      %add3A_418 = arith.constant 8 : i32
      %add3A_419 = arith.addi %mul3A_417, %add3A_418 : i32
      %get3A_420 = arith.index_cast %add3A_419 : i32 to index
      %get3A_421 = arith.constant 0 : index
      %get3A_422 = arith.constant 0 : index
      %get3A_423 = vector.load %arg8[%get3A_420, %get3A_421, %get3A_422] : memref<36x160x320xbf16, #tpu.memory_space<vmem>>, vector<5x160x320xbf16>
      %reshape3A_424 = vector.shape_cast %get3A_423 : vector<5x160x320xbf16> to vector<800x320xbf16>
      %dot_general3A_425 = arith.constant dense<0.000000e+00> : vector<32x320xf32>
      %dot_general3A_426 = tpu.matmul %get3A_45, %reshape3A_424, %dot_general3A_425 {dimension_numbers = #tpu.dot_dimension_numbers<[1], [0], [0], [1], [0, 0, 1, 1], [], []>, transpose_lhs_hint = false} : vector<32x800xbf16>, vector<800x320xbf16>, vector<32x320xf32> -> vector<32x320xf32>
      %add3A_427 = arith.addi %mul3A_52, %add3A_419 : i32
      %get3A_428 = arith.constant 0 : index
      %get3A_429 = arith.index_cast %add3A_427 : i32 to index
      %get3A_430 = arith.constant 0 : index
      %get3A_431 = vector.load %arg2[%get3A_428, %get3A_429, %get3A_430] : memref<1x320x320xf32, #tpu.memory_space<vmem>>, vector<1x1x320xf32>
      %get3A_432 = vector.shape_cast %get3A_431 : vector<1x1x320xf32> to vector<320xf32>
      %broadcast_in_dim3A_433 = vector.shape_cast %get3A_432 : vector<320xf32> to vector<1x320xf32>
      %eq3A_434 = arith.constant 1.000000e+00 : f32
      %eq3A_435 = vector.broadcast %eq3A_434 : f32 to vector<1x320xf32>
      %eq3A_436 = arith.cmpf oeq, %broadcast_in_dim3A_433, %eq3A_435 : vector<1x320xf32>
      %add3A_437 = arith.constant 2 : i32
      %add3A_438 = arith.addi %add3A_427, %add3A_437 : i32
      %get3A_439 = arith.index_cast %add3A_438 : i32 to index
      %get3A_440 = arith.constant 0 : index
      %get3A_441 = arith.constant 0 : index
      %get3A_442 = vector.load %arg7[%get3A_439, %get3A_440, %get3A_441] : memref<324x32x320xbf16, #tpu.memory_space<vmem>>, vector<1x32x320xbf16>
      %get3A_443 = vector.shape_cast %get3A_442 : vector<1x32x320xbf16> to vector<32x320xbf16>
      %convert_element_type3A_444 = arith.extf %get3A_443 : vector<32x320xbf16> to vector<32x320xf32>
      %broadcast_in_dim3A_445 = vector.shape_cast %eq3A_436 : vector<1x320xi1> to vector<1x320xi1>
      %broadcast_in_dim3A_446 = vector.broadcast %broadcast_in_dim3A_445 : vector<1x320xi1> to vector<32x320xi1>
      %select_n3A_447 = arith.select %broadcast_in_dim3A_446, %convert_element_type3A_444, %dot_general3A_426 : vector<32x320xi1>, vector<32x320xf32>
      %swap3A_448 = arith.index_cast %add3A_419 : i32 to index
      %swap3A_449 = arith.constant 0 : index
      %swap3A_450 = arith.constant 0 : index
      %swap3A_451 = vector.load %arg9[%swap3A_448, %swap3A_449, %swap3A_450] : memref<32x32x320xf32, #tpu.memory_space<vmem>>, vector<1x32x320xf32>
      %swap3A_452 = vector.shape_cast %swap3A_451 : vector<1x32x320xf32> to vector<32x320xf32>
      %swap3A_453 = vector.shape_cast %select_n3A_447 : vector<32x320xf32> to vector<1x32x320xf32>
      tpu.vector_store %arg9[%swap3A_448, %swap3A_449, %swap3A_450], %swap3A_453 {strides = array<i32>} : memref<32x32x320xf32, #tpu.memory_space<vmem>>, vector<1x32x320xf32>,
      %mul3A_454 = arith.constant 32 : i32
      %mul3A_455 = arith.muli %scan3A_117, %mul3A_454 : i32
      %add3A_456 = arith.constant 9 : i32
      %add3A_457 = arith.addi %mul3A_455, %add3A_456 : i32
      %get3A_458 = arith.index_cast %add3A_457 : i32 to index
      %get3A_459 = arith.constant 0 : index
      %get3A_460 = arith.constant 0 : index
      %get3A_461 = vector.load %arg8[%get3A_458, %get3A_459, %get3A_460] : memref<36x160x320xbf16, #tpu.memory_space<vmem>>, vector<5x160x320xbf16>
      %reshape3A_462 = vector.shape_cast %get3A_461 : vector<5x160x320xbf16> to vector<800x320xbf16>
      %dot_general3A_463 = arith.constant dense<0.000000e+00> : vector<32x320xf32>
      %dot_general3A_464 = tpu.matmul %get3A_45, %reshape3A_462, %dot_general3A_463 {dimension_numbers = #tpu.dot_dimension_numbers<[1], [0], [0], [1], [0, 0, 1, 1], [], []>, transpose_lhs_hint = false} : vector<32x800xbf16>, vector<800x320xbf16>, vector<32x320xf32> -> vector<32x320xf32>
      %add3A_465 = arith.addi %mul3A_52, %add3A_457 : i32
      %get3A_466 = arith.constant 0 : index
      %get3A_467 = arith.index_cast %add3A_465 : i32 to index
      %get3A_468 = arith.constant 0 : index
      %get3A_469 = vector.load %arg2[%get3A_466, %get3A_467, %get3A_468] : memref<1x320x320xf32, #tpu.memory_space<vmem>>, vector<1x1x320xf32>
      %get3A_470 = vector.shape_cast %get3A_469 : vector<1x1x320xf32> to vector<320xf32>
      %broadcast_in_dim3A_471 = vector.shape_cast %get3A_470 : vector<320xf32> to vector<1x320xf32>
      %eq3A_472 = arith.constant 1.000000e+00 : f32
      %eq3A_473 = vector.broadcast %eq3A_472 : f32 to vector<1x320xf32>
      %eq3A_474 = arith.cmpf oeq, %broadcast_in_dim3A_471, %eq3A_473 : vector<1x320xf32>
      %add3A_475 = arith.constant 2 : i32
      %add3A_476 = arith.addi %add3A_465, %add3A_475 : i32
      %get3A_477 = arith.index_cast %add3A_476 : i32 to index
      %get3A_478 = arith.constant 0 : index
      %get3A_479 = arith.constant 0 : index
      %get3A_480 = vector.load %arg7[%get3A_477, %get3A_478, %get3A_479] : memref<324x32x320xbf16, #tpu.memory_space<vmem>>, vector<1x32x320xbf16>
      %get3A_481 = vector.shape_cast %get3A_480 : vector<1x32x320xbf16> to vector<32x320xbf16>
      %convert_element_type3A_482 = arith.extf %get3A_481 : vector<32x320xbf16> to vector<32x320xf32>
      %broadcast_in_dim3A_483 = vector.shape_cast %eq3A_474 : vector<1x320xi1> to vector<1x320xi1>
      %broadcast_in_dim3A_484 = vector.broadcast %broadcast_in_dim3A_483 : vector<1x320xi1> to vector<32x320xi1>
      %select_n3A_485 = arith.select %broadcast_in_dim3A_484, %convert_element_type3A_482, %dot_general3A_464 : vector<32x320xi1>, vector<32x320xf32>
      %swap3A_486 = arith.index_cast %add3A_457 : i32 to index
      %swap3A_487 = arith.constant 0 : index
      %swap3A_488 = arith.constant 0 : index
      %swap3A_489 = vector.load %arg9[%swap3A_486, %swap3A_487, %swap3A_488] : memref<32x32x320xf32, #tpu.memory_space<vmem>>, vector<1x32x320xf32>
      %swap3A_490 = vector.shape_cast %swap3A_489 : vector<1x32x320xf32> to vector<32x320xf32>
      %swap3A_491 = vector.shape_cast %select_n3A_485 : vector<32x320xf32> to vector<1x32x320xf32>
      tpu.vector_store %arg9[%swap3A_486, %swap3A_487, %swap3A_488], %swap3A_491 {strides = array<i32>} : memref<32x32x320xf32, #tpu.memory_space<vmem>>, vector<1x32x320xf32>,
      %mul3A_492 = arith.constant 32 : i32
      %mul3A_493 = arith.muli %scan3A_117, %mul3A_492 : i32
      %add3A_494 = arith.constant 10 : i32
      %add3A_495 = arith.addi %mul3A_493, %add3A_494 : i32
      %get3A_496 = arith.index_cast %add3A_495 : i32 to index
      %get3A_497 = arith.constant 0 : index
      %get3A_498 = arith.constant 0 : index
      %get3A_499 = vector.load %arg8[%get3A_496, %get3A_497, %get3A_498] : memref<36x160x320xbf16, #tpu.memory_space<vmem>>, vector<5x160x320xbf16>
      %reshape3A_500 = vector.shape_cast %get3A_499 : vector<5x160x320xbf16> to vector<800x320xbf16>
      %dot_general3A_501 = arith.constant dense<0.000000e+00> : vector<32x320xf32>
      %dot_general3A_502 = tpu.matmul %get3A_45, %reshape3A_500, %dot_general3A_501 {dimension_numbers = #tpu.dot_dimension_numbers<[1], [0], [0], [1], [0, 0, 1, 1], [], []>, transpose_lhs_hint = false} : vector<32x800xbf16>, vector<800x320xbf16>, vector<32x320xf32> -> vector<32x320xf32>
      %add3A_503 = arith.addi %mul3A_52, %add3A_495 : i32
      %get3A_504 = arith.constant 0 : index
      %get3A_505 = arith.index_cast %add3A_503 : i32 to index
      %get3A_506 = arith.constant 0 : index
      %get3A_507 = vector.load %arg2[%get3A_504, %get3A_505, %get3A_506] : memref<1x320x320xf32, #tpu.memory_space<vmem>>, vector<1x1x320xf32>
      %get3A_508 = vector.shape_cast %get3A_507 : vector<1x1x320xf32> to vector<320xf32>
      %broadcast_in_dim3A_509 = vector.shape_cast %get3A_508 : vector<320xf32> to vector<1x320xf32>
      %eq3A_510 = arith.constant 1.000000e+00 : f32
      %eq3A_511 = vector.broadcast %eq3A_510 : f32 to vector<1x320xf32>
      %eq3A_512 = arith.cmpf oeq, %broadcast_in_dim3A_509, %eq3A_511 : vector<1x320xf32>
      %add3A_513 = arith.constant 2 : i32
      %add3A_514 = arith.addi %add3A_503, %add3A_513 : i32
      %get3A_515 = arith.index_cast %add3A_514 : i32 to index
      %get3A_516 = arith.constant 0 : index
      %get3A_517 = arith.constant 0 : index
      %get3A_518 = vector.load %arg7[%get3A_515, %get3A_516, %get3A_517] : memref<324x32x320xbf16, #tpu.memory_space<vmem>>, vector<1x32x320xbf16>
      %get3A_519 = vector.shape_cast %get3A_518 : vector<1x32x320xbf16> to vector<32x320xbf16>
      %convert_element_type3A_520 = arith.extf %get3A_519 : vector<32x320xbf16> to vector<32x320xf32>
      %broadcast_in_dim3A_521 = vector.shape_cast %eq3A_512 : vector<1x320xi1> to vector<1x320xi1>
      %broadcast_in_dim3A_522 = vector.broadcast %broadcast_in_dim3A_521 : vector<1x320xi1> to vector<32x320xi1>
      %select_n3A_523 = arith.select %broadcast_in_dim3A_522, %convert_element_type3A_520, %dot_general3A_502 : vector<32x320xi1>, vector<32x320xf32>
      %swap3A_524 = arith.index_cast %add3A_495 : i32 to index
      %swap3A_525 = arith.constant 0 : index
      %swap3A_526 = arith.constant 0 : index
      %swap3A_527 = vector.load %arg9[%swap3A_524, %swap3A_525, %swap3A_526] : memref<32x32x320xf32, #tpu.memory_space<vmem>>, vector<1x32x320xf32>
      %swap3A_528 = vector.shape_cast %swap3A_527 : vector<1x32x320xf32> to vector<32x320xf32>
      %swap3A_529 = vector.shape_cast %select_n3A_523 : vector<32x320xf32> to vector<1x32x320xf32>
      tpu.vector_store %arg9[%swap3A_524, %swap3A_525, %swap3A_526], %swap3A_529 {strides = array<i32>} : memref<32x32x320xf32, #tpu.memory_space<vmem>>, vector<1x32x320xf32>,
      %mul3A_530 = arith.constant 32 : i32
      %mul3A_531 = arith.muli %scan3A_117, %mul3A_530 : i32
      %add3A_532 = arith.constant 11 : i32
      %add3A_533 = arith.addi %mul3A_531, %add3A_532 : i32
      %get3A_534 = arith.index_cast %add3A_533 : i32 to index
      %get3A_535 = arith.constant 0 : index
      %get3A_536 = arith.constant 0 : index
      %get3A_537 = vector.load %arg8[%get3A_534, %get3A_535, %get3A_536] : memref<36x160x320xbf16, #tpu.memory_space<vmem>>, vector<5x160x320xbf16>
      %reshape3A_538 = vector.shape_cast %get3A_537 : vector<5x160x320xbf16> to vector<800x320xbf16>
      %dot_general3A_539 = arith.constant dense<0.000000e+00> : vector<32x320xf32>
      %dot_general3A_540 = tpu.matmul %get3A_45, %reshape3A_538, %dot_general3A_539 {dimension_numbers = #tpu.dot_dimension_numbers<[1], [0], [0], [1], [0, 0, 1, 1], [], []>, transpose_lhs_hint = false} : vector<32x800xbf16>, vector<800x320xbf16>, vector<32x320xf32> -> vector<32x320xf32>
      %add3A_541 = arith.addi %mul3A_52, %add3A_533 : i32
      %get3A_542 = arith.constant 0 : index
      %get3A_543 = arith.index_cast %add3A_541 : i32 to index
      %get3A_544 = arith.constant 0 : index
      %get3A_545 = vector.load %arg2[%get3A_542, %get3A_543, %get3A_544] : memref<1x320x320xf32, #tpu.memory_space<vmem>>, vector<1x1x320xf32>
      %get3A_546 = vector.shape_cast %get3A_545 : vector<1x1x320xf32> to vector<320xf32>
      %broadcast_in_dim3A_547 = vector.shape_cast %get3A_546 : vector<320xf32> to vector<1x320xf32>
      %eq3A_548 = arith.constant 1.000000e+00 : f32
      %eq3A_549 = vector.broadcast %eq3A_548 : f32 to vector<1x320xf32>
      %eq3A_550 = arith.cmpf oeq, %broadcast_in_dim3A_547, %eq3A_549 : vector<1x320xf32>
      %add3A_551 = arith.constant 2 : i32
      %add3A_552 = arith.addi %add3A_541, %add3A_551 : i32
      %get3A_553 = arith.index_cast %add3A_552 : i32 to index
      %get3A_554 = arith.constant 0 : index
      %get3A_555 = arith.constant 0 : index
      %get3A_556 = vector.load %arg7[%get3A_553, %get3A_554, %get3A_555] : memref<324x32x320xbf16, #tpu.memory_space<vmem>>, vector<1x32x320xbf16>
      %get3A_557 = vector.shape_cast %get3A_556 : vector<1x32x320xbf16> to vector<32x320xbf16>
      %convert_element_type3A_558 = arith.extf %get3A_557 : vector<32x320xbf16> to vector<32x320xf32>
      %broadcast_in_dim3A_559 = vector.shape_cast %eq3A_550 : vector<1x320xi1> to vector<1x320xi1>
      %broadcast_in_dim3A_560 = vector.broadcast %broadcast_in_dim3A_559 : vector<1x320xi1> to vector<32x320xi1>
      %select_n3A_561 = arith.select %broadcast_in_dim3A_560, %convert_element_type3A_558, %dot_general3A_540 : vector<32x320xi1>, vector<32x320xf32>
      %swap3A_562 = arith.index_cast %add3A_533 : i32 to index
      %swap3A_563 = arith.constant 0 : index
      %swap3A_564 = arith.constant 0 : index
      %swap3A_565 = vector.load %arg9[%swap3A_562, %swap3A_563, %swap3A_564] : memref<32x32x320xf32, #tpu.memory_space<vmem>>, vector<1x32x320xf32>
      %swap3A_566 = vector.shape_cast %swap3A_565 : vector<1x32x320xf32> to vector<32x320xf32>
      %swap3A_567 = vector.shape_cast %select_n3A_561 : vector<32x320xf32> to vector<1x32x320xf32>
      tpu.vector_store %arg9[%swap3A_562, %swap3A_563, %swap3A_564], %swap3A_567 {strides = array<i32>} : memref<32x32x320xf32, #tpu.memory_space<vmem>>, vector<1x32x320xf32>,
      %mul3A_568 = arith.constant 32 : i32
      %mul3A_569 = arith.muli %scan3A_117, %mul3A_568 : i32
      %add3A_570 = arith.constant 12 : i32
      %add3A_571 = arith.addi %mul3A_569, %add3A_570 : i32
      %get3A_572 = arith.index_cast %add3A_571 : i32 to index
      %get3A_573 = arith.constant 0 : index
      %get3A_574 = arith.constant 0 : index
      %get3A_575 = vector.load %arg8[%get3A_572, %get3A_573, %get3A_574] : memref<36x160x320xbf16, #tpu.memory_space<vmem>>, vector<5x160x320xbf16>
      %reshape3A_576 = vector.shape_cast %get3A_575 : vector<5x160x320xbf16> to vector<800x320xbf16>
      %dot_general3A_577 = arith.constant dense<0.000000e+00> : vector<32x320xf32>
      %dot_general3A_578 = tpu.matmul %get3A_45, %reshape3A_576, %dot_general3A_577 {dimension_numbers = #tpu.dot_dimension_numbers<[1], [0], [0], [1], [0, 0, 1, 1], [], []>, transpose_lhs_hint = false} : vector<32x800xbf16>, vector<800x320xbf16>, vector<32x320xf32> -> vector<32x320xf32>
      %add3A_579 = arith.addi %mul3A_52, %add3A_571 : i32
      %get3A_580 = arith.constant 0 : index
      %get3A_581 = arith.index_cast %add3A_579 : i32 to index
      %get3A_582 = arith.constant 0 : index
      %get3A_583 = vector.load %arg2[%get3A_580, %get3A_581, %get3A_582] : memref<1x320x320xf32, #tpu.memory_space<vmem>>, vector<1x1x320xf32>
      %get3A_584 = vector.shape_cast %get3A_583 : vector<1x1x320xf32> to vector<320xf32>
      %broadcast_in_dim3A_585 = vector.shape_cast %get3A_584 : vector<320xf32> to vector<1x320xf32>
      %eq3A_586 = arith.constant 1.000000e+00 : f32
      %eq3A_587 = vector.broadcast %eq3A_586 : f32 to vector<1x320xf32>
      %eq3A_588 = arith.cmpf oeq, %broadcast_in_dim3A_585, %eq3A_587 : vector<1x320xf32>
      %add3A_589 = arith.constant 2 : i32
      %add3A_590 = arith.addi %add3A_579, %add3A_589 : i32
      %get3A_591 = arith.index_cast %add3A_590 : i32 to index
      %get3A_592 = arith.constant 0 : index
      %get3A_593 = arith.constant 0 : index
      %get3A_594 = vector.load %arg7[%get3A_591, %get3A_592, %get3A_593] : memref<324x32x320xbf16, #tpu.memory_space<vmem>>, vector<1x32x320xbf16>
      %get3A_595 = vector.shape_cast %get3A_594 : vector<1x32x320xbf16> to vector<32x320xbf16>
      %convert_element_type3A_596 = arith.extf %get3A_595 : vector<32x320xbf16> to vector<32x320xf32>
      %broadcast_in_dim3A_597 = vector.shape_cast %eq3A_588 : vector<1x320xi1> to vector<1x320xi1>
      %broadcast_in_dim3A_598 = vector.broadcast %broadcast_in_dim3A_597 : vector<1x320xi1> to vector<32x320xi1>
      %select_n3A_599 = arith.select %broadcast_in_dim3A_598, %convert_element_type3A_596, %dot_general3A_578 : vector<32x320xi1>, vector<32x320xf32>
      %swap3A_600 = arith.index_cast %add3A_571 : i32 to index
      %swap3A_601 = arith.constant 0 : index
      %swap3A_602 = arith.constant 0 : index
      %swap3A_603 = vector.load %arg9[%swap3A_600, %swap3A_601, %swap3A_602] : memref<32x32x320xf32, #tpu.memory_space<vmem>>, vector<1x32x320xf32>
      %swap3A_604 = vector.shape_cast %swap3A_603 : vector<1x32x320xf32> to vector<32x320xf32>
      %swap3A_605 = vector.shape_cast %select_n3A_599 : vector<32x320xf32> to vector<1x32x320xf32>
      tpu.vector_store %arg9[%swap3A_600, %swap3A_601, %swap3A_602], %swap3A_605 {strides = array<i32>} : memref<32x32x320xf32, #tpu.memory_space<vmem>>, vector<1x32x320xf32>,
      %mul3A_606 = arith.constant 32 : i32
      %mul3A_607 = arith.muli %scan3A_117, %mul3A_606 : i32
      %add3A_608 = arith.constant 13 : i32
      %add3A_609 = arith.addi %mul3A_607, %add3A_608 : i32
      %get3A_610 = arith.index_cast %add3A_609 : i32 to index
      %get3A_611 = arith.constant 0 : index
      %get3A_612 = arith.constant 0 : index
      %get3A_613 = vector.load %arg8[%get3A_610, %get3A_611, %get3A_612] : memref<36x160x320xbf16, #tpu.memory_space<vmem>>, vector<5x160x320xbf16>
      %reshape3A_614 = vector.shape_cast %get3A_613 : vector<5x160x320xbf16> to vector<800x320xbf16>
      %dot_general3A_615 = arith.constant dense<0.000000e+00> : vector<32x320xf32>
      %dot_general3A_616 = tpu.matmul %get3A_45, %reshape3A_614, %dot_general3A_615 {dimension_numbers = #tpu.dot_dimension_numbers<[1], [0], [0], [1], [0, 0, 1, 1], [], []>, transpose_lhs_hint = false} : vector<32x800xbf16>, vector<800x320xbf16>, vector<32x320xf32> -> vector<32x320xf32>
      %add3A_617 = arith.addi %mul3A_52, %add3A_609 : i32
      %get3A_618 = arith.constant 0 : index
      %get3A_619 = arith.index_cast %add3A_617 : i32 to index
      %get3A_620 = arith.constant 0 : index
      %get3A_621 = vector.load %arg2[%get3A_618, %get3A_619, %get3A_620] : memref<1x320x320xf32, #tpu.memory_space<vmem>>, vector<1x1x320xf32>
      %get3A_622 = vector.shape_cast %get3A_621 : vector<1x1x320xf32> to vector<320xf32>
      %broadcast_in_dim3A_623 = vector.shape_cast %get3A_622 : vector<320xf32> to vector<1x320xf32>
      %eq3A_624 = arith.constant 1.000000e+00 : f32
      %eq3A_625 = vector.broadcast %eq3A_624 : f32 to vector<1x320xf32>
      %eq3A_626 = arith.cmpf oeq, %broadcast_in_dim3A_623, %eq3A_625 : vector<1x320xf32>
      %add3A_627 = arith.constant 2 : i32
      %add3A_628 = arith.addi %add3A_617, %add3A_627 : i32
      %get3A_629 = arith.index_cast %add3A_628 : i32 to index
      %get3A_630 = arith.constant 0 : index
      %get3A_631 = arith.constant 0 : index
      %get3A_632 = vector.load %arg7[%get3A_629, %get3A_630, %get3A_631] : memref<324x32x320xbf16, #tpu.memory_space<vmem>>, vector<1x32x320xbf16>
      %get3A_633 = vector.shape_cast %get3A_632 : vector<1x32x320xbf16> to vector<32x320xbf16>
      %convert_element_type3A_634 = arith.extf %get3A_633 : vector<32x320xbf16> to vector<32x320xf32>
      %broadcast_in_dim3A_635 = vector.shape_cast %eq3A_626 : vector<1x320xi1> to vector<1x320xi1>
      %broadcast_in_dim3A_636 = vector.broadcast %broadcast_in_dim3A_635 : vector<1x320xi1> to vector<32x320xi1>
      %select_n3A_637 = arith.select %broadcast_in_dim3A_636, %convert_element_type3A_634, %dot_general3A_616 : vector<32x320xi1>, vector<32x320xf32>
      %swap3A_638 = arith.index_cast %add3A_609 : i32 to index
      %swap3A_639 = arith.constant 0 : index
      %swap3A_640 = arith.constant 0 : index
      %swap3A_641 = vector.load %arg9[%swap3A_638, %swap3A_639, %swap3A_640] : memref<32x32x320xf32, #tpu.memory_space<vmem>>, vector<1x32x320xf32>
      %swap3A_642 = vector.shape_cast %swap3A_641 : vector<1x32x320xf32> to vector<32x320xf32>
      %swap3A_643 = vector.shape_cast %select_n3A_637 : vector<32x320xf32> to vector<1x32x320xf32>
      tpu.vector_store %arg9[%swap3A_638, %swap3A_639, %swap3A_640], %swap3A_643 {strides = array<i32>} : memref<32x32x320xf32, #tpu.memory_space<vmem>>, vector<1x32x320xf32>,
      %mul3A_644 = arith.constant 32 : i32
      %mul3A_645 = arith.muli %scan3A_117, %mul3A_644 : i32
      %add3A_646 = arith.constant 14 : i32
      %add3A_647 = arith.addi %mul3A_645, %add3A_646 : i32
      %get3A_648 = arith.index_cast %add3A_647 : i32 to index
      %get3A_649 = arith.constant 0 : index
      %get3A_650 = arith.constant 0 : index
      %get3A_651 = vector.load %arg8[%get3A_648, %get3A_649, %get3A_650] : memref<36x160x320xbf16, #tpu.memory_space<vmem>>, vector<5x160x320xbf16>
      %reshape3A_652 = vector.shape_cast %get3A_651 : vector<5x160x320xbf16> to vector<800x320xbf16>
      %dot_general3A_653 = arith.constant dense<0.000000e+00> : vector<32x320xf32>
      %dot_general3A_654 = tpu.matmul %get3A_45, %reshape3A_652, %dot_general3A_653 {dimension_numbers = #tpu.dot_dimension_numbers<[1], [0], [0], [1], [0, 0, 1, 1], [], []>, transpose_lhs_hint = false} : vector<32x800xbf16>, vector<800x320xbf16>, vector<32x320xf32> -> vector<32x320xf32>
      %add3A_655 = arith.addi %mul3A_52, %add3A_647 : i32
      %get3A_656 = arith.constant 0 : index
      %get3A_657 = arith.index_cast %add3A_655 : i32 to index
      %get3A_658 = arith.constant 0 : index
      %get3A_659 = vector.load %arg2[%get3A_656, %get3A_657, %get3A_658] : memref<1x320x320xf32, #tpu.memory_space<vmem>>, vector<1x1x320xf32>
      %get3A_660 = vector.shape_cast %get3A_659 : vector<1x1x320xf32> to vector<320xf32>
      %broadcast_in_dim3A_661 = vector.shape_cast %get3A_660 : vector<320xf32> to vector<1x320xf32>
      %eq3A_662 = arith.constant 1.000000e+00 : f32
      %eq3A_663 = vector.broadcast %eq3A_662 : f32 to vector<1x320xf32>
      %eq3A_664 = arith.cmpf oeq, %broadcast_in_dim3A_661, %eq3A_663 : vector<1x320xf32>
      %add3A_665 = arith.constant 2 : i32
      %add3A_666 = arith.addi %add3A_655, %add3A_665 : i32
      %get3A_667 = arith.index_cast %add3A_666 : i32 to index
      %get3A_668 = arith.constant 0 : index
      %get3A_669 = arith.constant 0 : index
      %get3A_670 = vector.load %arg7[%get3A_667, %get3A_668, %get3A_669] : memref<324x32x320xbf16, #tpu.memory_space<vmem>>, vector<1x32x320xbf16>
      %get3A_671 = vector.shape_cast %get3A_670 : vector<1x32x320xbf16> to vector<32x320xbf16>
      %convert_element_type3A_672 = arith.extf %get3A_671 : vector<32x320xbf16> to vector<32x320xf32>
      %broadcast_in_dim3A_673 = vector.shape_cast %eq3A_664 : vector<1x320xi1> to vector<1x320xi1>
      %broadcast_in_dim3A_674 = vector.broadcast %broadcast_in_dim3A_673 : vector<1x320xi1> to vector<32x320xi1>
      %select_n3A_675 = arith.select %broadcast_in_dim3A_674, %convert_element_type3A_672, %dot_general3A_654 : vector<32x320xi1>, vector<32x320xf32>
      %swap3A_676 = arith.index_cast %add3A_647 : i32 to index
      %swap3A_677 = arith.constant 0 : index
      %swap3A_678 = arith.constant 0 : index
      %swap3A_679 = vector.load %arg9[%swap3A_676, %swap3A_677, %swap3A_678] : memref<32x32x320xf32, #tpu.memory_space<vmem>>, vector<1x32x320xf32>
      %swap3A_680 = vector.shape_cast %swap3A_679 : vector<1x32x320xf32> to vector<32x320xf32>
      %swap3A_681 = vector.shape_cast %select_n3A_675 : vector<32x320xf32> to vector<1x32x320xf32>
      tpu.vector_store %arg9[%swap3A_676, %swap3A_677, %swap3A_678], %swap3A_681 {strides = array<i32>} : memref<32x32x320xf32, #tpu.memory_space<vmem>>, vector<1x32x320xf32>,
      %mul3A_682 = arith.constant 32 : i32
      %mul3A_683 = arith.muli %scan3A_117, %mul3A_682 : i32
      %add3A_684 = arith.constant 15 : i32
      %add3A_685 = arith.addi %mul3A_683, %add3A_684 : i32
      %get3A_686 = arith.index_cast %add3A_685 : i32 to index
      %get3A_687 = arith.constant 0 : index
      %get3A_688 = arith.constant 0 : index
      %get3A_689 = vector.load %arg8[%get3A_686, %get3A_687, %get3A_688] : memref<36x160x320xbf16, #tpu.memory_space<vmem>>, vector<5x160x320xbf16>
      %reshape3A_690 = vector.shape_cast %get3A_689 : vector<5x160x320xbf16> to vector<800x320xbf16>
      %dot_general3A_691 = arith.constant dense<0.000000e+00> : vector<32x320xf32>
      %dot_general3A_692 = tpu.matmul %get3A_45, %reshape3A_690, %dot_general3A_691 {dimension_numbers = #tpu.dot_dimension_numbers<[1], [0], [0], [1], [0, 0, 1, 1], [], []>, transpose_lhs_hint = false} : vector<32x800xbf16>, vector<800x320xbf16>, vector<32x320xf32> -> vector<32x320xf32>
      %add3A_693 = arith.addi %mul3A_52, %add3A_685 : i32
      %get3A_694 = arith.constant 0 : index
      %get3A_695 = arith.index_cast %add3A_693 : i32 to index
      %get3A_696 = arith.constant 0 : index
      %get3A_697 = vector.load %arg2[%get3A_694, %get3A_695, %get3A_696] : memref<1x320x320xf32, #tpu.memory_space<vmem>>, vector<1x1x320xf32>
      %get3A_698 = vector.shape_cast %get3A_697 : vector<1x1x320xf32> to vector<320xf32>
      %broadcast_in_dim3A_699 = vector.shape_cast %get3A_698 : vector<320xf32> to vector<1x320xf32>
      %eq3A_700 = arith.constant 1.000000e+00 : f32
      %eq3A_701 = vector.broadcast %eq3A_700 : f32 to vector<1x320xf32>
      %eq3A_702 = arith.cmpf oeq, %broadcast_in_dim3A_699, %eq3A_701 : vector<1x320xf32>
      %add3A_703 = arith.constant 2 : i32
      %add3A_704 = arith.addi %add3A_693, %add3A_703 : i32
      %get3A_705 = arith.index_cast %add3A_704 : i32 to index
      %get3A_706 = arith.constant 0 : index
      %get3A_707 = arith.constant 0 : index
      %get3A_708 = vector.load %arg7[%get3A_705, %get3A_706, %get3A_707] : memref<324x32x320xbf16, #tpu.memory_space<vmem>>, vector<1x32x320xbf16>
      %get3A_709 = vector.shape_cast %get3A_708 : vector<1x32x320xbf16> to vector<32x320xbf16>
      %convert_element_type3A_710 = arith.extf %get3A_709 : vector<32x320xbf16> to vector<32x320xf32>
      %broadcast_in_dim3A_711 = vector.shape_cast %eq3A_702 : vector<1x320xi1> to vector<1x320xi1>
      %broadcast_in_dim3A_712 = vector.broadcast %broadcast_in_dim3A_711 : vector<1x320xi1> to vector<32x320xi1>
      %select_n3A_713 = arith.select %broadcast_in_dim3A_712, %convert_element_type3A_710, %dot_general3A_692 : vector<32x320xi1>, vector<32x320xf32>
      %swap3A_714 = arith.index_cast %add3A_685 : i32 to index
      %swap3A_715 = arith.constant 0 : index
      %swap3A_716 = arith.constant 0 : index
      %swap3A_717 = vector.load %arg9[%swap3A_714, %swap3A_715, %swap3A_716] : memref<32x32x320xf32, #tpu.memory_space<vmem>>, vector<1x32x320xf32>
      %swap3A_718 = vector.shape_cast %swap3A_717 : vector<1x32x320xf32> to vector<32x320xf32>
      %swap3A_719 = vector.shape_cast %select_n3A_713 : vector<32x320xf32> to vector<1x32x320xf32>
      tpu.vector_store %arg9[%swap3A_714, %swap3A_715, %swap3A_716], %swap3A_719 {strides = array<i32>} : memref<32x32x320xf32, #tpu.memory_space<vmem>>, vector<1x32x320xf32>,
      %mul3A_720 = arith.constant 32 : i32
      %mul3A_721 = arith.muli %scan3A_117, %mul3A_720 : i32
      %add3A_722 = arith.constant 16 : i32
      %add3A_723 = arith.addi %mul3A_721, %add3A_722 : i32
      %get3A_724 = arith.index_cast %add3A_723 : i32 to index
      %get3A_725 = arith.constant 0 : index
      %get3A_726 = arith.constant 0 : index
      %get3A_727 = vector.load %arg8[%get3A_724, %get3A_725, %get3A_726] : memref<36x160x320xbf16, #tpu.memory_space<vmem>>, vector<5x160x320xbf16>
      %reshape3A_728 = vector.shape_cast %get3A_727 : vector<5x160x320xbf16> to vector<800x320xbf16>
      %dot_general3A_729 = arith.constant dense<0.000000e+00> : vector<32x320xf32>
      %dot_general3A_730 = tpu.matmul %get3A_45, %reshape3A_728, %dot_general3A_729 {dimension_numbers = #tpu.dot_dimension_numbers<[1], [0], [0], [1], [0, 0, 1, 1], [], []>, transpose_lhs_hint = false} : vector<32x800xbf16>, vector<800x320xbf16>, vector<32x320xf32> -> vector<32x320xf32>
      %add3A_731 = arith.addi %mul3A_52, %add3A_723 : i32
      %get3A_732 = arith.constant 0 : index
      %get3A_733 = arith.index_cast %add3A_731 : i32 to index
      %get3A_734 = arith.constant 0 : index
      %get3A_735 = vector.load %arg2[%get3A_732, %get3A_733, %get3A_734] : memref<1x320x320xf32, #tpu.memory_space<vmem>>, vector<1x1x320xf32>
      %get3A_736 = vector.shape_cast %get3A_735 : vector<1x1x320xf32> to vector<320xf32>
      %broadcast_in_dim3A_737 = vector.shape_cast %get3A_736 : vector<320xf32> to vector<1x320xf32>
      %eq3A_738 = arith.constant 1.000000e+00 : f32
      %eq3A_739 = vector.broadcast %eq3A_738 : f32 to vector<1x320xf32>
      %eq3A_740 = arith.cmpf oeq, %broadcast_in_dim3A_737, %eq3A_739 : vector<1x320xf32>
      %add3A_741 = arith.constant 2 : i32
      %add3A_742 = arith.addi %add3A_731, %add3A_741 : i32
      %get3A_743 = arith.index_cast %add3A_742 : i32 to index
      %get3A_744 = arith.constant 0 : index
      %get3A_745 = arith.constant 0 : index
      %get3A_746 = vector.load %arg7[%get3A_743, %get3A_744, %get3A_745] : memref<324x32x320xbf16, #tpu.memory_space<vmem>>, vector<1x32x320xbf16>
      %get3A_747 = vector.shape_cast %get3A_746 : vector<1x32x320xbf16> to vector<32x320xbf16>
      %convert_element_type3A_748 = arith.extf %get3A_747 : vector<32x320xbf16> to vector<32x320xf32>
      %broadcast_in_dim3A_749 = vector.shape_cast %eq3A_740 : vector<1x320xi1> to vector<1x320xi1>
      %broadcast_in_dim3A_750 = vector.broadcast %broadcast_in_dim3A_749 : vector<1x320xi1> to vector<32x320xi1>
      %select_n3A_751 = arith.select %broadcast_in_dim3A_750, %convert_element_type3A_748, %dot_general3A_730 : vector<32x320xi1>, vector<32x320xf32>
      %swap3A_752 = arith.index_cast %add3A_723 : i32 to index
      %swap3A_753 = arith.constant 0 : index
      %swap3A_754 = arith.constant 0 : index
      %swap3A_755 = vector.load %arg9[%swap3A_752, %swap3A_753, %swap3A_754] : memref<32x32x320xf32, #tpu.memory_space<vmem>>, vector<1x32x320xf32>
      %swap3A_756 = vector.shape_cast %swap3A_755 : vector<1x32x320xf32> to vector<32x320xf32>
      %swap3A_757 = vector.shape_cast %select_n3A_751 : vector<32x320xf32> to vector<1x32x320xf32>
      tpu.vector_store %arg9[%swap3A_752, %swap3A_753, %swap3A_754], %swap3A_757 {strides = array<i32>} : memref<32x32x320xf32, #tpu.memory_space<vmem>>, vector<1x32x320xf32>,
      %mul3A_758 = arith.constant 32 : i32
      %mul3A_759 = arith.muli %scan3A_117, %mul3A_758 : i32
      %add3A_760 = arith.constant 17 : i32
      %add3A_761 = arith.addi %mul3A_759, %add3A_760 : i32
      %get3A_762 = arith.index_cast %add3A_761 : i32 to index
      %get3A_763 = arith.constant 0 : index
      %get3A_764 = arith.constant 0 : index
      %get3A_765 = vector.load %arg8[%get3A_762, %get3A_763, %get3A_764] : memref<36x160x320xbf16, #tpu.memory_space<vmem>>, vector<5x160x320xbf16>
      %reshape3A_766 = vector.shape_cast %get3A_765 : vector<5x160x320xbf16> to vector<800x320xbf16>
      %dot_general3A_767 = arith.constant dense<0.000000e+00> : vector<32x320xf32>
      %dot_general3A_768 = tpu.matmul %get3A_45, %reshape3A_766, %dot_general3A_767 {dimension_numbers = #tpu.dot_dimension_numbers<[1], [0], [0], [1], [0, 0, 1, 1], [], []>, transpose_lhs_hint = false} : vector<32x800xbf16>, vector<800x320xbf16>, vector<32x320xf32> -> vector<32x320xf32>
      %add3A_769 = arith.addi %mul3A_52, %add3A_761 : i32
      %get3A_770 = arith.constant 0 : index
      %get3A_771 = arith.index_cast %add3A_769 : i32 to index
      %get3A_772 = arith.constant 0 : index
      %get3A_773 = vector.load %arg2[%get3A_770, %get3A_771, %get3A_772] : memref<1x320x320xf32, #tpu.memory_space<vmem>>, vector<1x1x320xf32>
      %get3A_774 = vector.shape_cast %get3A_773 : vector<1x1x320xf32> to vector<320xf32>
      %broadcast_in_dim3A_775 = vector.shape_cast %get3A_774 : vector<320xf32> to vector<1x320xf32>
      %eq3A_776 = arith.constant 1.000000e+00 : f32
      %eq3A_777 = vector.broadcast %eq3A_776 : f32 to vector<1x320xf32>
      %eq3A_778 = arith.cmpf oeq, %broadcast_in_dim3A_775, %eq3A_777 : vector<1x320xf32>
      %add3A_779 = arith.constant 2 : i32
      %add3A_780 = arith.addi %add3A_769, %add3A_779 : i32
      %get3A_781 = arith.index_cast %add3A_780 : i32 to index
      %get3A_782 = arith.constant 0 : index
      %get3A_783 = arith.constant 0 : index
      %get3A_784 = vector.load %arg7[%get3A_781, %get3A_782, %get3A_783] : memref<324x32x320xbf16, #tpu.memory_space<vmem>>, vector<1x32x320xbf16>
      %get3A_785 = vector.shape_cast %get3A_784 : vector<1x32x320xbf16> to vector<32x320xbf16>
      %convert_element_type3A_786 = arith.extf %get3A_785 : vector<32x320xbf16> to vector<32x320xf32>
      %broadcast_in_dim3A_787 = vector.shape_cast %eq3A_778 : vector<1x320xi1> to vector<1x320xi1>
      %broadcast_in_dim3A_788 = vector.broadcast %broadcast_in_dim3A_787 : vector<1x320xi1> to vector<32x320xi1>
      %select_n3A_789 = arith.select %broadcast_in_dim3A_788, %convert_element_type3A_786, %dot_general3A_768 : vector<32x320xi1>, vector<32x320xf32>
      %swap3A_790 = arith.index_cast %add3A_761 : i32 to index
      %swap3A_791 = arith.constant 0 : index
      %swap3A_792 = arith.constant 0 : index
      %swap3A_793 = vector.load %arg9[%swap3A_790, %swap3A_791, %swap3A_792] : memref<32x32x320xf32, #tpu.memory_space<vmem>>, vector<1x32x320xf32>
      %swap3A_794 = vector.shape_cast %swap3A_793 : vector<1x32x320xf32> to vector<32x320xf32>
      %swap3A_795 = vector.shape_cast %select_n3A_789 : vector<32x320xf32> to vector<1x32x320xf32>
      tpu.vector_store %arg9[%swap3A_790, %swap3A_791, %swap3A_792], %swap3A_795 {strides = array<i32>} : memref<32x32x320xf32, #tpu.memory_space<vmem>>, vector<1x32x320xf32>,
      %mul3A_796 = arith.constant 32 : i32
      %mul3A_797 = arith.muli %scan3A_117, %mul3A_796 : i32
      %add3A_798 = arith.constant 18 : i32
      %add3A_799 = arith.addi %mul3A_797, %add3A_798 : i32
      %get3A_800 = arith.index_cast %add3A_799 : i32 to index
      %get3A_801 = arith.constant 0 : index
      %get3A_802 = arith.constant 0 : index
      %get3A_803 = vector.load %arg8[%get3A_800, %get3A_801, %get3A_802] : memref<36x160x320xbf16, #tpu.memory_space<vmem>>, vector<5x160x320xbf16>
      %reshape3A_804 = vector.shape_cast %get3A_803 : vector<5x160x320xbf16> to vector<800x320xbf16>
      %dot_general3A_805 = arith.constant dense<0.000000e+00> : vector<32x320xf32>
      %dot_general3A_806 = tpu.matmul %get3A_45, %reshape3A_804, %dot_general3A_805 {dimension_numbers = #tpu.dot_dimension_numbers<[1], [0], [0], [1], [0, 0, 1, 1], [], []>, transpose_lhs_hint = false} : vector<32x800xbf16>, vector<800x320xbf16>, vector<32x320xf32> -> vector<32x320xf32>
      %add3A_807 = arith.addi %mul3A_52, %add3A_799 : i32
      %get3A_808 = arith.constant 0 : index
      %get3A_809 = arith.index_cast %add3A_807 : i32 to index
      %get3A_810 = arith.constant 0 : index
      %get3A_811 = vector.load %arg2[%get3A_808, %get3A_809, %get3A_810] : memref<1x320x320xf32, #tpu.memory_space<vmem>>, vector<1x1x320xf32>
      %get3A_812 = vector.shape_cast %get3A_811 : vector<1x1x320xf32> to vector<320xf32>
      %broadcast_in_dim3A_813 = vector.shape_cast %get3A_812 : vector<320xf32> to vector<1x320xf32>
      %eq3A_814 = arith.constant 1.000000e+00 : f32
      %eq3A_815 = vector.broadcast %eq3A_814 : f32 to vector<1x320xf32>
      %eq3A_816 = arith.cmpf oeq, %broadcast_in_dim3A_813, %eq3A_815 : vector<1x320xf32>
      %add3A_817 = arith.constant 2 : i32
      %add3A_818 = arith.addi %add3A_807, %add3A_817 : i32
      %get3A_819 = arith.index_cast %add3A_818 : i32 to index
      %get3A_820 = arith.constant 0 : index
      %get3A_821 = arith.constant 0 : index
      %get3A_822 = vector.load %arg7[%get3A_819, %get3A_820, %get3A_821] : memref<324x32x320xbf16, #tpu.memory_space<vmem>>, vector<1x32x320xbf16>
      %get3A_823 = vector.shape_cast %get3A_822 : vector<1x32x320xbf16> to vector<32x320xbf16>
      %convert_element_type3A_824 = arith.extf %get3A_823 : vector<32x320xbf16> to vector<32x320xf32>
      %broadcast_in_dim3A_825 = vector.shape_cast %eq3A_816 : vector<1x320xi1> to vector<1x320xi1>
      %broadcast_in_dim3A_826 = vector.broadcast %broadcast_in_dim3A_825 : vector<1x320xi1> to vector<32x320xi1>
      %select_n3A_827 = arith.select %broadcast_in_dim3A_826, %convert_element_type3A_824, %dot_general3A_806 : vector<32x320xi1>, vector<32x320xf32>
      %swap3A_828 = arith.index_cast %add3A_799 : i32 to index
      %swap3A_829 = arith.constant 0 : index
      %swap3A_830 = arith.constant 0 : index
      %swap3A_831 = vector.load %arg9[%swap3A_828, %swap3A_829, %swap3A_830] : memref<32x32x320xf32, #tpu.memory_space<vmem>>, vector<1x32x320xf32>
      %swap3A_832 = vector.shape_cast %swap3A_831 : vector<1x32x320xf32> to vector<32x320xf32>
      %swap3A_833 = vector.shape_cast %select_n3A_827 : vector<32x320xf32> to vector<1x32x320xf32>
      tpu.vector_store %arg9[%swap3A_828, %swap3A_829, %swap3A_830], %swap3A_833 {strides = array<i32>} : memref<32x32x320xf32, #tpu.memory_space<vmem>>, vector<1x32x320xf32>,
      %mul3A_834 = arith.constant 32 : i32
      %mul3A_835 = arith.muli %scan3A_117, %mul3A_834 : i32
      %add3A_836 = arith.constant 19 : i32
      %add3A_837 = arith.addi %mul3A_835, %add3A_836 : i32
      %get3A_838 = arith.index_cast %add3A_837 : i32 to index
      %get3A_839 = arith.constant 0 : index
      %get3A_840 = arith.constant 0 : index
      %get3A_841 = vector.load %arg8[%get3A_838, %get3A_839, %get3A_840] : memref<36x160x320xbf16, #tpu.memory_space<vmem>>, vector<5x160x320xbf16>
      %reshape3A_842 = vector.shape_cast %get3A_841 : vector<5x160x320xbf16> to vector<800x320xbf16>
      %dot_general3A_843 = arith.constant dense<0.000000e+00> : vector<32x320xf32>
      %dot_general3A_844 = tpu.matmul %get3A_45, %reshape3A_842, %dot_general3A_843 {dimension_numbers = #tpu.dot_dimension_numbers<[1], [0], [0], [1], [0, 0, 1, 1], [], []>, transpose_lhs_hint = false} : vector<32x800xbf16>, vector<800x320xbf16>, vector<32x320xf32> -> vector<32x320xf32>
      %add3A_845 = arith.addi %mul3A_52, %add3A_837 : i32
      %get3A_846 = arith.constant 0 : index
      %get3A_847 = arith.index_cast %add3A_845 : i32 to index
      %get3A_848 = arith.constant 0 : index
      %get3A_849 = vector.load %arg2[%get3A_846, %get3A_847, %get3A_848] : memref<1x320x320xf32, #tpu.memory_space<vmem>>, vector<1x1x320xf32>
      %get3A_850 = vector.shape_cast %get3A_849 : vector<1x1x320xf32> to vector<320xf32>
      %broadcast_in_dim3A_851 = vector.shape_cast %get3A_850 : vector<320xf32> to vector<1x320xf32>
      %eq3A_852 = arith.constant 1.000000e+00 : f32
      %eq3A_853 = vector.broadcast %eq3A_852 : f32 to vector<1x320xf32>
      %eq3A_854 = arith.cmpf oeq, %broadcast_in_dim3A_851, %eq3A_853 : vector<1x320xf32>
      %add3A_855 = arith.constant 2 : i32
      %add3A_856 = arith.addi %add3A_845, %add3A_855 : i32
      %get3A_857 = arith.index_cast %add3A_856 : i32 to index
      %get3A_858 = arith.constant 0 : index
      %get3A_859 = arith.constant 0 : index
      %get3A_860 = vector.load %arg7[%get3A_857, %get3A_858, %get3A_859] : memref<324x32x320xbf16, #tpu.memory_space<vmem>>, vector<1x32x320xbf16>
      %get3A_861 = vector.shape_cast %get3A_860 : vector<1x32x320xbf16> to vector<32x320xbf16>
      %convert_element_type3A_862 = arith.extf %get3A_861 : vector<32x320xbf16> to vector<32x320xf32>
      %broadcast_in_dim3A_863 = vector.shape_cast %eq3A_854 : vector<1x320xi1> to vector<1x320xi1>
      %broadcast_in_dim3A_864 = vector.broadcast %broadcast_in_dim3A_863 : vector<1x320xi1> to vector<32x320xi1>
      %select_n3A_865 = arith.select %broadcast_in_dim3A_864, %convert_element_type3A_862, %dot_general3A_844 : vector<32x320xi1>, vector<32x320xf32>
      %swap3A_866 = arith.index_cast %add3A_837 : i32 to index
      %swap3A_867 = arith.constant 0 : index
      %swap3A_868 = arith.constant 0 : index
      %swap3A_869 = vector.load %arg9[%swap3A_866, %swap3A_867, %swap3A_868] : memref<32x32x320xf32, #tpu.memory_space<vmem>>, vector<1x32x320xf32>
      %swap3A_870 = vector.shape_cast %swap3A_869 : vector<1x32x320xf32> to vector<32x320xf32>
      %swap3A_871 = vector.shape_cast %select_n3A_865 : vector<32x320xf32> to vector<1x32x320xf32>
      tpu.vector_store %arg9[%swap3A_866, %swap3A_867, %swap3A_868], %swap3A_871 {strides = array<i32>} : memref<32x32x320xf32, #tpu.memory_space<vmem>>, vector<1x32x320xf32>,
      %mul3A_872 = arith.constant 32 : i32
      %mul3A_873 = arith.muli %scan3A_117, %mul3A_872 : i32
      %add3A_874 = arith.constant 20 : i32
      %add3A_875 = arith.addi %mul3A_873, %add3A_874 : i32
      %get3A_876 = arith.index_cast %add3A_875 : i32 to index
      %get3A_877 = arith.constant 0 : index
      %get3A_878 = arith.constant 0 : index
      %get3A_879 = vector.load %arg8[%get3A_876, %get3A_877, %get3A_878] : memref<36x160x320xbf16, #tpu.memory_space<vmem>>, vector<5x160x320xbf16>
      %reshape3A_880 = vector.shape_cast %get3A_879 : vector<5x160x320xbf16> to vector<800x320xbf16>
      %dot_general3A_881 = arith.constant dense<0.000000e+00> : vector<32x320xf32>
      %dot_general3A_882 = tpu.matmul %get3A_45, %reshape3A_880, %dot_general3A_881 {dimension_numbers = #tpu.dot_dimension_numbers<[1], [0], [0], [1], [0, 0, 1, 1], [], []>, transpose_lhs_hint = false} : vector<32x800xbf16>, vector<800x320xbf16>, vector<32x320xf32> -> vector<32x320xf32>
      %add3A_883 = arith.addi %mul3A_52, %add3A_875 : i32
      %get3A_884 = arith.constant 0 : index
      %get3A_885 = arith.index_cast %add3A_883 : i32 to index
      %get3A_886 = arith.constant 0 : index
      %get3A_887 = vector.load %arg2[%get3A_884, %get3A_885, %get3A_886] : memref<1x320x320xf32, #tpu.memory_space<vmem>>, vector<1x1x320xf32>
      %get3A_888 = vector.shape_cast %get3A_887 : vector<1x1x320xf32> to vector<320xf32>
      %broadcast_in_dim3A_889 = vector.shape_cast %get3A_888 : vector<320xf32> to vector<1x320xf32>
      %eq3A_890 = arith.constant 1.000000e+00 : f32
      %eq3A_891 = vector.broadcast %eq3A_890 : f32 to vector<1x320xf32>
      %eq3A_892 = arith.cmpf oeq, %broadcast_in_dim3A_889, %eq3A_891 : vector<1x320xf32>
      %add3A_893 = arith.constant 2 : i32
      %add3A_894 = arith.addi %add3A_883, %add3A_893 : i32
      %get3A_895 = arith.index_cast %add3A_894 : i32 to index
      %get3A_896 = arith.constant 0 : index
      %get3A_897 = arith.constant 0 : index
      %get3A_898 = vector.load %arg7[%get3A_895, %get3A_896, %get3A_897] : memref<324x32x320xbf16, #tpu.memory_space<vmem>>, vector<1x32x320xbf16>
      %get3A_899 = vector.shape_cast %get3A_898 : vector<1x32x320xbf16> to vector<32x320xbf16>
      %convert_element_type3A_900 = arith.extf %get3A_899 : vector<32x320xbf16> to vector<32x320xf32>
      %broadcast_in_dim3A_901 = vector.shape_cast %eq3A_892 : vector<1x320xi1> to vector<1x320xi1>
      %broadcast_in_dim3A_902 = vector.broadcast %broadcast_in_dim3A_901 : vector<1x320xi1> to vector<32x320xi1>
      %select_n3A_903 = arith.select %broadcast_in_dim3A_902, %convert_element_type3A_900, %dot_general3A_882 : vector<32x320xi1>, vector<32x320xf32>
      %swap3A_904 = arith.index_cast %add3A_875 : i32 to index
      %swap3A_905 = arith.constant 0 : index
      %swap3A_906 = arith.constant 0 : index
      %swap3A_907 = vector.load %arg9[%swap3A_904, %swap3A_905, %swap3A_906] : memref<32x32x320xf32, #tpu.memory_space<vmem>>, vector<1x32x320xf32>
      %swap3A_908 = vector.shape_cast %swap3A_907 : vector<1x32x320xf32> to vector<32x320xf32>
      %swap3A_909 = vector.shape_cast %select_n3A_903 : vector<32x320xf32> to vector<1x32x320xf32>
      tpu.vector_store %arg9[%swap3A_904, %swap3A_905, %swap3A_906], %swap3A_909 {strides = array<i32>} : memref<32x32x320xf32, #tpu.memory_space<vmem>>, vector<1x32x320xf32>,
      %mul3A_910 = arith.constant 32 : i32
      %mul3A_911 = arith.muli %scan3A_117, %mul3A_910 : i32
      %add3A_912 = arith.constant 21 : i32
      %add3A_913 = arith.addi %mul3A_911, %add3A_912 : i32
      %get3A_914 = arith.index_cast %add3A_913 : i32 to index
      %get3A_915 = arith.constant 0 : index
      %get3A_916 = arith.constant 0 : index
      %get3A_917 = vector.load %arg8[%get3A_914, %get3A_915, %get3A_916] : memref<36x160x320xbf16, #tpu.memory_space<vmem>>, vector<5x160x320xbf16>
      %reshape3A_918 = vector.shape_cast %get3A_917 : vector<5x160x320xbf16> to vector<800x320xbf16>
      %dot_general3A_919 = arith.constant dense<0.000000e+00> : vector<32x320xf32>
      %dot_general3A_920 = tpu.matmul %get3A_45, %reshape3A_918, %dot_general3A_919 {dimension_numbers = #tpu.dot_dimension_numbers<[1], [0], [0], [1], [0, 0, 1, 1], [], []>, transpose_lhs_hint = false} : vector<32x800xbf16>, vector<800x320xbf16>, vector<32x320xf32> -> vector<32x320xf32>
      %add3A_921 = arith.addi %mul3A_52, %add3A_913 : i32
      %get3A_922 = arith.constant 0 : index
      %get3A_923 = arith.index_cast %add3A_921 : i32 to index
      %get3A_924 = arith.constant 0 : index
      %get3A_925 = vector.load %arg2[%get3A_922, %get3A_923, %get3A_924] : memref<1x320x320xf32, #tpu.memory_space<vmem>>, vector<1x1x320xf32>
      %get3A_926 = vector.shape_cast %get3A_925 : vector<1x1x320xf32> to vector<320xf32>
      %broadcast_in_dim3A_927 = vector.shape_cast %get3A_926 : vector<320xf32> to vector<1x320xf32>
      %eq3A_928 = arith.constant 1.000000e+00 : f32
      %eq3A_929 = vector.broadcast %eq3A_928 : f32 to vector<1x320xf32>
      %eq3A_930 = arith.cmpf oeq, %broadcast_in_dim3A_927, %eq3A_929 : vector<1x320xf32>
      %add3A_931 = arith.constant 2 : i32
      %add3A_932 = arith.addi %add3A_921, %add3A_931 : i32
      %get3A_933 = arith.index_cast %add3A_932 : i32 to index
      %get3A_934 = arith.constant 0 : index
      %get3A_935 = arith.constant 0 : index
      %get3A_936 = vector.load %arg7[%get3A_933, %get3A_934, %get3A_935] : memref<324x32x320xbf16, #tpu.memory_space<vmem>>, vector<1x32x320xbf16>
      %get3A_937 = vector.shape_cast %get3A_936 : vector<1x32x320xbf16> to vector<32x320xbf16>
      %convert_element_type3A_938 = arith.extf %get3A_937 : vector<32x320xbf16> to vector<32x320xf32>
      %broadcast_in_dim3A_939 = vector.shape_cast %eq3A_930 : vector<1x320xi1> to vector<1x320xi1>
      %broadcast_in_dim3A_940 = vector.broadcast %broadcast_in_dim3A_939 : vector<1x320xi1> to vector<32x320xi1>
      %select_n3A_941 = arith.select %broadcast_in_dim3A_940, %convert_element_type3A_938, %dot_general3A_920 : vector<32x320xi1>, vector<32x320xf32>
      %swap3A_942 = arith.index_cast %add3A_913 : i32 to index
      %swap3A_943 = arith.constant 0 : index
      %swap3A_944 = arith.constant 0 : index
      %swap3A_945 = vector.load %arg9[%swap3A_942, %swap3A_943, %swap3A_944] : memref<32x32x320xf32, #tpu.memory_space<vmem>>, vector<1x32x320xf32>
      %swap3A_946 = vector.shape_cast %swap3A_945 : vector<1x32x320xf32> to vector<32x320xf32>
      %swap3A_947 = vector.shape_cast %select_n3A_941 : vector<32x320xf32> to vector<1x32x320xf32>
      tpu.vector_store %arg9[%swap3A_942, %swap3A_943, %swap3A_944], %swap3A_947 {strides = array<i32>} : memref<32x32x320xf32, #tpu.memory_space<vmem>>, vector<1x32x320xf32>,
      %mul3A_948 = arith.constant 32 : i32
      %mul3A_949 = arith.muli %scan3A_117, %mul3A_948 : i32
      %add3A_950 = arith.constant 22 : i32
      %add3A_951 = arith.addi %mul3A_949, %add3A_950 : i32
      %get3A_952 = arith.index_cast %add3A_951 : i32 to index
      %get3A_953 = arith.constant 0 : index
      %get3A_954 = arith.constant 0 : index
      %get3A_955 = vector.load %arg8[%get3A_952, %get3A_953, %get3A_954] : memref<36x160x320xbf16, #tpu.memory_space<vmem>>, vector<5x160x320xbf16>
      %reshape3A_956 = vector.shape_cast %get3A_955 : vector<5x160x320xbf16> to vector<800x320xbf16>
      %dot_general3A_957 = arith.constant dense<0.000000e+00> : vector<32x320xf32>
      %dot_general3A_958 = tpu.matmul %get3A_45, %reshape3A_956, %dot_general3A_957 {dimension_numbers = #tpu.dot_dimension_numbers<[1], [0], [0], [1], [0, 0, 1, 1], [], []>, transpose_lhs_hint = false} : vector<32x800xbf16>, vector<800x320xbf16>, vector<32x320xf32> -> vector<32x320xf32>
      %add3A_959 = arith.addi %mul3A_52, %add3A_951 : i32
      %get3A_960 = arith.constant 0 : index
      %get3A_961 = arith.index_cast %add3A_959 : i32 to index
      %get3A_962 = arith.constant 0 : index
      %get3A_963 = vector.load %arg2[%get3A_960, %get3A_961, %get3A_962] : memref<1x320x320xf32, #tpu.memory_space<vmem>>, vector<1x1x320xf32>
      %get3A_964 = vector.shape_cast %get3A_963 : vector<1x1x320xf32> to vector<320xf32>
      %broadcast_in_dim3A_965 = vector.shape_cast %get3A_964 : vector<320xf32> to vector<1x320xf32>
      %eq3A_966 = arith.constant 1.000000e+00 : f32
      %eq3A_967 = vector.broadcast %eq3A_966 : f32 to vector<1x320xf32>
      %eq3A_968 = arith.cmpf oeq, %broadcast_in_dim3A_965, %eq3A_967 : vector<1x320xf32>
      %add3A_969 = arith.constant 2 : i32
      %add3A_970 = arith.addi %add3A_959, %add3A_969 : i32
      %get3A_971 = arith.index_cast %add3A_970 : i32 to index
      %get3A_972 = arith.constant 0 : index
      %get3A_973 = arith.constant 0 : index
      %get3A_974 = vector.load %arg7[%get3A_971, %get3A_972, %get3A_973] : memref<324x32x320xbf16, #tpu.memory_space<vmem>>, vector<1x32x320xbf16>
      %get3A_975 = vector.shape_cast %get3A_974 : vector<1x32x320xbf16> to vector<32x320xbf16>
      %convert_element_type3A_976 = arith.extf %get3A_975 : vector<32x320xbf16> to vector<32x320xf32>
      %broadcast_in_dim3A_977 = vector.shape_cast %eq3A_968 : vector<1x320xi1> to vector<1x320xi1>
      %broadcast_in_dim3A_978 = vector.broadcast %broadcast_in_dim3A_977 : vector<1x320xi1> to vector<32x320xi1>
      %select_n3A_979 = arith.select %broadcast_in_dim3A_978, %convert_element_type3A_976, %dot_general3A_958 : vector<32x320xi1>, vector<32x320xf32>
      %swap3A_980 = arith.index_cast %add3A_951 : i32 to index
      %swap3A_981 = arith.constant 0 : index
      %swap3A_982 = arith.constant 0 : index
      %swap3A_983 = vector.load %arg9[%swap3A_980, %swap3A_981, %swap3A_982] : memref<32x32x320xf32, #tpu.memory_space<vmem>>, vector<1x32x320xf32>
      %swap3A_984 = vector.shape_cast %swap3A_983 : vector<1x32x320xf32> to vector<32x320xf32>
      %swap3A_985 = vector.shape_cast %select_n3A_979 : vector<32x320xf32> to vector<1x32x320xf32>
      tpu.vector_store %arg9[%swap3A_980, %swap3A_981, %swap3A_982], %swap3A_985 {strides = array<i32>} : memref<32x32x320xf32, #tpu.memory_space<vmem>>, vector<1x32x320xf32>,
      %mul3A_986 = arith.constant 32 : i32
      %mul3A_987 = arith.muli %scan3A_117, %mul3A_986 : i32
      %add3A_988 = arith.constant 23 : i32
      %add3A_989 = arith.addi %mul3A_987, %add3A_988 : i32
      %get3A_990 = arith.index_cast %add3A_989 : i32 to index
      %get3A_991 = arith.constant 0 : index
      %get3A_992 = arith.constant 0 : index
      %get3A_993 = vector.load %arg8[%get3A_990, %get3A_991, %get3A_992] : memref<36x160x320xbf16, #tpu.memory_space<vmem>>, vector<5x160x320xbf16>
      %reshape3A_994 = vector.shape_cast %get3A_993 : vector<5x160x320xbf16> to vector<800x320xbf16>
      %dot_general3A_995 = arith.constant dense<0.000000e+00> : vector<32x320xf32>
      %dot_general3A_996 = tpu.matmul %get3A_45, %reshape3A_994, %dot_general3A_995 {dimension_numbers = #tpu.dot_dimension_numbers<[1], [0], [0], [1], [0, 0, 1, 1], [], []>, transpose_lhs_hint = false} : vector<32x800xbf16>, vector<800x320xbf16>, vector<32x320xf32> -> vector<32x320xf32>
      %add3A_997 = arith.addi %mul3A_52, %add3A_989 : i32
      %get3A_998 = arith.constant 0 : index
      %get3A_999 = arith.index_cast %add3A_997 : i32 to index
      %get3A_1000 = arith.constant 0 : index
      %get3A_1001 = vector.load %arg2[%get3A_998, %get3A_999, %get3A_1000] : memref<1x320x320xf32, #tpu.memory_space<vmem>>, vector<1x1x320xf32>
      %get3A_1002 = vector.shape_cast %get3A_1001 : vector<1x1x320xf32> to vector<320xf32>
      %broadcast_in_dim3A_1003 = vector.shape_cast %get3A_1002 : vector<320xf32> to vector<1x320xf32>
      %eq3A_1004 = arith.constant 1.000000e+00 : f32
      %eq3A_1005 = vector.broadcast %eq3A_1004 : f32 to vector<1x320xf32>
      %eq3A_1006 = arith.cmpf oeq, %broadcast_in_dim3A_1003, %eq3A_1005 : vector<1x320xf32>
      %add3A_1007 = arith.constant 2 : i32
      %add3A_1008 = arith.addi %add3A_997, %add3A_1007 : i32
      %get3A_1009 = arith.index_cast %add3A_1008 : i32 to index
      %get3A_1010 = arith.constant 0 : index
      %get3A_1011 = arith.constant 0 : index
      %get3A_1012 = vector.load %arg7[%get3A_1009, %get3A_1010, %get3A_1011] : memref<324x32x320xbf16, #tpu.memory_space<vmem>>, vector<1x32x320xbf16>
      %get3A_1013 = vector.shape_cast %get3A_1012 : vector<1x32x320xbf16> to vector<32x320xbf16>
      %convert_element_type3A_1014 = arith.extf %get3A_1013 : vector<32x320xbf16> to vector<32x320xf32>
      %broadcast_in_dim3A_1015 = vector.shape_cast %eq3A_1006 : vector<1x320xi1> to vector<1x320xi1>
      %broadcast_in_dim3A_1016 = vector.broadcast %broadcast_in_dim3A_1015 : vector<1x320xi1> to vector<32x320xi1>
      %select_n3A_1017 = arith.select %broadcast_in_dim3A_1016, %convert_element_type3A_1014, %dot_general3A_996 : vector<32x320xi1>, vector<32x320xf32>
      %swap3A_1018 = arith.index_cast %add3A_989 : i32 to index
      %swap3A_1019 = arith.constant 0 : index
      %swap3A_1020 = arith.constant 0 : index
      %swap3A_1021 = vector.load %arg9[%swap3A_1018, %swap3A_1019, %swap3A_1020] : memref<32x32x320xf32, #tpu.memory_space<vmem>>, vector<1x32x320xf32>
      %swap3A_1022 = vector.shape_cast %swap3A_1021 : vector<1x32x320xf32> to vector<32x320xf32>
      %swap3A_1023 = vector.shape_cast %select_n3A_1017 : vector<32x320xf32> to vector<1x32x320xf32>
      tpu.vector_store %arg9[%swap3A_1018, %swap3A_1019, %swap3A_1020], %swap3A_1023 {strides = array<i32>} : memref<32x32x320xf32, #tpu.memory_space<vmem>>, vector<1x32x320xf32>,
      %mul3A_1024 = arith.constant 32 : i32
      %mul3A_1025 = arith.muli %scan3A_117, %mul3A_1024 : i32
      %add3A_1026 = arith.constant 24 : i32
      %add3A_1027 = arith.addi %mul3A_1025, %add3A_1026 : i32
      %get3A_1028 = arith.index_cast %add3A_1027 : i32 to index
      %get3A_1029 = arith.constant 0 : index
      %get3A_1030 = arith.constant 0 : index
      %get3A_1031 = vector.load %arg8[%get3A_1028, %get3A_1029, %get3A_1030] : memref<36x160x320xbf16, #tpu.memory_space<vmem>>, vector<5x160x320xbf16>
      %reshape3A_1032 = vector.shape_cast %get3A_1031 : vector<5x160x320xbf16> to vector<800x320xbf16>
      %dot_general3A_1033 = arith.constant dense<0.000000e+00> : vector<32x320xf32>
      %dot_general3A_1034 = tpu.matmul %get3A_45, %reshape3A_1032, %dot_general3A_1033 {dimension_numbers = #tpu.dot_dimension_numbers<[1], [0], [0], [1], [0, 0, 1, 1], [], []>, transpose_lhs_hint = false} : vector<32x800xbf16>, vector<800x320xbf16>, vector<32x320xf32> -> vector<32x320xf32>
      %add3A_1035 = arith.addi %mul3A_52, %add3A_1027 : i32
      %get3A_1036 = arith.constant 0 : index
      %get3A_1037 = arith.index_cast %add3A_1035 : i32 to index
      %get3A_1038 = arith.constant 0 : index
      %get3A_1039 = vector.load %arg2[%get3A_1036, %get3A_1037, %get3A_1038] : memref<1x320x320xf32, #tpu.memory_space<vmem>>, vector<1x1x320xf32>
      %get3A_1040 = vector.shape_cast %get3A_1039 : vector<1x1x320xf32> to vector<320xf32>
      %broadcast_in_dim3A_1041 = vector.shape_cast %get3A_1040 : vector<320xf32> to vector<1x320xf32>
      %eq3A_1042 = arith.constant 1.000000e+00 : f32
      %eq3A_1043 = vector.broadcast %eq3A_1042 : f32 to vector<1x320xf32>
      %eq3A_1044 = arith.cmpf oeq, %broadcast_in_dim3A_1041, %eq3A_1043 : vector<1x320xf32>
      %add3A_1045 = arith.constant 2 : i32
      %add3A_1046 = arith.addi %add3A_1035, %add3A_1045 : i32
      %get3A_1047 = arith.index_cast %add3A_1046 : i32 to index
      %get3A_1048 = arith.constant 0 : index
      %get3A_1049 = arith.constant 0 : index
      %get3A_1050 = vector.load %arg7[%get3A_1047, %get3A_1048, %get3A_1049] : memref<324x32x320xbf16, #tpu.memory_space<vmem>>, vector<1x32x320xbf16>
      %get3A_1051 = vector.shape_cast %get3A_1050 : vector<1x32x320xbf16> to vector<32x320xbf16>
      %convert_element_type3A_1052 = arith.extf %get3A_1051 : vector<32x320xbf16> to vector<32x320xf32>
      %broadcast_in_dim3A_1053 = vector.shape_cast %eq3A_1044 : vector<1x320xi1> to vector<1x320xi1>
      %broadcast_in_dim3A_1054 = vector.broadcast %broadcast_in_dim3A_1053 : vector<1x320xi1> to vector<32x320xi1>
      %select_n3A_1055 = arith.select %broadcast_in_dim3A_1054, %convert_element_type3A_1052, %dot_general3A_1034 : vector<32x320xi1>, vector<32x320xf32>
      %swap3A_1056 = arith.index_cast %add3A_1027 : i32 to index
      %swap3A_1057 = arith.constant 0 : index
      %swap3A_1058 = arith.constant 0 : index
      %swap3A_1059 = vector.load %arg9[%swap3A_1056, %swap3A_1057, %swap3A_1058] : memref<32x32x320xf32, #tpu.memory_space<vmem>>, vector<1x32x320xf32>
      %swap3A_1060 = vector.shape_cast %swap3A_1059 : vector<1x32x320xf32> to vector<32x320xf32>
      %swap3A_1061 = vector.shape_cast %select_n3A_1055 : vector<32x320xf32> to vector<1x32x320xf32>
      tpu.vector_store %arg9[%swap3A_1056, %swap3A_1057, %swap3A_1058], %swap3A_1061 {strides = array<i32>} : memref<32x32x320xf32, #tpu.memory_space<vmem>>, vector<1x32x320xf32>,
      %mul3A_1062 = arith.constant 32 : i32
      %mul3A_1063 = arith.muli %scan3A_117, %mul3A_1062 : i32
      %add3A_1064 = arith.constant 25 : i32
      %add3A_1065 = arith.addi %mul3A_1063, %add3A_1064 : i32
      %get3A_1066 = arith.index_cast %add3A_1065 : i32 to index
      %get3A_1067 = arith.constant 0 : index
      %get3A_1068 = arith.constant 0 : index
      %get3A_1069 = vector.load %arg8[%get3A_1066, %get3A_1067, %get3A_1068] : memref<36x160x320xbf16, #tpu.memory_space<vmem>>, vector<5x160x320xbf16>
      %reshape3A_1070 = vector.shape_cast %get3A_1069 : vector<5x160x320xbf16> to vector<800x320xbf16>
      %dot_general3A_1071 = arith.constant dense<0.000000e+00> : vector<32x320xf32>
      %dot_general3A_1072 = tpu.matmul %get3A_45, %reshape3A_1070, %dot_general3A_1071 {dimension_numbers = #tpu.dot_dimension_numbers<[1], [0], [0], [1], [0, 0, 1, 1], [], []>, transpose_lhs_hint = false} : vector<32x800xbf16>, vector<800x320xbf16>, vector<32x320xf32> -> vector<32x320xf32>
      %add3A_1073 = arith.addi %mul3A_52, %add3A_1065 : i32
      %get3A_1074 = arith.constant 0 : index
      %get3A_1075 = arith.index_cast %add3A_1073 : i32 to index
      %get3A_1076 = arith.constant 0 : index
      %get3A_1077 = vector.load %arg2[%get3A_1074, %get3A_1075, %get3A_1076] : memref<1x320x320xf32, #tpu.memory_space<vmem>>, vector<1x1x320xf32>
      %get3A_1078 = vector.shape_cast %get3A_1077 : vector<1x1x320xf32> to vector<320xf32>
      %broadcast_in_dim3A_1079 = vector.shape_cast %get3A_1078 : vector<320xf32> to vector<1x320xf32>
      %eq3A_1080 = arith.constant 1.000000e+00 : f32
      %eq3A_1081 = vector.broadcast %eq3A_1080 : f32 to vector<1x320xf32>
      %eq3A_1082 = arith.cmpf oeq, %broadcast_in_dim3A_1079, %eq3A_1081 : vector<1x320xf32>
      %add3A_1083 = arith.constant 2 : i32
      %add3A_1084 = arith.addi %add3A_1073, %add3A_1083 : i32
      %get3A_1085 = arith.index_cast %add3A_1084 : i32 to index
      %get3A_1086 = arith.constant 0 : index
      %get3A_1087 = arith.constant 0 : index
      %get3A_1088 = vector.load %arg7[%get3A_1085, %get3A_1086, %get3A_1087] : memref<324x32x320xbf16, #tpu.memory_space<vmem>>, vector<1x32x320xbf16>
      %get3A_1089 = vector.shape_cast %get3A_1088 : vector<1x32x320xbf16> to vector<32x320xbf16>
      %convert_element_type3A_1090 = arith.extf %get3A_1089 : vector<32x320xbf16> to vector<32x320xf32>
      %broadcast_in_dim3A_1091 = vector.shape_cast %eq3A_1082 : vector<1x320xi1> to vector<1x320xi1>
      %broadcast_in_dim3A_1092 = vector.broadcast %broadcast_in_dim3A_1091 : vector<1x320xi1> to vector<32x320xi1>
      %select_n3A_1093 = arith.select %broadcast_in_dim3A_1092, %convert_element_type3A_1090, %dot_general3A_1072 : vector<32x320xi1>, vector<32x320xf32>
      %swap3A_1094 = arith.index_cast %add3A_1065 : i32 to index
      %swap3A_1095 = arith.constant 0 : index
      %swap3A_1096 = arith.constant 0 : index
      %swap3A_1097 = vector.load %arg9[%swap3A_1094, %swap3A_1095, %swap3A_1096] : memref<32x32x320xf32, #tpu.memory_space<vmem>>, vector<1x32x320xf32>
      %swap3A_1098 = vector.shape_cast %swap3A_1097 : vector<1x32x320xf32> to vector<32x320xf32>
      %swap3A_1099 = vector.shape_cast %select_n3A_1093 : vector<32x320xf32> to vector<1x32x320xf32>
      tpu.vector_store %arg9[%swap3A_1094, %swap3A_1095, %swap3A_1096], %swap3A_1099 {strides = array<i32>} : memref<32x32x320xf32, #tpu.memory_space<vmem>>, vector<1x32x320xf32>,
      %mul3A_1100 = arith.constant 32 : i32
      %mul3A_1101 = arith.muli %scan3A_117, %mul3A_1100 : i32
      %add3A_1102 = arith.constant 26 : i32
      %add3A_1103 = arith.addi %mul3A_1101, %add3A_1102 : i32
      %get3A_1104 = arith.index_cast %add3A_1103 : i32 to index
      %get3A_1105 = arith.constant 0 : index
      %get3A_1106 = arith.constant 0 : index
      %get3A_1107 = vector.load %arg8[%get3A_1104, %get3A_1105, %get3A_1106] : memref<36x160x320xbf16, #tpu.memory_space<vmem>>, vector<5x160x320xbf16>
      %reshape3A_1108 = vector.shape_cast %get3A_1107 : vector<5x160x320xbf16> to vector<800x320xbf16>
      %dot_general3A_1109 = arith.constant dense<0.000000e+00> : vector<32x320xf32>
      %dot_general3A_1110 = tpu.matmul %get3A_45, %reshape3A_1108, %dot_general3A_1109 {dimension_numbers = #tpu.dot_dimension_numbers<[1], [0], [0], [1], [0, 0, 1, 1], [], []>, transpose_lhs_hint = false} : vector<32x800xbf16>, vector<800x320xbf16>, vector<32x320xf32> -> vector<32x320xf32>
      %add3A_1111 = arith.addi %mul3A_52, %add3A_1103 : i32
      %get3A_1112 = arith.constant 0 : index
      %get3A_1113 = arith.index_cast %add3A_1111 : i32 to index
      %get3A_1114 = arith.constant 0 : index
      %get3A_1115 = vector.load %arg2[%get3A_1112, %get3A_1113, %get3A_1114] : memref<1x320x320xf32, #tpu.memory_space<vmem>>, vector<1x1x320xf32>
      %get3A_1116 = vector.shape_cast %get3A_1115 : vector<1x1x320xf32> to vector<320xf32>
      %broadcast_in_dim3A_1117 = vector.shape_cast %get3A_1116 : vector<320xf32> to vector<1x320xf32>
      %eq3A_1118 = arith.constant 1.000000e+00 : f32
      %eq3A_1119 = vector.broadcast %eq3A_1118 : f32 to vector<1x320xf32>
      %eq3A_1120 = arith.cmpf oeq, %broadcast_in_dim3A_1117, %eq3A_1119 : vector<1x320xf32>
      %add3A_1121 = arith.constant 2 : i32
      %add3A_1122 = arith.addi %add3A_1111, %add3A_1121 : i32
      %get3A_1123 = arith.index_cast %add3A_1122 : i32 to index
      %get3A_1124 = arith.constant 0 : index
      %get3A_1125 = arith.constant 0 : index
      %get3A_1126 = vector.load %arg7[%get3A_1123, %get3A_1124, %get3A_1125] : memref<324x32x320xbf16, #tpu.memory_space<vmem>>, vector<1x32x320xbf16>
      %get3A_1127 = vector.shape_cast %get3A_1126 : vector<1x32x320xbf16> to vector<32x320xbf16>
      %convert_element_type3A_1128 = arith.extf %get3A_1127 : vector<32x320xbf16> to vector<32x320xf32>
      %broadcast_in_dim3A_1129 = vector.shape_cast %eq3A_1120 : vector<1x320xi1> to vector<1x320xi1>
      %broadcast_in_dim3A_1130 = vector.broadcast %broadcast_in_dim3A_1129 : vector<1x320xi1> to vector<32x320xi1>
      %select_n3A_1131 = arith.select %broadcast_in_dim3A_1130, %convert_element_type3A_1128, %dot_general3A_1110 : vector<32x320xi1>, vector<32x320xf32>
      %swap3A_1132 = arith.index_cast %add3A_1103 : i32 to index
      %swap3A_1133 = arith.constant 0 : index
      %swap3A_1134 = arith.constant 0 : index
      %swap3A_1135 = vector.load %arg9[%swap3A_1132, %swap3A_1133, %swap3A_1134] : memref<32x32x320xf32, #tpu.memory_space<vmem>>, vector<1x32x320xf32>
      %swap3A_1136 = vector.shape_cast %swap3A_1135 : vector<1x32x320xf32> to vector<32x320xf32>
      %swap3A_1137 = vector.shape_cast %select_n3A_1131 : vector<32x320xf32> to vector<1x32x320xf32>
      tpu.vector_store %arg9[%swap3A_1132, %swap3A_1133, %swap3A_1134], %swap3A_1137 {strides = array<i32>} : memref<32x32x320xf32, #tpu.memory_space<vmem>>, vector<1x32x320xf32>,
      %mul3A_1138 = arith.constant 32 : i32
      %mul3A_1139 = arith.muli %scan3A_117, %mul3A_1138 : i32
      %add3A_1140 = arith.constant 27 : i32
      %add3A_1141 = arith.addi %mul3A_1139, %add3A_1140 : i32
      %get3A_1142 = arith.index_cast %add3A_1141 : i32 to index
      %get3A_1143 = arith.constant 0 : index
      %get3A_1144 = arith.constant 0 : index
      %get3A_1145 = vector.load %arg8[%get3A_1142, %get3A_1143, %get3A_1144] : memref<36x160x320xbf16, #tpu.memory_space<vmem>>, vector<5x160x320xbf16>
      %reshape3A_1146 = vector.shape_cast %get3A_1145 : vector<5x160x320xbf16> to vector<800x320xbf16>
      %dot_general3A_1147 = arith.constant dense<0.000000e+00> : vector<32x320xf32>
      %dot_general3A_1148 = tpu.matmul %get3A_45, %reshape3A_1146, %dot_general3A_1147 {dimension_numbers = #tpu.dot_dimension_numbers<[1], [0], [0], [1], [0, 0, 1, 1], [], []>, transpose_lhs_hint = false} : vector<32x800xbf16>, vector<800x320xbf16>, vector<32x320xf32> -> vector<32x320xf32>
      %add3A_1149 = arith.addi %mul3A_52, %add3A_1141 : i32
      %get3A_1150 = arith.constant 0 : index
      %get3A_1151 = arith.index_cast %add3A_1149 : i32 to index
      %get3A_1152 = arith.constant 0 : index
      %get3A_1153 = vector.load %arg2[%get3A_1150, %get3A_1151, %get3A_1152] : memref<1x320x320xf32, #tpu.memory_space<vmem>>, vector<1x1x320xf32>
      %get3A_1154 = vector.shape_cast %get3A_1153 : vector<1x1x320xf32> to vector<320xf32>
      %broadcast_in_dim3A_1155 = vector.shape_cast %get3A_1154 : vector<320xf32> to vector<1x320xf32>
      %eq3A_1156 = arith.constant 1.000000e+00 : f32
      %eq3A_1157 = vector.broadcast %eq3A_1156 : f32 to vector<1x320xf32>
      %eq3A_1158 = arith.cmpf oeq, %broadcast_in_dim3A_1155, %eq3A_1157 : vector<1x320xf32>
      %add3A_1159 = arith.constant 2 : i32
      %add3A_1160 = arith.addi %add3A_1149, %add3A_1159 : i32
      %get3A_1161 = arith.index_cast %add3A_1160 : i32 to index
      %get3A_1162 = arith.constant 0 : index
      %get3A_1163 = arith.constant 0 : index
      %get3A_1164 = vector.load %arg7[%get3A_1161, %get3A_1162, %get3A_1163] : memref<324x32x320xbf16, #tpu.memory_space<vmem>>, vector<1x32x320xbf16>
      %get3A_1165 = vector.shape_cast %get3A_1164 : vector<1x32x320xbf16> to vector<32x320xbf16>
      %convert_element_type3A_1166 = arith.extf %get3A_1165 : vector<32x320xbf16> to vector<32x320xf32>
      %broadcast_in_dim3A_1167 = vector.shape_cast %eq3A_1158 : vector<1x320xi1> to vector<1x320xi1>
      %broadcast_in_dim3A_1168 = vector.broadcast %broadcast_in_dim3A_1167 : vector<1x320xi1> to vector<32x320xi1>
      %select_n3A_1169 = arith.select %broadcast_in_dim3A_1168, %convert_element_type3A_1166, %dot_general3A_1148 : vector<32x320xi1>, vector<32x320xf32>
      %swap3A_1170 = arith.index_cast %add3A_1141 : i32 to index
      %swap3A_1171 = arith.constant 0 : index
      %swap3A_1172 = arith.constant 0 : index
      %swap3A_1173 = vector.load %arg9[%swap3A_1170, %swap3A_1171, %swap3A_1172] : memref<32x32x320xf32, #tpu.memory_space<vmem>>, vector<1x32x320xf32>
      %swap3A_1174 = vector.shape_cast %swap3A_1173 : vector<1x32x320xf32> to vector<32x320xf32>
      %swap3A_1175 = vector.shape_cast %select_n3A_1169 : vector<32x320xf32> to vector<1x32x320xf32>
      tpu.vector_store %arg9[%swap3A_1170, %swap3A_1171, %swap3A_1172], %swap3A_1175 {strides = array<i32>} : memref<32x32x320xf32, #tpu.memory_space<vmem>>, vector<1x32x320xf32>,
      %mul3A_1176 = arith.constant 32 : i32
      %mul3A_1177 = arith.muli %scan3A_117, %mul3A_1176 : i32
      %add3A_1178 = arith.constant 28 : i32
      %add3A_1179 = arith.addi %mul3A_1177, %add3A_1178 : i32
      %get3A_1180 = arith.index_cast %add3A_1179 : i32 to index
      %get3A_1181 = arith.constant 0 : index
      %get3A_1182 = arith.constant 0 : index
      %get3A_1183 = vector.load %arg8[%get3A_1180, %get3A_1181, %get3A_1182] : memref<36x160x320xbf16, #tpu.memory_space<vmem>>, vector<5x160x320xbf16>
      %reshape3A_1184 = vector.shape_cast %get3A_1183 : vector<5x160x320xbf16> to vector<800x320xbf16>
      %dot_general3A_1185 = arith.constant dense<0.000000e+00> : vector<32x320xf32>
      %dot_general3A_1186 = tpu.matmul %get3A_45, %reshape3A_1184, %dot_general3A_1185 {dimension_numbers = #tpu.dot_dimension_numbers<[1], [0], [0], [1], [0, 0, 1, 1], [], []>, transpose_lhs_hint = false} : vector<32x800xbf16>, vector<800x320xbf16>, vector<32x320xf32> -> vector<32x320xf32>
      %add3A_1187 = arith.addi %mul3A_52, %add3A_1179 : i32
      %get3A_1188 = arith.constant 0 : index
      %get3A_1189 = arith.index_cast %add3A_1187 : i32 to index
      %get3A_1190 = arith.constant 0 : index
      %get3A_1191 = vector.load %arg2[%get3A_1188, %get3A_1189, %get3A_1190] : memref<1x320x320xf32, #tpu.memory_space<vmem>>, vector<1x1x320xf32>
      %get3A_1192 = vector.shape_cast %get3A_1191 : vector<1x1x320xf32> to vector<320xf32>
      %broadcast_in_dim3A_1193 = vector.shape_cast %get3A_1192 : vector<320xf32> to vector<1x320xf32>
      %eq3A_1194 = arith.constant 1.000000e+00 : f32
      %eq3A_1195 = vector.broadcast %eq3A_1194 : f32 to vector<1x320xf32>
      %eq3A_1196 = arith.cmpf oeq, %broadcast_in_dim3A_1193, %eq3A_1195 : vector<1x320xf32>
      %add3A_1197 = arith.constant 2 : i32
      %add3A_1198 = arith.addi %add3A_1187, %add3A_1197 : i32
      %get3A_1199 = arith.index_cast %add3A_1198 : i32 to index
      %get3A_1200 = arith.constant 0 : index
      %get3A_1201 = arith.constant 0 : index
      %get3A_1202 = vector.load %arg7[%get3A_1199, %get3A_1200, %get3A_1201] : memref<324x32x320xbf16, #tpu.memory_space<vmem>>, vector<1x32x320xbf16>
      %get3A_1203 = vector.shape_cast %get3A_1202 : vector<1x32x320xbf16> to vector<32x320xbf16>
      %convert_element_type3A_1204 = arith.extf %get3A_1203 : vector<32x320xbf16> to vector<32x320xf32>
      %broadcast_in_dim3A_1205 = vector.shape_cast %eq3A_1196 : vector<1x320xi1> to vector<1x320xi1>
      %broadcast_in_dim3A_1206 = vector.broadcast %broadcast_in_dim3A_1205 : vector<1x320xi1> to vector<32x320xi1>
      %select_n3A_1207 = arith.select %broadcast_in_dim3A_1206, %convert_element_type3A_1204, %dot_general3A_1186 : vector<32x320xi1>, vector<32x320xf32>
      %swap3A_1208 = arith.index_cast %add3A_1179 : i32 to index
      %swap3A_1209 = arith.constant 0 : index
      %swap3A_1210 = arith.constant 0 : index
      %swap3A_1211 = vector.load %arg9[%swap3A_1208, %swap3A_1209, %swap3A_1210] : memref<32x32x320xf32, #tpu.memory_space<vmem>>, vector<1x32x320xf32>
      %swap3A_1212 = vector.shape_cast %swap3A_1211 : vector<1x32x320xf32> to vector<32x320xf32>
      %swap3A_1213 = vector.shape_cast %select_n3A_1207 : vector<32x320xf32> to vector<1x32x320xf32>
      tpu.vector_store %arg9[%swap3A_1208, %swap3A_1209, %swap3A_1210], %swap3A_1213 {strides = array<i32>} : memref<32x32x320xf32, #tpu.memory_space<vmem>>, vector<1x32x320xf32>,
      %mul3A_1214 = arith.constant 32 : i32
      %mul3A_1215 = arith.muli %scan3A_117, %mul3A_1214 : i32
      %add3A_1216 = arith.constant 29 : i32
      %add3A_1217 = arith.addi %mul3A_1215, %add3A_1216 : i32
      %get3A_1218 = arith.index_cast %add3A_1217 : i32 to index
      %get3A_1219 = arith.constant 0 : index
      %get3A_1220 = arith.constant 0 : index
      %get3A_1221 = vector.load %arg8[%get3A_1218, %get3A_1219, %get3A_1220] : memref<36x160x320xbf16, #tpu.memory_space<vmem>>, vector<5x160x320xbf16>
      %reshape3A_1222 = vector.shape_cast %get3A_1221 : vector<5x160x320xbf16> to vector<800x320xbf16>
      %dot_general3A_1223 = arith.constant dense<0.000000e+00> : vector<32x320xf32>
      %dot_general3A_1224 = tpu.matmul %get3A_45, %reshape3A_1222, %dot_general3A_1223 {dimension_numbers = #tpu.dot_dimension_numbers<[1], [0], [0], [1], [0, 0, 1, 1], [], []>, transpose_lhs_hint = false} : vector<32x800xbf16>, vector<800x320xbf16>, vector<32x320xf32> -> vector<32x320xf32>
      %add3A_1225 = arith.addi %mul3A_52, %add3A_1217 : i32
      %get3A_1226 = arith.constant 0 : index
      %get3A_1227 = arith.index_cast %add3A_1225 : i32 to index
      %get3A_1228 = arith.constant 0 : index
      %get3A_1229 = vector.load %arg2[%get3A_1226, %get3A_1227, %get3A_1228] : memref<1x320x320xf32, #tpu.memory_space<vmem>>, vector<1x1x320xf32>
      %get3A_1230 = vector.shape_cast %get3A_1229 : vector<1x1x320xf32> to vector<320xf32>
      %broadcast_in_dim3A_1231 = vector.shape_cast %get3A_1230 : vector<320xf32> to vector<1x320xf32>
      %eq3A_1232 = arith.constant 1.000000e+00 : f32
      %eq3A_1233 = vector.broadcast %eq3A_1232 : f32 to vector<1x320xf32>
      %eq3A_1234 = arith.cmpf oeq, %broadcast_in_dim3A_1231, %eq3A_1233 : vector<1x320xf32>
      %add3A_1235 = arith.constant 2 : i32
      %add3A_1236 = arith.addi %add3A_1225, %add3A_1235 : i32
      %get3A_1237 = arith.index_cast %add3A_1236 : i32 to index
      %get3A_1238 = arith.constant 0 : index
      %get3A_1239 = arith.constant 0 : index
      %get3A_1240 = vector.load %arg7[%get3A_1237, %get3A_1238, %get3A_1239] : memref<324x32x320xbf16, #tpu.memory_space<vmem>>, vector<1x32x320xbf16>
      %get3A_1241 = vector.shape_cast %get3A_1240 : vector<1x32x320xbf16> to vector<32x320xbf16>
      %convert_element_type3A_1242 = arith.extf %get3A_1241 : vector<32x320xbf16> to vector<32x320xf32>
      %broadcast_in_dim3A_1243 = vector.shape_cast %eq3A_1234 : vector<1x320xi1> to vector<1x320xi1>
      %broadcast_in_dim3A_1244 = vector.broadcast %broadcast_in_dim3A_1243 : vector<1x320xi1> to vector<32x320xi1>
      %select_n3A_1245 = arith.select %broadcast_in_dim3A_1244, %convert_element_type3A_1242, %dot_general3A_1224 : vector<32x320xi1>, vector<32x320xf32>
      %swap3A_1246 = arith.index_cast %add3A_1217 : i32 to index
      %swap3A_1247 = arith.constant 0 : index
      %swap3A_1248 = arith.constant 0 : index
      %swap3A_1249 = vector.load %arg9[%swap3A_1246, %swap3A_1247, %swap3A_1248] : memref<32x32x320xf32, #tpu.memory_space<vmem>>, vector<1x32x320xf32>
      %swap3A_1250 = vector.shape_cast %swap3A_1249 : vector<1x32x320xf32> to vector<32x320xf32>
      %swap3A_1251 = vector.shape_cast %select_n3A_1245 : vector<32x320xf32> to vector<1x32x320xf32>
      tpu.vector_store %arg9[%swap3A_1246, %swap3A_1247, %swap3A_1248], %swap3A_1251 {strides = array<i32>} : memref<32x32x320xf32, #tpu.memory_space<vmem>>, vector<1x32x320xf32>,
      %mul3A_1252 = arith.constant 32 : i32
      %mul3A_1253 = arith.muli %scan3A_117, %mul3A_1252 : i32
      %add3A_1254 = arith.constant 30 : i32
      %add3A_1255 = arith.addi %mul3A_1253, %add3A_1254 : i32
      %get3A_1256 = arith.index_cast %add3A_1255 : i32 to index
      %get3A_1257 = arith.constant 0 : index
      %get3A_1258 = arith.constant 0 : index
      %get3A_1259 = vector.load %arg8[%get3A_1256, %get3A_1257, %get3A_1258] : memref<36x160x320xbf16, #tpu.memory_space<vmem>>, vector<5x160x320xbf16>
      %reshape3A_1260 = vector.shape_cast %get3A_1259 : vector<5x160x320xbf16> to vector<800x320xbf16>
      %dot_general3A_1261 = arith.constant dense<0.000000e+00> : vector<32x320xf32>
      %dot_general3A_1262 = tpu.matmul %get3A_45, %reshape3A_1260, %dot_general3A_1261 {dimension_numbers = #tpu.dot_dimension_numbers<[1], [0], [0], [1], [0, 0, 1, 1], [], []>, transpose_lhs_hint = false} : vector<32x800xbf16>, vector<800x320xbf16>, vector<32x320xf32> -> vector<32x320xf32>
      %add3A_1263 = arith.addi %mul3A_52, %add3A_1255 : i32
      %get3A_1264 = arith.constant 0 : index
      %get3A_1265 = arith.index_cast %add3A_1263 : i32 to index
      %get3A_1266 = arith.constant 0 : index
      %get3A_1267 = vector.load %arg2[%get3A_1264, %get3A_1265, %get3A_1266] : memref<1x320x320xf32, #tpu.memory_space<vmem>>, vector<1x1x320xf32>
      %get3A_1268 = vector.shape_cast %get3A_1267 : vector<1x1x320xf32> to vector<320xf32>
      %broadcast_in_dim3A_1269 = vector.shape_cast %get3A_1268 : vector<320xf32> to vector<1x320xf32>
      %eq3A_1270 = arith.constant 1.000000e+00 : f32
      %eq3A_1271 = vector.broadcast %eq3A_1270 : f32 to vector<1x320xf32>
      %eq3A_1272 = arith.cmpf oeq, %broadcast_in_dim3A_1269, %eq3A_1271 : vector<1x320xf32>
      %add3A_1273 = arith.constant 2 : i32
      %add3A_1274 = arith.addi %add3A_1263, %add3A_1273 : i32
      %get3A_1275 = arith.index_cast %add3A_1274 : i32 to index
      %get3A_1276 = arith.constant 0 : index
      %get3A_1277 = arith.constant 0 : index
      %get3A_1278 = vector.load %arg7[%get3A_1275, %get3A_1276, %get3A_1277] : memref<324x32x320xbf16, #tpu.memory_space<vmem>>, vector<1x32x320xbf16>
      %get3A_1279 = vector.shape_cast %get3A_1278 : vector<1x32x320xbf16> to vector<32x320xbf16>
      %convert_element_type3A_1280 = arith.extf %get3A_1279 : vector<32x320xbf16> to vector<32x320xf32>
      %broadcast_in_dim3A_1281 = vector.shape_cast %eq3A_1272 : vector<1x320xi1> to vector<1x320xi1>
      %broadcast_in_dim3A_1282 = vector.broadcast %broadcast_in_dim3A_1281 : vector<1x320xi1> to vector<32x320xi1>
      %select_n3A_1283 = arith.select %broadcast_in_dim3A_1282, %convert_element_type3A_1280, %dot_general3A_1262 : vector<32x320xi1>, vector<32x320xf32>
      %swap3A_1284 = arith.index_cast %add3A_1255 : i32 to index
      %swap3A_1285 = arith.constant 0 : index
      %swap3A_1286 = arith.constant 0 : index
      %swap3A_1287 = vector.load %arg9[%swap3A_1284, %swap3A_1285, %swap3A_1286] : memref<32x32x320xf32, #tpu.memory_space<vmem>>, vector<1x32x320xf32>
      %swap3A_1288 = vector.shape_cast %swap3A_1287 : vector<1x32x320xf32> to vector<32x320xf32>
      %swap3A_1289 = vector.shape_cast %select_n3A_1283 : vector<32x320xf32> to vector<1x32x320xf32>
      tpu.vector_store %arg9[%swap3A_1284, %swap3A_1285, %swap3A_1286], %swap3A_1289 {strides = array<i32>} : memref<32x32x320xf32, #tpu.memory_space<vmem>>, vector<1x32x320xf32>,
      %mul3A_1290 = arith.constant 32 : i32
      %mul3A_1291 = arith.muli %scan3A_117, %mul3A_1290 : i32
      %add3A_1292 = arith.constant 31 : i32
      %add3A_1293 = arith.addi %mul3A_1291, %add3A_1292 : i32
      %get3A_1294 = arith.index_cast %add3A_1293 : i32 to index
      %get3A_1295 = arith.constant 0 : index
      %get3A_1296 = arith.constant 0 : index
      %get3A_1297 = vector.load %arg8[%get3A_1294, %get3A_1295, %get3A_1296] : memref<36x160x320xbf16, #tpu.memory_space<vmem>>, vector<5x160x320xbf16>
      %reshape3A_1298 = vector.shape_cast %get3A_1297 : vector<5x160x320xbf16> to vector<800x320xbf16>
      %dot_general3A_1299 = arith.constant dense<0.000000e+00> : vector<32x320xf32>
      %dot_general3A_1300 = tpu.matmul %get3A_45, %reshape3A_1298, %dot_general3A_1299 {dimension_numbers = #tpu.dot_dimension_numbers<[1], [0], [0], [1], [0, 0, 1, 1], [], []>, transpose_lhs_hint = false} : vector<32x800xbf16>, vector<800x320xbf16>, vector<32x320xf32> -> vector<32x320xf32>
      %add3A_1301 = arith.addi %mul3A_52, %add3A_1293 : i32
      %get3A_1302 = arith.constant 0 : index
      %get3A_1303 = arith.index_cast %add3A_1301 : i32 to index
      %get3A_1304 = arith.constant 0 : index
      %get3A_1305 = vector.load %arg2[%get3A_1302, %get3A_1303, %get3A_1304] : memref<1x320x320xf32, #tpu.memory_space<vmem>>, vector<1x1x320xf32>
      %get3A_1306 = vector.shape_cast %get3A_1305 : vector<1x1x320xf32> to vector<320xf32>
      %broadcast_in_dim3A_1307 = vector.shape_cast %get3A_1306 : vector<320xf32> to vector<1x320xf32>
      %eq3A_1308 = arith.constant 1.000000e+00 : f32
      %eq3A_1309 = vector.broadcast %eq3A_1308 : f32 to vector<1x320xf32>
      %eq3A_1310 = arith.cmpf oeq, %broadcast_in_dim3A_1307, %eq3A_1309 : vector<1x320xf32>
      %add3A_1311 = arith.constant 2 : i32
      %add3A_1312 = arith.addi %add3A_1301, %add3A_1311 : i32
      %get3A_1313 = arith.index_cast %add3A_1312 : i32 to index
      %get3A_1314 = arith.constant 0 : index
      %get3A_1315 = arith.constant 0 : index
      %get3A_1316 = vector.load %arg7[%get3A_1313, %get3A_1314, %get3A_1315] : memref<324x32x320xbf16, #tpu.memory_space<vmem>>, vector<1x32x320xbf16>
      %get3A_1317 = vector.shape_cast %get3A_1316 : vector<1x32x320xbf16> to vector<32x320xbf16>
      %convert_element_type3A_1318 = arith.extf %get3A_1317 : vector<32x320xbf16> to vector<32x320xf32>
      %broadcast_in_dim3A_1319 = vector.shape_cast %eq3A_1310 : vector<1x320xi1> to vector<1x320xi1>
      %broadcast_in_dim3A_1320 = vector.broadcast %broadcast_in_dim3A_1319 : vector<1x320xi1> to vector<32x320xi1>
      %select_n3A_1321 = arith.select %broadcast_in_dim3A_1320, %convert_element_type3A_1318, %dot_general3A_1300 : vector<32x320xi1>, vector<32x320xf32>
      %swap3A_1322 = arith.index_cast %add3A_1293 : i32 to index
      %swap3A_1323 = arith.constant 0 : index
      %swap3A_1324 = arith.constant 0 : index
      %swap3A_1325 = vector.load %arg9[%swap3A_1322, %swap3A_1323, %swap3A_1324] : memref<32x32x320xf32, #tpu.memory_space<vmem>>, vector<1x32x320xf32>
      %swap3A_1326 = vector.shape_cast %swap3A_1325 : vector<1x32x320xf32> to vector<32x320xf32>
      %swap3A_1327 = vector.shape_cast %select_n3A_1321 : vector<32x320xf32> to vector<1x32x320xf32>
      tpu.vector_store %arg9[%swap3A_1322, %swap3A_1323, %swap3A_1324], %swap3A_1327 {strides = array<i32>} : memref<32x32x320xf32, #tpu.memory_space<vmem>>, vector<1x32x320xf32>,
      %scan3A_1328 = arith.constant 1 : i32
      %dma_start3A_1329 = arith.constant 0 : i32
      %dma_start3A_1330 = arith.constant 0 : i32
      %dma_start3A_1331 = tpu.memref_slice %arg5[%arg0, %mul3A_52, %dma_start3A_1329, %dma_start3A_1330] : memref<4x320x32x320xf32, #tpu.memory_space<any>> -> memref<1x32x32x320xf32, #tpu.memory_space<any>>
      %dma_start3A_1332 = tpu.memref_squeeze %dma_start3A_1331 : memref<1x32x32x320xf32, #tpu.memory_space<any>> -> memref<32x32x320xf32, #tpu.memory_space<any>>
      tpu.enqueue_dma source(%arg9 : memref<32x32x320xf32, #tpu.memory_space<vmem>>) target(%dma_start3A_1332 : memref<32x32x320xf32, #tpu.memory_space<any>>) target_semaphore(%arg11 : memref<!tpu.dma_semaphore, #tpu.memory_space<semaphore_mem>>)
      %dma_wait3A_1333 = arith.constant 0 : i32
      %dma_wait3A_1334 = arith.constant 0 : i32
      %dma_wait3A_1335 = tpu.memref_slice %arg5[%arg0, %mul3A_52, %dma_wait3A_1333, %dma_wait3A_1334] : memref<4x320x32x320xf32, #tpu.memory_space<any>> -> memref<1x32x32x320xf32, #tpu.memory_space<any>>
      %dma_wait3A_1336 = tpu.memref_squeeze %dma_wait3A_1335 : memref<1x32x32x320xf32, #tpu.memory_space<any>> -> memref<32x32x320xf32, #tpu.memory_space<any>>
      tpu.wait_dma2 semaphore(%arg11 : memref<!tpu.dma_semaphore, #tpu.memory_space<semaphore_mem>>) src(%arg9 : memref<32x32x320xf32, #tpu.memory_space<vmem>>) dst(%dma_wait3A_1336 : memref<32x32x320xf32, #tpu.memory_space<any>>)
    }
    %scan3A_50 = arith.constant 10 : i32
    return
  }
  func.func @transform_1(%arg0: i32) -> (i32, i32, i32) {
    %c0_i32 = arith.constant 0 : i32
    %c0_i32_0 = arith.constant 0 : i32
    %c0_i32_1 = arith.constant 0 : i32
    return %arg0, %c0_i32, %c0_i32_0 : i32, i32, i32
  }
  func.func @transform_2(%arg0: i32) -> (i32, i32) {
    %c0_i32 = arith.constant 0 : i32
    %c0_i32_0 = arith.constant 0 : i32
    %c0_i32_1 = arith.constant 0 : i32
    return %c0_i32, %c0_i32_0 : i32, i32
  }
  func.func @transform_3(%arg0: i32) -> (i32, i32) {
    %c0_i32 = arith.constant 0 : i32
    %c0_i32_0 = arith.constant 0 : i32
    %c0_i32_1 = arith.constant 0 : i32
    return %c0_i32, %c0_i32_0 : i32, i32
  }
}

</mosaic_0001>

<sc_bundles>
// kernel: sparse-core-data-format-call.cloned.1.call-start
scs
called_computation_lowered:
.L_overlay_start_0:
0x0: {  	s2 =	sld [smem:$0x3FD9]  }
0x1: {  	s3 =	sld [smem:$0x3FFE];
	_ =	sdelay $0x1  }
0x2: {  	s1 =	srdreg.scid  }
0x3: {  	s0 =	sand.u32 $0x1, s1  }
0x4: {  	s15 =	sshll.u32 s0, $0xA;
	s2 =	sadd.s32 s3, s2  }
0x5: {  	s2 =	sadd.s32 s2, s15  }
0x6: {  	[smem:$0x3FC1] =	sst s2  }
0x7: {  	_ = 	snop  }
0x8: {  	s2 =	sld [smem:$0x3FD0];
	_ =	sdelay $0x2  }
0x9: {  	s16 =	simm.s32 $0xA;
	s4 =	simm.s32 $0x10  }
0xa: {  	[smem:s4], [sflag:s16] =	dma.local [hbm:s2], $0x1  }
0xb: {  	_ =	swait.eq [sflag:s16], $0x1  }
0xc: {  	[sflag:s16] =	ssyncset.done $0x0  }
0xd: {  	[sflag:s16] =	ssyncadd.s32 $0xFFFFFFFF  }
0xe: {  	s17 =	sld [smem:$0x10];
	(tm) =	ssettm $0x1  }
0xf: {  	s18 =	sld [smem:$0x3FFB];
	_ =	sdelay $0x3  }
0x10: {  	_ =	strace s18  }
0x11: {  	s3 =	sld [smem:$0x3FFC];
	_ =	sdelay $0x3  }
0x12: {  	_ =	strace s3  }
0x13: {  	s3 =	sld [smem:$0x3FFD];
	_ =	sdelay $0x3  }
0x14: {  	_ =	strace s3  }
0x15: {  	_ =	strace $0x8FFFFFFF  }
0x16: {  	s19 =	sld [smem:$0x3FDB];
	_ =	sdelay $0x1  }
0x17: {  	s20 =	simm.s32 $_scs_section_size  }
0x18: {  	s5 =	simm.s32 $_size__tile_overlayer_lowered;
	s6 =	simm.s32 $_tile_overlayer_lowered  }
0x19: {  	s23 =	simm.s32 $0x1BFF;
	s22 =	sshll.u32 s6, $0x1;
	s3 =	sadd.s32 s20, s19  }
0x1a: {  	s7 =	simm.s32 $0x0;
	s21 =	sshll.u32 s5, $0x1;
	s5 =	sadd.s32 s22, s3  }
0x1b: {  	[timem:s7], [sflag:s23] =	dma.local [hbm:s5], s21  }
0x1c: {  	_ =	swait.ge [sflag:s23], s21  }
0x1d: {  	s4 =	ssub.s32 $0x0, s21;
	[sflag:s23] =	ssyncset.done $0x0  }
0x1e: {  	[sflag:s23] =	ssyncadd.s32 s4;
	_ =	sdelay $0x1  }
0x1f: {  	s24 =	simm.s32 $0x1B8B  }
0x20: {  	_ =	swait.ge [sflag:s24], $0x1  }
0x21: {  	[sflag:s24] =	ssyncset.done $0x0  }
0x22: {  	s26 =	simm.s32 $0x1B8E;
	s25 =	sld [smem:$0x3FFE];
	[sflag:s24] =	ssyncadd.s32 $0xFFFFFFFF  }
0x23: {  	s27 =	simm.s32 $execute0_lowered;
	[smem:$0x3FD2] =	sst s26  }
0x24: {  	s5 =	sshll.u32 s27, $0x1;
	_ =	strace $0x80000046;
	[dreg:$0x1] =	wrdreg $0xFFFFFFFF  }
0x25: {  	s28 =	simm.s32 $_size_execute0_lowered;
	s3 =	sadd.s32 s3, s5;
	[dreg:$0x0] =	wrdreg $0x0  }
0x26: {  	s5 =	sshll.u32 s28, $0x1;
	[dreg:$0x2] =	wrdreg s3  }
0x27: {  	[dreg:$0x3] =	wrdreg s5  }
0x28: {  	[dreg:$0x4] =	wrdreg $0xC0  }
0x29: {  	_ =	task [dreg:s7], $0x5FFFF  }
0x2a: {  	[dreg:$0x1] =	wrdreg $0xFFFFFFFF  }
0x2b: {  	[dreg:$0x0] =	wrdreg $0x60  }
0x2c: {  	[dreg:$0x2] =	wrdreg s25  }
0x2d: {  	[dreg:$0x3] =	wrdreg s17  }
0x2e: {  	[dreg:$0x4] =	wrdreg $0x9  }
0x2f: {  	_ =	task.clear_ibuf [dreg:s7], $0x5FFFF;
	_ =	strace $0x90000046  }
0x30: {  	s29 =	simm.s32 $0x9;
	_ =	strace $0x80000048  }
0x31: {  	_ =	swait.ge [sflag:s29], $0x1  }
0x32: {  	[sflag:s29] =	ssyncadd.s32 $0xFFFFFFFF  }
0x33: {  	_ =	strace $0x90000048  }
0x34: {  	_ =	sfence  }
0x35: {  	s30 =	sld [smem:$0x0];
	_ =	sdelay $0x2  }
0x36: {  	s31 =	sshll.u32 s1, $0xD;
	s1 =	sshrl.u32 s1, $0x2  }
0x37: {  	s3 =	sand.u32 $0x4000, s31;
	s1 =	sadd.s32 s1, s30  }
0x38: {  	s0 =	sor.u32 s3, s0;
	s1 =	sshll.u32 s1, $0x11  }
0x39: {  	s0 =	sor.u32 s1, s0  }
0x3a: {  	s0 =	sadd.s32 $0x8F2B, s0  }
0x3b: {  	[sflag:s0] =	ssyncadd.remote.s32 $0x1  }
0x3c: {  	_ =	sfence.sel $0xFFFF  }
0x3d: {  	[dreg:$0x0] =	wrdreg $0xFFFFFFFF;
	(pc) =	sbr.abs _section_cstart, $3  }
0x3e: {  	[dreg:$0x1] =	wrdreg $0xFFFFFFFF  }
0x3f: {  	_ =	task.clear_ibuf [dreg:s7], $0x2FFFF;
	_ =	strace $0x9FFFFFFF  }
0x40: {  	(tm) =	ssettm $0x7FFFFFFF  }
0x41: {  	_ =	shalt  }
tec
execute0_lowered:
.L_overlay_start_1:
0x0: {  	(tag) =	ssettag $0x1  }
0x1: {  	s1 =	srdreg.scid  }
0x2: {  	s0 =	stileid.u32;
	s5 =	rddreg [dreg:$0x0];
	s1 =	sshll.u32 s1, $0x4  }
0x3: {  	s9 =	simm.s32 $0x2;
	s20 =	simm.s32 $0x0;
	s1 =	sor.u32 s0, s1  }
0x4: {  	s11 =	simm.s32 $0x300;
	s18 =	simm.s32 $0x0;
	s1 =	sshrl.u32 s1, $0x2  }
0x5: {  	s19 =	simm.s32 $0x0;
	s21 =	simm.s32 $0x0;
	s1 =	sand.u32 $0x6, s1  }
0x6: {  	s22 =	simm.s32 $0x0;
	s2 =	sand.u32 $0x1, s0;
	s3 =	ssub.s32 $0x10, s1  }
0x7: {  	s12 =	simm.s32 $0x0;
	s4 =	ssub.s32 $0x2, s2;
	s6 =	sand.u32 $0x6, s3  }
0x8: {  	s7 =	sshrl.u32 s4, $0x1;
	p0 =	sne.s32 s6, $0x0;
	s6 =	simm.s32 $0x1  }
0x9: {  	s8 =	sand.u32 $0x1, s4;
	s3 =	sshrl.u32 s3, $0x3;
	s6 =	simm.s32 @!p0 $0x0  }
0xa: {  	s14 =	simm.s32 $0x0;
	s7 =	sadd.s32 s8, s7;
	s6 =	sadd.s32 s6, s3  }
0xb: {  	s17 =	simm.s32 $0x0;
	s5 =	sadd.s32 $0xF1200, s5;
	s7 =	smul.u32 s6, s7  }
.Ltmp0:
0xc: {  	s31 =	sshrl.u32 s0, $0x1;
	s4 =	rddreg [dreg:$0x1];
	(pc) =	sbr.rel .LBB1_1-.Ltmp0, $4  }
0xd: {  	s16 =	smov.u32 s2;
	s8 =	sand.u32 $0x3, s31;
	s3 =	rddreg [dreg:$0x2]  }
0xe: {  	_ =	strace $0x80000047;
	s6 =	simm.s32 $0x1;
	s7 =	smul.u32 $0xF, s7  }
0xf: {  	s13 =	smov.u32 s1;
	s15 =	smov.u32 s8;
	[sflag:s6] =	ssyncpa.u1 $0x0  }
0x10: {  	[sflag:s9] =	ssyncpa.u1 $0x0;
	s9 =	sadd.s32 $0x7800, s4;
	s10 =	sadd.s32 $0x1, s7  }
.LBB1_7:
0x11: {  	s23 =	sadd.s32 $0x80, s12  }
0x12: {  	s18 =	sadd.s32 $0x8, s13;
	s24 =	smov.u32 s13;
	p1 =	sgt.s32 s23, $0x13F  }
0x13: {  	s24 =	smov.u32 @p1 s18  }
0x14: {  	s25 =	smov.u32 s14;
	s18 =	sadd.s32 $0x40, s14;
	p2 =	sgt.s32 s24, $0xF  }
0x15: {  	s25 =	smov.u32 @p2 s18  }
0x16: {  	s26 =	smov.u32 s15;
	s18 =	sadd.s32 $0x4, s15;
	p3 =	sgt.s32 s25, $0x13F  }
0x17: {  	p0 =	slt.u32 s17, $0x2;
	s26 =	smov.u32 @p3 s18  }
0x18: {  	s27 =	smov.u32 s16;
	s18 =	sadd.s32 $0x2, s16;
	p4 =	sgt.s32 s26, $0x3  }
0x19: {  	s20 =	smov.u32 s12;
	s19 =	smov.u32 s14;
	s27 =	smov.u32 @p4 s18  }
0x1a: {  	s21 =	smov.u32 s15;
	s23 =	simm.s32 @p1 $0x0;
	p1 =	sgt.s32 s27, $0x1  }
0x1b: {  	s28 =	simm.s32 @!p0 $0x2;
	s27 =	smov.u32 @p1 s2;
	p1 =	sne.s32 s17, s10  }
.Ltmp1:
0x1c: {  	s22 =	smov.u32 s16;
	_ =	swait.ge @!p0 [sflag:s28], $0x4000;
	(pc) =	sbr.rel @!p1 .LBB1_8-.Ltmp1, $4  }
0x1d: {  	[sflag:s28] =	ssyncset.done @!p0 $0x0;
	s12 =	smov.u32 s23;
	s25 =	simm.s32 @p3 $0x0  }
0x1e: {  	s24 =	smov.u32 @p2 s1;
	[sflag:s28] =	ssyncadd.s32 @!p0 $0xFFFFC000;
	s14 =	smov.u32 s25  }
0x1f: {  	s26 =	smov.u32 @p4 s8;
	s18 =	smov.u32 s13;
	s13 =	smov.u32 s24  }
0x20: {  	s15 =	smov.u32 s26;
	s17 =	sadd.s32 $0x1, s17;
	s16 =	smov.u32 s27  }
.LBB1_1:
0x21: {  	p0 =	sge.u32 s17, s7  }
0x22: {  	s23 =	sshrl.u32 @!p0 s13, $0x3  }
0x23: {  	s24 =	sshll.u32 @!p0 s12, $0x3;
	s23 =	smul.u32 @!p0 $0xC00, s23  }
0x24: {  	s25 =	sshll.u32 @!p0 s13, $0x7;
	s24 =	sand.u32 @!p0 $0xFFFFFC00, s24  }
0x25: {  	s23 =	sadd.s32 @!p0 s23, s24;
	s24 =	sand.u32 @!p0 $0x380, s25  }
0x26: {  	s27 =	smul.u32 @!p0 $0xF0000, s16;
	s25 =	sand.u32 @!p0 $0x7F, s12;
	s23 =	sor.u32 @!p0 s24, s23  }
0x27: {  	s28 =	smul.u32 @!p0 $0x3C000, s15;
	s24 =	sor.u32 @!p0 s25, s23  }
0x28: {  	s25 =	smulhi.u32 @!p0 $0xAAAAAAAB, s24  }
0x29: {  	s23 =	smulhi.u32 @!p0 $0xAAAAAAAB, s23  }
0x2a: {  	s31 =	sadd.s32 $0xFFFFFFFF, s17;
	s29 =	smul.u32 @!p0 $0x300, s14;
	s25 =	sshrl.u32 @!p0 s25, $0x8  }
0x2b: {  	s26 =	sxor.u32 @!p0 $0xFFFFFFFF, s17;
	s23 =	sshrl.u32 @!p0 s23, $0x8;
	s25 =	smul.u32 @!p0 $0x180, s25  }
0x2c: {  	s26 =	sshll.u32 @!p0 s26, $0xE;
	s27 =	sadd.s32 @!p0 s5, s27;
	s23 =	sand.u32 @!p0 $0xF, s23  }
0x2d: {  	s23 =	smul.u32 @!p0 $0x30, s23;
	s24 =	ssub.s32 @!p0 s24, s25;
	s25 =	sadd.s32 @!p0 s28, s27  }
0x2e: {  	s26 =	sand.u32 @!p0 $0x4000, s26;
	s25 =	sadd.s32 @!p0 s29, s25;
	s27 =	sand.u32 @!p0 $0x7, s24  }
0x2f: {  	s24 =	sshrl.u32 @!p0 s24, $0x3;
	s23 =	sadd.s32 @!p0 s23, s25;
	s25 =	sshll.u32 @!p0 s27, $0x12  }
0x30: {  	s23 =	sadd.s32 @!p0 s24, s23;
	s24 =	sor.u32 @!p0 $0x100, s25;
	s25 =	simm.s32 @!p0 $0x1800  }
0x31: {  	[tilespmem:s26], [sflag:$0x1] =	stream.strided.gather @!p0 [hbm4b:s23+s24], $0x4000, s25, s24, $0x38;
	[tilespmem:$0x10000] =	vst v63  }
0x32: {  	p0 =	sge.u32 s31, s7  }
.Ltmp2:
0x33: {  	_ = 	snop;
	(pc) =	sbr.rel @p0 .LBB1_7-.Ltmp2, $1  }
0x34: {  	_ =	sdelay $0x3  }
0x35: {  	_ =	swait.ge [sflag:s6], $0x4000;
	s23 =	sshll.u32 s17, $0xE  }
0x36: {  	[sflag:s6] =	ssyncset.done $0x0;
	s23 =	sand.u32 $0x4000, s23  }
0x37: {  	s25 =	simm.s32 $0x0;
	[sflag:s6] =	ssyncadd.s32 $0xFFFFC000;
	s24 =	sor.u32 $0x8000, s23  }
.LBB1_3:
0x38: {  	s26 =	sshll.u32 s25, $0x8  }
0x39: {  	s26 =	sand.u32 $0x3FFFFF00, s26  }
0x3a: {  	s27 =	sshll.u32 s25, $0x7;
	s26 =	sadd.s32 s26, s23  }
0x3b: {  	s27 =	sand.u32 $0x3FFFFF80, s27;
	v0 =	vmov s26  }
0x3c: {  	s27 =	sadd.s32 s27, s24  }
0x3d: {  	p0 =	por $0x1, $0x1;
	v1 =	vmov s27;
	s26 =	simm.s32 $0x0  }
.LBB1_4:
0x3e: {  	s27 =	sshll.u32 s26, $0x7  }
0x3f: {  	s27 =	sand.u32 $0x3FFFFF80, s27  }
0x40: {  	v2 =	vld.idx.msk [tilespmem:v0+s27+$0x0 ss:$0x1], $0xffff  }
0x41: {  	v3 =	vld.idx.msk [tilespmem:v0+s27+$0x10 ss:$0x1], $0xffff  }
0x42: {  	v4 =	vld.idx.msk [tilespmem:v0+s27+$0x20 ss:$0x1], $0xffff  }
0x43: {  	s31 =	sshll.u32 s26, $0xD;
	v5 =	vld.idx.msk [tilespmem:v0+s27+$0x30 ss:$0x1], $0xffff  }
0x44: {  	s26 =	sand.u32 $0x3FFFE000, s31;
	v6 =	vld.idx.msk [tilespmem:v0+s27+$0x40 ss:$0x1], $0xffff  }
0x45: {  	v63 =	vld.idx.msk [tilespmem:v0+s27+$0x70 ss:$0x1], $0xffff;
	[tilespmem:v1+s26+$0x0 ss:$0x1] =	vst.idx.msk $0xffff, v2  }
0x46: {  	v2 =	vld.idx.msk [tilespmem:v0+s27+$0x50 ss:$0x1], $0xffff;
	[tilespmem:v1+s26+$0x10 ss:$0x1] =	vst.idx.msk $0xffff, v3  }
0x47: {  	p1 =	por p0, p0;
	v3 =	vld.idx.msk [tilespmem:v0+s27+$0x60 ss:$0x1], $0xffff;
	[tilespmem:v1+s26+$0x20 ss:$0x1] =	vst.idx.msk $0xffff, v4  }
.Ltmp3:
0x48: {  	[tilespmem:v1+s26+$0x30 ss:$0x1] =	vst.idx.msk $0xffff, v5;
	(pc) =	sbr.rel @p1 .LBB1_4-.Ltmp3, $4  }
0x49: {  	[tilespmem:v1+s26+$0x40 ss:$0x1] =	vst.idx.msk $0xffff, v6  }
0x4a: {  	[tilespmem:v1+s26+$0x70 ss:$0x1] =	vst.idx.msk $0xffff, v63  }
0x4b: {  	[tilespmem:v1+s26+$0x50 ss:$0x1] =	vst.idx.msk $0xffff, v2  }
0x4c: {  	p0 =	por $0x0, $0x0;
	[tilespmem:v1+s26+$0x60 ss:$0x1] =	vst.idx.msk $0xffff, v3;
	s26 =	simm.s32 $0x1  }
0x4d: {  	s25 =	sadd.s32 $0x1, s25  }
0x4e: {  	p0 =	sne.s32 s25, $0x40  }
.Ltmp4:
0x4f: {  	_ = 	snop;
	(pc) =	sbr.rel @p0 .LBB1_3-.Ltmp4, $1  }
0x50: {  	_ =	sdelay $0x3  }
0x51: {  	s25 =	sshrl.u32 s22, $0x1  }
0x52: {  	s26 =	sshll.u32 s20, $0x1;
	s25 =	smul.u32 $0x300, s25  }
0x53: {  	s31 =	sshll.u32 s22, $0x7;
	s26 =	sand.u32 $0xFFFFFF00, s26  }
0x54: {  	s22 =	sand.u32 $0x80, s31;
	s25 =	sadd.s32 s25, s26  }
0x55: {  	s27 =	sand.u32 $0x7F, s20;
	s21 =	smul.u32 $0x78000, s21;
	s22 =	sor.u32 s22, s25  }
0x56: {  	s20 =	sor.u32 s27, s22;
	s22 =	smulhi.u32 $0xAAAAAAAB, s22  }
0x57: {  	s28 =	smulhi.u32 $0xAAAAAAAB, s20  }
0x58: {  	s19 =	smul.u32 $0x60, s19  }
0x59: {  	s18 =	smul.u32 $0x7800, s18;
	s22 =	sshrl.u32 s22, $0x8;
	s25 =	sshrl.u32 s28, $0x8  }
0x5a: {  	s22 =	sand.u32 $0x1, s22;
	s25 =	smul.u32 $0x180, s25  }
0x5b: {  	s29 =	sadd.s32 s4, s21;
	s21 =	sadd.s32 s21, s9;
	p0 =	seq.s32 s22, $0x1  }
0x5c: {  	s22 =	simm.s32 $0x30;
	s20 =	ssub.s32 s20, s25;
	s25 =	sadd.s32 s19, s29  }
0x5d: {  	s22 =	simm.s32 @!p0 $0x0;
	s19 =	sadd.s32 s19, s21;
	s25 =	sadd.s32 s18, s25  }
0x5e: {  	s30 =	sand.u32 $0x7, s20;
	s20 =	sshrl.u32 s20, $0x3;
	s18 =	sadd.s32 s18, s19  }
.Ltmp5:
0x5f: {  	s25 =	sadd.s32 s22, s25;
	s26 =	sshll.u32 s30, $0x12;
	(pc) =	sbr.rel .LBB1_7-.Ltmp5, $4  }
0x60: {  	s18 =	sadd.s32 s22, s18;
	s25 =	sadd.s32 s20, s25;
	s26 =	sor.u32 $0x80, s26  }
0x61: {  	[hbm4b:s25+s26] =	stream.strided.scatter [tilespmem:s24], [sflag:$0x2], $0x2000, s11, s26, $0x38;
	[tilespmem:$0x10000] =	vst v63  }
0x62: {  	s31 =	sadd.s32 $0xA000, s23;
	s18 =	sadd.s32 s20, s18  }
0x63: {  	[hbm4b:s18+s26] =	stream.strided.scatter [tilespmem:s31], [sflag:$0x2], $0x2000, s11, s26, $0x38;
	[tilespmem:$0x10000] =	vst v63  }
.LBB1_8:
0x64: {  	_ =	sfence.sel $0x180000  }
0x65: {  	s1 =	simm.s32 $0x1;
	[bflag:$0x0] =	sbarrier.arrive $0xFFFF  }
0x66: {  	s31 =	simm.s32 $0x2;
	[sflag:s1] =	ssyncpa.u1 $0x1  }
0x67: {  	[sflag:s31] =	ssyncpa.u1 $0x1  }
0x68: {  	p0 =	sne.s32 s0, $0x0;
	_ =	strace $0x90000047  }
0x69: {  	s0 =	sadd.s32 @!p0 $0x100000, s3;
	[bflag:$0x2] =	sbarrier.arrive $0xFFFF  }
0x6a: {  	[sflag:s0] =	ssyncadd.tile.s32 @!p0 $0x1;
	_ =	shalt  }
.Lfunc_end1:
_tile_overlayer_lowered:
.L_overlay_start_2:
0x6b: {  	(tag) =	ssettag $0x2  }
0x6c: {  	s0 =	rddreg [dreg:$0x0];
	s2 =	stileid.u32  }
0x6d: {  	s1 =	rddreg [dreg:$0x1];
	p0 =	sne.s32 s2, $0x0  }
0x6e: {  	s3 =	rddreg [dreg:$0x2];
	[bflag:$0x3] =	sbarrier.arrive $0xFFFF;
	s2 =	simm.s32 @!p0 $0x1C01  }
0x6f: {  	[timem:s3], [sflag:s2] =	dma.local @!p0 [hbm:s0], s1  }
0x70: {  	s0 =	simm.s32 @!p0 $0x1  }
0x71: {  	_ =	swait.ge @!p0 [sflag:s0], s1  }
0x72: {  	s1 =	ssub.s32 @!p0 $0x0, s1;
	[sflag:s0] =	ssyncset.done @!p0 $0x0  }
0x73: {  	[sflag:s0] =	ssyncadd.s32 @!p0 s1  }
0x74: {  	[bflag:$0x3] =	sbarrier.arrive $0xFFFF  }
0x75: {  	_ =	shalt  }

</sc_bundles>
